<compile_context>
chip_gen: v7x
topology: tpu7x:2x2x1
jax: 0.10.2.dev20260603
libtpu: 0.0.44.dev20260713+nightly
codegen_flags: <defaults>
</compile_context>

<pallas_src>
import functools

import jax
import jax.numpy as jnp
from jax import lax
from jax.experimental import pallas as pl
from jax.experimental.pallas import tpu as pltpu
from jax.experimental.pallas import tpu_sc as plsc

BN_EPS = 1e-5
NUM_G = 8
NC = 2
NS = 16
NW = NC * NS



CHUNK = 125
SB = 20
NSTRIP = 4


@functools.lru_cache(maxsize=None)
def _make_sc_aggregate(n, d):
    mesh = plsc.VectorSubcoreMesh(
        core_axis_name="c", subcore_axis_name="s", num_cores=NC,
        num_subcores=NS)
    rpt = ((n // NS) // 8) * 8
    rlast = n - rpt * (NS - 1)

    @functools.partial(
        pl.kernel,
        mesh=mesh,
        out_type=jax.ShapeDtypeStruct((NC, n, d), jnp.float32),
        scratch_types=[
            pltpu.VMEM_SHARED((n, d), jnp.float32),
            pltpu.VMEM((SB, CHUNK), jnp.int32),
            pltpu.VMEM((SB, CHUNK), jnp.int32),
            pltpu.VMEM((SB, CHUNK), jnp.int32),
            pltpu.VMEM((SB, CHUNK), jnp.int32),
            pltpu.VMEM((CHUNK, d), jnp.float32),
            pltpu.VMEM((CHUNK, d), jnp.float32),
            pltpu.SemaphoreType.DMA,
            pltpu.SemaphoreType.DMA,
            pltpu.SemaphoreType.DMA,
            pltpu.SemaphoreType.DMA,
            pltpu.SemaphoreType.DMA,
            pltpu.SemaphoreType.DMA,
        ],
    )
    def sc_agg(h_hbm, ei_hbm, zero_hbm, out_hbm,
               acc_s, sia_v, dia_v, sib_v, dib_v, rows0_v, rows1_v,
               sem_sa, sem_da, sem_sb, sem_db, semg0, semg1):
        c = lax.axis_index("c")
        s = lax.axis_index("s")
        wid = s * NC + c

        pltpu.async_copy(ei_hbm.at[0, wid, 0], sia_v, sem_sa)
        pltpu.async_copy(ei_hbm.at[1, wid, 0], dia_v, sem_da)
        pltpu.async_copy(ei_hbm.at[0, wid, 1], sib_v, sem_sb)
        pltpu.async_copy(ei_hbm.at[1, wid, 1], dib_v, sem_db)

        init_hbm = [h_hbm, zero_hbm]

        for cc in range(NC):
            @pl.when(jnp.logical_and(c == cc, s < NS - 1))
            def _(cc=cc):
                pltpu.sync_copy(init_hbm[cc].at[pl.ds(s * rpt, rpt)],
                                acc_s.at[pl.ds(s * rpt, rpt)])

            @pl.when(jnp.logical_and(c == cc, s == NS - 1))
            def _(cc=cc):
                pltpu.sync_copy(init_hbm[cc].at[pl.ds((NS - 1) * rpt, rlast)],
                                acc_s.at[pl.ds((NS - 1) * rpt, rlast)])
        plsc.subcore_barrier()

        def strip_proc(si_v, di_v, nxt_si, tail_gate, tail_sem):
            def inner(u, carry):
                k = 2 * u
                pltpu.make_async_copy(
                    h_hbm.at[si_v.at[0]], rows0_v, semg0).wait()
                pltpu.sync_copy(rows0_v, acc_s.at[di_v.at[k]], add=True)

                @pl.when(k + 2 < SB)
                def _():
                    pltpu.async_copy(h_hbm.at[si_v.at[k + 2]], rows0_v, semg0)

                @pl.when(jnp.logical_and(k + 2 >= SB, tail_gate))
                def _():
                    pltpu.make_async_copy(
                        ei_hbm.at[0, wid, 0], nxt_si, tail_sem).wait()
                    pltpu.async_copy(h_hbm.at[nxt_si.at[0]], rows0_v, semg0)

                pltpu.make_async_copy(
                    h_hbm.at[si_v.at[1]], rows1_v, semg1).wait()
                pltpu.sync_copy(rows1_v, acc_s.at[di_v.at[k + 1]], add=True)

                @pl.when(k + 3 < SB)
                def _():
                    pltpu.async_copy(h_hbm.at[si_v.at[k + 3]], rows1_v, semg1)

                @pl.when(jnp.logical_and(k + 3 >= SB, tail_gate))
                def _():
                    pltpu.async_copy(h_hbm.at[nxt_si.at[1]], rows1_v, semg1)

                return carry

            lax.fori_loop(0, SB // 2, inner, 0)

        def outer(t, carry):
            st = 2 * t
            strip_proc(sia_v, dia_v, sib_v, st + 1 < NSTRIP, sem_sb)
            pltpu.make_async_copy(ei_hbm.at[1, wid, 0], dib_v, sem_db).wait()

            @pl.when(st + 2 < NSTRIP)
            def _():
                pltpu.async_copy(ei_hbm.at[0, wid, st + 2], sia_v, sem_sa)
                pltpu.async_copy(ei_hbm.at[1, wid, st + 2], dia_v, sem_da)

            strip_proc(sib_v, dib_v, sia_v, st + 2 < NSTRIP, sem_sa)

            @pl.when(st + 2 < NSTRIP)
            def _():
                pltpu.make_async_copy(
                    ei_hbm.at[1, wid, 0], dia_v, sem_da).wait()

            @pl.when(st + 3 < NSTRIP)
            def _():
                pltpu.async_copy(ei_hbm.at[0, wid, st + 3], sib_v, sem_sb)
                pltpu.async_copy(ei_hbm.at[1, wid, st + 3], dib_v, sem_db)

            return carry

        pltpu.make_async_copy(ei_hbm.at[0, wid, 0], sia_v, sem_sa).wait()
        pltpu.make_async_copy(ei_hbm.at[1, wid, 0], dia_v, sem_da).wait()
        pltpu.async_copy(h_hbm.at[sia_v.at[0]], rows0_v, semg0)
        pltpu.async_copy(h_hbm.at[sia_v.at[1]], rows1_v, semg1)
        lax.fori_loop(0, NSTRIP // 2, outer, 0)
        plsc.subcore_barrier()

        @pl.when(s < NS - 1)
        def _():
            pltpu.sync_copy(acc_s.at[pl.ds(s * rpt, rpt)],
                            out_hbm.at[c, pl.ds(s * rpt, rpt)])

        @pl.when(s == NS - 1)
        def _():
            pltpu.sync_copy(acc_s.at[pl.ds((NS - 1) * rpt, rlast)],
                            out_hbm.at[c, pl.ds((NS - 1) * rpt, rlast)])

    return sc_agg



def _bn_relu(h, g, be, n):
    mu = jnp.sum(h, axis=0, keepdims=True) * (1.0 / n)
    dlt = h - mu
    var = jnp.sum(dlt * dlt, axis=0, keepdims=True) * (1.0 / n)
    return jnp.maximum(g * dlt * lax.rsqrt(var + BN_EPS) + be, 0.0)


def _block0_body(x_ref, w_ref, b_ref, g_ref, be_ref, o_ref):
    n = x_ref.shape[0]
    h = jnp.dot(x_ref[...], w_ref[...], preferred_element_type=jnp.float32)
    o_ref[...] = _bn_relu(h + b_ref[...], g_ref[...], be_ref[...], n)


def _conv_body(a0_ref, a1_ref, w_ref, b_ref, g_ref, be_ref, o_ref):
    n = a0_ref.shape[0]
    t = a0_ref[...] + a1_ref[...]
    h = jnp.dot(t, w_ref[...], preferred_element_type=jnp.float32)
    o_ref[...] = _bn_relu(h + b_ref[...], g_ref[...], be_ref[...], n)


def _sigmoid(x):
    return 1.0 / (1.0 + jnp.exp(-x))


def _head_body(a0_ref, a1_ref, wc_ref, bc_ref, gc_ref, bec_ref,
               w1_ref, b1_ref, g1_ref, be1_ref,
               w2_ref, b2_ref, g2_ref, be2_ref,
               w3_ref, b3_ref, batch_ref,
               pooled_ref, node_ref):
    n = a0_ref.shape[0]
    t = a0_ref[...] + a1_ref[...]
    h = jnp.dot(t, wc_ref[...], preferred_element_type=jnp.float32)
    h = _bn_relu(h + bc_ref[...], gc_ref[...], bec_ref[...], n)
    m = jnp.dot(h, w1_ref[...], preferred_element_type=jnp.float32)
    m = _bn_relu(m + b1_ref[...], g1_ref[...], be1_ref[...], n)
    m = jnp.dot(m, w2_ref[...], preferred_element_type=jnp.float32)
    m = _bn_relu(m + b2_ref[...], g2_ref[...], be2_ref[...], n)
    node = jnp.dot(m, w3_ref[...], preferred_element_type=jnp.float32)
    node = node + b3_ref[...]
    gid = lax.broadcasted_iota(jnp.int32, (n, NUM_G), 1)
    mask = batch_ref[...] == gid
    vals = jnp.where(mask, node, -jnp.inf)
    pooled = jnp.max(vals, axis=0, keepdims=True)
    pooled_ref[...] = _sigmoid(pooled)
    node_ref[...] = _sigmoid(node)



def kernel(x, params, edge_index, batch):
    n, d = x.shape
    e = edge_index.shape[1]
    assert e % NW == 0
    epw = e // NW
    assert epw == NSTRIP * SB * CHUNK, "edge partitioning must be exact"

    ei = edge_index.reshape(2, NW, NSTRIP, SB, CHUNK)
    zero = jnp.zeros((n, d), jnp.float32)
    sc_agg = _make_sc_aggregate(n, d)

    def row(v):
        return v.reshape(1, -1)

    p = params['first']
    h = pl.pallas_call(
        _block0_body,
        out_shape=jax.ShapeDtypeStruct((n, d), jnp.float32),
    )(x, p['W'], row(p['b']), row(p['g']), row(p['be']))

    agg = sc_agg(h, ei, zero)
    p = params['conv0']
    h = pl.pallas_call(
        _conv_body,
        out_shape=jax.ShapeDtypeStruct((n, d), jnp.float32),
    )(agg[0], agg[1], p['W'], row(p['b']), row(p['g']), row(p['be']))

    agg = sc_agg(h, ei, zero)
    pc = params['conv1']
    pm = params['mlp']
    pooled, node = pl.pallas_call(
        _head_body,
        out_shape=[
            jax.ShapeDtypeStruct((1, NUM_G), jnp.float32),
            jax.ShapeDtypeStruct((n, 1), jnp.float32),
        ],
    )(agg[0], agg[1], pc['W'], row(pc['b']), row(pc['g']), row(pc['be']),
      pm['W1'], row(pm['b1']), row(pm['g1']), row(pm['be1']),
      pm['W2'], row(pm['b2']), row(pm['g2']), row(pm['be2']),
      pm['W3'], row(pm['b3']), batch.reshape(n, 1))

    return pooled.reshape(NUM_G, 1), node

# --- scband reference (transcript-rebuilt; emitter-appended) ---
"""Pipeline reference for scband-gnnmlpv4-25228637896957 (READ-ONLY COPY).

The authoritative reference and input builder live on the scoring server;
editing this copy changes nothing except your own understanding.
"""

import jax, jax.numpy as jnp
import numpy as np

N = 10000
E = 320000
D_FEAT = 128
HID = 128
NUM_GRAPHS = 8
BN_EPS = 1e-5


def _lin_init(key, fan_in, fan_out):
    k1, k2 = jax.random.split(key)
    bound = 1.0 / np.sqrt(fan_in)
    W = jax.random.uniform(k1, (fan_in, fan_out), minval=-bound, maxval=bound, dtype=jnp.float32)
    b = jax.random.uniform(k2, (fan_out,), minval=-bound, maxval=bound, dtype=jnp.float32)
    return W, b


def setup_inputs(seed: int = 0):
    key = jax.random.key(seed)
    ks = jax.random.split(key, 12)
    x = jax.random.normal(ks[0], (N, D_FEAT), dtype=jnp.float32)
    edge_index = jax.random.randint(ks[1], (2, E), 0, N, dtype=jnp.int32)
    batch = jnp.sort(jax.random.randint(ks[2], (N,), 0, NUM_GRAPHS, dtype=jnp.int32))
    params = {}
    W, b = _lin_init(ks[3], D_FEAT, HID)
    params['first'] = {'W': W, 'b': b, 'g': jnp.ones((HID,), jnp.float32), 'be': jnp.zeros((HID,), jnp.float32)}
    for i, k in enumerate([ks[4], ks[5]]):
        W, b = _lin_init(k, HID, HID)
        params['conv%d' % i] = {'W': W, 'b': b, 'g': jnp.ones((HID,), jnp.float32), 'be': jnp.zeros((HID,), jnp.float32)}
    W1, b1 = _lin_init(ks[6], HID, HID)
    W2, b2 = _lin_init(ks[7], HID, HID)
    W3, b3 = _lin_init(ks[8], HID, 1)
    params['mlp'] = {'W1': W1, 'b1': b1, 'g1': jnp.ones((HID,), jnp.float32), 'be1': jnp.zeros((HID,), jnp.float32),
                     'W2': W2, 'b2': b2, 'g2': jnp.ones((HID,), jnp.float32), 'be2': jnp.zeros((HID,), jnp.float32),
                     'W3': W3, 'b3': b3}
    return {'x': x, 'params': params, 'edge_index': edge_index, 'batch': batch}


def _bn(h, g, be):
    mu = jnp.mean(h, axis=0, keepdims=True)
    var = jnp.var(h, axis=0, keepdims=True)
    return g * (h - mu) / jnp.sqrt(var + BN_EPS) + be


def _block(h, p):
    h = h @ p['W'] + p['b']
    return jax.nn.relu(_bn(h, p['g'], p['be']))


def _forward(x, params, edge_index, batch):
    src = edge_index[0]
    dst = edge_index[1]
    # layer 0: first_h = Linear -> BatchNorm -> ReLU
    h = _block(x, params['first'])
    # layers 1..2: GINConv (eps=0): nn(x + sum_{j in N(i)} x_j)
    for i in range(2):
        agg = jnp.zeros_like(h).at[dst].add(h[src])
        h = _block(h + agg, params['conv%d' % i])
    # final layer: MLP head (Linear->BN->ReLU) x2 + Linear, then max-pool per graph
    p = params['mlp']
    m = jax.nn.relu(_bn(h @ p['W1'] + p['b1'], p['g1'], p['be1']))
    m = jax.nn.relu(_bn(m @ p['W2'] + p['b2'], p['g2'], p['be2']))
    node_pred = m @ p['W3'] + p['b3']
    pooled = jax.ops.segment_max(node_pred, batch, num_segments=NUM_GRAPHS)
    # label_dim == 1 and scale=False, temper=None -> sigmoid both outputs
    return jax.nn.sigmoid(pooled), jax.nn.sigmoid(node_pred)


def reference(x, params, edge_index, batch):
    return _forward(x, params, edge_index, batch)

if __name__ == "__main__":
    import jax
    _d = setup_inputs()
    print(jax.jit(kernel)(*tuple(_d.values())))

</pallas_src>

<mosaic_0001>
#map = affine_map<(d0, d1) -> (0, 0)>
#map1 = affine_map<(d0, d1) -> (0, 0, 0, 0, 0)>
#map2 = affine_map<(d0, d1) -> (0, 0, 0)>
module attributes {stable_mosaic.version = 14 : i64} {
  func.func @sc_agg(%arg0: i32, %arg1: i32, %arg2: memref<10000x128xf32, #tpu.memory_space<hbm>>, %arg3: memref<2x32x4x20x125xi32, #tpu.memory_space<hbm>>, %arg4: memref<10000x128xf32, #tpu.memory_space<hbm>>, %arg5: memref<2x10000x128xf32, #tpu.memory_space<hbm>>, %arg6: memref<10000x128xf32, #tpu.memory_space<vmem_shared>>, %arg7: memref<20x125xi32, #tpu.memory_space<vmem>>, %arg8: memref<20x125xi32, #tpu.memory_space<vmem>>, %arg9: memref<20x125xi32, #tpu.memory_space<vmem>>, %arg10: memref<20x125xi32, #tpu.memory_space<vmem>>, %arg11: memref<125x128xf32, #tpu.memory_space<vmem>>, %arg12: memref<125x128xf32, #tpu.memory_space<vmem>>, %arg13: memref<!tpu.dma_semaphore, #tpu.memory_space<semaphore_mem>>, %arg14: memref<!tpu.dma_semaphore, #tpu.memory_space<semaphore_mem>>, %arg15: memref<!tpu.dma_semaphore, #tpu.memory_space<semaphore_mem>>, %arg16: memref<!tpu.dma_semaphore, #tpu.memory_space<semaphore_mem>>, %arg17: memref<!tpu.dma_semaphore, #tpu.memory_space<semaphore_mem>>, %arg18: memref<!tpu.dma_semaphore, #tpu.memory_space<semaphore_mem>>) attributes {dimension_semantics = [#tpu.dimension_semantics<core_parallel>, #tpu.dimension_semantics<subcore_parallel>], iteration_bounds = array<i64: 2, 16>, scalar_prefetch = 0 : i64, scratch_operands = 13 : i64, tpu.core_type = #tpu.core_type<sc_vector_subcore>, window_params = [{transform_indices = #map}, {transform_indices = #map1}, {transform_indices = #map}, {transform_indices = #map2}]} {
    %mul3A = arith.constant 2 : i32
    %mul3A_0 = arith.muli %arg1, %mul3A : i32
    %add3A = arith.addi %mul3A_0, %arg0 : i32
    %dma_start3A = arith.constant 0 : i32
    %dma_start3A_1 = arith.constant 0 : i32
    %dma_start3A_2 = arith.constant 0 : i32
    %dma_start3A_3 = arith.constant 0 : i32
    %dma_start3A_4 = tpu.memref_slice %arg3[%dma_start3A, %add3A, %dma_start3A_1, %dma_start3A_2, %dma_start3A_3] : memref<2x32x4x20x125xi32, #tpu.memory_space<hbm>> -> memref<1x1x1x20x125xi32, #tpu.memory_space<hbm>>
    %dma_start3A_5 = tpu.memref_squeeze %dma_start3A_4 : memref<1x1x1x20x125xi32, #tpu.memory_space<hbm>> -> memref<20x125xi32, #tpu.memory_space<hbm>>
    %dma_start3A_6 = arith.constant 0 : i32
    %dma_start3A_7 = arith.constant 0 : i32
    %dma_start3A_8 = tpu.memref_slice %arg3[%dma_start3A, %add3A, %dma_start3A_1, %dma_start3A_6, %dma_start3A_7] : memref<2x32x4x20x125xi32, #tpu.memory_space<hbm>> -> memref<1x1x1x20x125xi32, #tpu.memory_space<hbm>>
    %dma_start3A_9 = tpu.memref_squeeze %dma_start3A_8 : memref<1x1x1x20x125xi32, #tpu.memory_space<hbm>> -> memref<20x125xi32, #tpu.memory_space<hbm>>
    tpu.enqueue_dma source(%dma_start3A_9 : memref<20x125xi32, #tpu.memory_space<hbm>>) target(%arg7 : memref<20x125xi32, #tpu.memory_space<vmem>>) target_semaphore(%arg13 : memref<!tpu.dma_semaphore, #tpu.memory_space<semaphore_mem>>)
    %dma_start3A_10 = arith.constant 1 : i32
    %dma_start3A_11 = arith.constant 0 : i32
    %dma_start3A_12 = arith.constant 0 : i32
    %dma_start3A_13 = arith.constant 0 : i32
    %dma_start3A_14 = tpu.memref_slice %arg3[%dma_start3A_10, %add3A, %dma_start3A_11, %dma_start3A_12, %dma_start3A_13] : memref<2x32x4x20x125xi32, #tpu.memory_space<hbm>> -> memref<1x1x1x20x125xi32, #tpu.memory_space<hbm>>
    %dma_start3A_15 = tpu.memref_squeeze %dma_start3A_14 : memref<1x1x1x20x125xi32, #tpu.memory_space<hbm>> -> memref<20x125xi32, #tpu.memory_space<hbm>>
    %dma_start3A_16 = arith.constant 0 : i32
    %dma_start3A_17 = arith.constant 0 : i32
    %dma_start3A_18 = tpu.memref_slice %arg3[%dma_start3A_10, %add3A, %dma_start3A_11, %dma_start3A_16, %dma_start3A_17] : memref<2x32x4x20x125xi32, #tpu.memory_space<hbm>> -> memref<1x1x1x20x125xi32, #tpu.memory_space<hbm>>
    %dma_start3A_19 = tpu.memref_squeeze %dma_start3A_18 : memref<1x1x1x20x125xi32, #tpu.memory_space<hbm>> -> memref<20x125xi32, #tpu.memory_space<hbm>>
    tpu.enqueue_dma source(%dma_start3A_19 : memref<20x125xi32, #tpu.memory_space<hbm>>) target(%arg8 : memref<20x125xi32, #tpu.memory_space<vmem>>) target_semaphore(%arg14 : memref<!tpu.dma_semaphore, #tpu.memory_space<semaphore_mem>>)
    %dma_start3A_20 = arith.constant 0 : i32
    %dma_start3A_21 = arith.constant 1 : i32
    %dma_start3A_22 = arith.constant 0 : i32
    %dma_start3A_23 = arith.constant 0 : i32
    %dma_start3A_24 = tpu.memref_slice %arg3[%dma_start3A_20, %add3A, %dma_start3A_21, %dma_start3A_22, %dma_start3A_23] : memref<2x32x4x20x125xi32, #tpu.memory_space<hbm>> -> memref<1x1x1x20x125xi32, #tpu.memory_space<hbm>>
    %dma_start3A_25 = tpu.memref_squeeze %dma_start3A_24 : memref<1x1x1x20x125xi32, #tpu.memory_space<hbm>> -> memref<20x125xi32, #tpu.memory_space<hbm>>
    %dma_start3A_26 = arith.constant 0 : i32
    %dma_start3A_27 = arith.constant 0 : i32
    %dma_start3A_28 = tpu.memref_slice %arg3[%dma_start3A_20, %add3A, %dma_start3A_21, %dma_start3A_26, %dma_start3A_27] : memref<2x32x4x20x125xi32, #tpu.memory_space<hbm>> -> memref<1x1x1x20x125xi32, #tpu.memory_space<hbm>>
    %dma_start3A_29 = tpu.memref_squeeze %dma_start3A_28 : memref<1x1x1x20x125xi32, #tpu.memory_space<hbm>> -> memref<20x125xi32, #tpu.memory_space<hbm>>
    tpu.enqueue_dma source(%dma_start3A_29 : memref<20x125xi32, #tpu.memory_space<hbm>>) target(%arg9 : memref<20x125xi32, #tpu.memory_space<vmem>>) target_semaphore(%arg15 : memref<!tpu.dma_semaphore, #tpu.memory_space<semaphore_mem>>)
    %dma_start3A_30 = arith.constant 1 : i32
    %dma_start3A_31 = arith.constant 1 : i32
    %dma_start3A_32 = arith.constant 0 : i32
    %dma_start3A_33 = arith.constant 0 : i32
    %dma_start3A_34 = tpu.memref_slice %arg3[%dma_start3A_30, %add3A, %dma_start3A_31, %dma_start3A_32, %dma_start3A_33] : memref<2x32x4x20x125xi32, #tpu.memory_space<hbm>> -> memref<1x1x1x20x125xi32, #tpu.memory_space<hbm>>
    %dma_start3A_35 = tpu.memref_squeeze %dma_start3A_34 : memref<1x1x1x20x125xi32, #tpu.memory_space<hbm>> -> memref<20x125xi32, #tpu.memory_space<hbm>>
    %dma_start3A_36 = arith.constant 0 : i32
    %dma_start3A_37 = arith.constant 0 : i32
    %dma_start3A_38 = tpu.memref_slice %arg3[%dma_start3A_30, %add3A, %dma_start3A_31, %dma_start3A_36, %dma_start3A_37] : memref<2x32x4x20x125xi32, #tpu.memory_space<hbm>> -> memref<1x1x1x20x125xi32, #tpu.memory_space<hbm>>
    %dma_start3A_39 = tpu.memref_squeeze %dma_start3A_38 : memref<1x1x1x20x125xi32, #tpu.memory_space<hbm>> -> memref<20x125xi32, #tpu.memory_space<hbm>>
    tpu.enqueue_dma source(%dma_start3A_39 : memref<20x125xi32, #tpu.memory_space<hbm>>) target(%arg10 : memref<20x125xi32, #tpu.memory_space<vmem>>) target_semaphore(%arg16 : memref<!tpu.dma_semaphore, #tpu.memory_space<semaphore_mem>>)
    %eq3A = arith.constant 0 : i32
    %eq3A_40 = arith.cmpi eq, %arg0, %eq3A : i32
    %lt3A = arith.constant 15 : i32
    %lt3A_41 = arith.cmpi slt, %arg1, %lt3A : i32
    %and3A = arith.andi %eq3A_40, %lt3A_41 : i1
    %convert_element_type3A = arith.extui %and3A : i1 to i32
    %cond3A = arith.constant 0 : i32
    %cond3A_42 = arith.cmpi ne, %convert_element_type3A, %cond3A : i32
    scf.if %cond3A_42 {
      %mul3A_116 = arith.constant 624 : i32
      %mul3A_117 = arith.muli %arg1, %mul3A_116 : i32
      %mul3A_118 = arith.constant 624 : i32
      %mul3A_119 = arith.muli %arg1, %mul3A_118 : i32
      "tpu.region"() ({
        %run_scoped3A = tpu.sem_alloc : memref<!tpu.dma_semaphore, #tpu.memory_space<semaphore_mem>>
        %dma_start3A_120 = arith.constant 0 : i32
        %dma_start3A_121 = tpu.memref_slice %arg6[%mul3A_119, %dma_start3A_120] : memref<10000x128xf32, #tpu.memory_space<vmem_shared>> -> memref<624x128xf32, #tpu.memory_space<vmem_shared>>
        %dma_start3A_122 = arith.constant 0 : i32
        %dma_start3A_123 = tpu.memref_slice %arg2[%mul3A_117, %dma_start3A_122] : memref<10000x128xf32, #tpu.memory_space<hbm>> -> memref<624x128xf32, #tpu.memory_space<hbm>>
        tpu.enqueue_dma source(%dma_start3A_123 : memref<624x128xf32, #tpu.memory_space<hbm>>) target(%dma_start3A_121 : memref<624x128xf32, #tpu.memory_space<vmem_shared>>) target_semaphore(%run_scoped3A : memref<!tpu.dma_semaphore, #tpu.memory_space<semaphore_mem>>)
        %dma_wait3A_124 = arith.constant 0 : i32
        %dma_wait3A_125 = tpu.memref_slice %arg6[%mul3A_119, %dma_wait3A_124] : memref<10000x128xf32, #tpu.memory_space<vmem_shared>> -> memref<624x128xf32, #tpu.memory_space<vmem_shared>>
        %dma_wait3A_126 = arith.constant 0 : i32
        %dma_wait3A_127 = tpu.memref_slice %arg2[%mul3A_117, %dma_wait3A_126] : memref<10000x128xf32, #tpu.memory_space<hbm>> -> memref<624x128xf32, #tpu.memory_space<hbm>>
        tpu.wait_dma2 semaphore(%run_scoped3A : memref<!tpu.dma_semaphore, #tpu.memory_space<semaphore_mem>>) src(%dma_wait3A_127 : memref<624x128xf32, #tpu.memory_space<hbm>>) dst(%dma_wait3A_125 : memref<624x128xf32, #tpu.memory_space<vmem_shared>>)
        tpu.yield
      }) : () -> ()
    } else {
    }
    %eq3A_43 = arith.constant 0 : i32
    %eq3A_44 = arith.cmpi eq, %arg0, %eq3A_43 : i32
    %eq3A_45 = arith.constant 15 : i32
    %eq3A_46 = arith.cmpi eq, %arg1, %eq3A_45 : i32
    %and3A_47 = arith.andi %eq3A_44, %eq3A_46 : i1
    %convert_element_type3A_48 = arith.extui %and3A_47 : i1 to i32
    %cond3A_49 = arith.constant 0 : i32
    %cond3A_50 = arith.cmpi ne, %convert_element_type3A_48, %cond3A_49 : i32
    scf.if %cond3A_50 {
      "tpu.region"() ({
        %run_scoped3A = tpu.sem_alloc : memref<!tpu.dma_semaphore, #tpu.memory_space<semaphore_mem>>
        %dma_start3A_116 = arith.constant 9360 : i32
        %dma_start3A_117 = arith.constant 0 : i32
        %dma_start3A_118 = tpu.memref_slice %arg6[%dma_start3A_116, %dma_start3A_117] : memref<10000x128xf32, #tpu.memory_space<vmem_shared>> -> memref<640x128xf32, #tpu.memory_space<vmem_shared>>
        %dma_start3A_119 = arith.constant 9360 : i32
        %dma_start3A_120 = arith.constant 0 : i32
        %dma_start3A_121 = tpu.memref_slice %arg2[%dma_start3A_119, %dma_start3A_120] : memref<10000x128xf32, #tpu.memory_space<hbm>> -> memref<640x128xf32, #tpu.memory_space<hbm>>
        tpu.enqueue_dma source(%dma_start3A_121 : memref<640x128xf32, #tpu.memory_space<hbm>>) target(%dma_start3A_118 : memref<640x128xf32, #tpu.memory_space<vmem_shared>>) target_semaphore(%run_scoped3A : memref<!tpu.dma_semaphore, #tpu.memory_space<semaphore_mem>>)
        %dma_wait3A_122 = arith.constant 9360 : i32
        %dma_wait3A_123 = arith.constant 0 : i32
        %dma_wait3A_124 = tpu.memref_slice %arg6[%dma_wait3A_122, %dma_wait3A_123] : memref<10000x128xf32, #tpu.memory_space<vmem_shared>> -> memref<640x128xf32, #tpu.memory_space<vmem_shared>>
        %dma_wait3A_125 = arith.constant 9360 : i32
        %dma_wait3A_126 = arith.constant 0 : i32
        %dma_wait3A_127 = tpu.memref_slice %arg2[%dma_wait3A_125, %dma_wait3A_126] : memref<10000x128xf32, #tpu.memory_space<hbm>> -> memref<640x128xf32, #tpu.memory_space<hbm>>
        tpu.wait_dma2 semaphore(%run_scoped3A : memref<!tpu.dma_semaphore, #tpu.memory_space<semaphore_mem>>) src(%dma_wait3A_127 : memref<640x128xf32, #tpu.memory_space<hbm>>) dst(%dma_wait3A_124 : memref<640x128xf32, #tpu.memory_space<vmem_shared>>)
        tpu.yield
      }) : () -> ()
    } else {
    }
    %eq3A_51 = arith.constant 1 : i32
    %eq3A_52 = arith.cmpi eq, %arg0, %eq3A_51 : i32
    %lt3A_53 = arith.constant 15 : i32
    %lt3A_54 = arith.cmpi slt, %arg1, %lt3A_53 : i32
    %and3A_55 = arith.andi %eq3A_52, %lt3A_54 : i1
    %convert_element_type3A_56 = arith.extui %and3A_55 : i1 to i32
    %cond3A_57 = arith.constant 0 : i32
    %cond3A_58 = arith.cmpi ne, %convert_element_type3A_56, %cond3A_57 : i32
    scf.if %cond3A_58 {
      %mul3A_116 = arith.constant 624 : i32
      %mul3A_117 = arith.muli %arg1, %mul3A_116 : i32
      %mul3A_118 = arith.constant 624 : i32
      %mul3A_119 = arith.muli %arg1, %mul3A_118 : i32
      "tpu.region"() ({
        %run_scoped3A = tpu.sem_alloc : memref<!tpu.dma_semaphore, #tpu.memory_space<semaphore_mem>>
        %dma_start3A_120 = arith.constant 0 : i32
        %dma_start3A_121 = tpu.memref_slice %arg6[%mul3A_119, %dma_start3A_120] : memref<10000x128xf32, #tpu.memory_space<vmem_shared>> -> memref<624x128xf32, #tpu.memory_space<vmem_shared>>
        %dma_start3A_122 = arith.constant 0 : i32
        %dma_start3A_123 = tpu.memref_slice %arg4[%mul3A_117, %dma_start3A_122] : memref<10000x128xf32, #tpu.memory_space<hbm>> -> memref<624x128xf32, #tpu.memory_space<hbm>>
        tpu.enqueue_dma source(%dma_start3A_123 : memref<624x128xf32, #tpu.memory_space<hbm>>) target(%dma_start3A_121 : memref<624x128xf32, #tpu.memory_space<vmem_shared>>) target_semaphore(%run_scoped3A : memref<!tpu.dma_semaphore, #tpu.memory_space<semaphore_mem>>)
        %dma_wait3A_124 = arith.constant 0 : i32
        %dma_wait3A_125 = tpu.memref_slice %arg6[%mul3A_119, %dma_wait3A_124] : memref<10000x128xf32, #tpu.memory_space<vmem_shared>> -> memref<624x128xf32, #tpu.memory_space<vmem_shared>>
        %dma_wait3A_126 = arith.constant 0 : i32
        %dma_wait3A_127 = tpu.memref_slice %arg4[%mul3A_117, %dma_wait3A_126] : memref<10000x128xf32, #tpu.memory_space<hbm>> -> memref<624x128xf32, #tpu.memory_space<hbm>>
        tpu.wait_dma2 semaphore(%run_scoped3A : memref<!tpu.dma_semaphore, #tpu.memory_space<semaphore_mem>>) src(%dma_wait3A_127 : memref<624x128xf32, #tpu.memory_space<hbm>>) dst(%dma_wait3A_125 : memref<624x128xf32, #tpu.memory_space<vmem_shared>>)
        tpu.yield
      }) : () -> ()
    } else {
    }
    %eq3A_59 = arith.constant 1 : i32
    %eq3A_60 = arith.cmpi eq, %arg0, %eq3A_59 : i32
    %eq3A_61 = arith.constant 15 : i32
    %eq3A_62 = arith.cmpi eq, %arg1, %eq3A_61 : i32
    %and3A_63 = arith.andi %eq3A_60, %eq3A_62 : i1
    %convert_element_type3A_64 = arith.extui %and3A_63 : i1 to i32
    %cond3A_65 = arith.constant 0 : i32
    %cond3A_66 = arith.cmpi ne, %convert_element_type3A_64, %cond3A_65 : i32
    scf.if %cond3A_66 {
      "tpu.region"() ({
        %run_scoped3A = tpu.sem_alloc : memref<!tpu.dma_semaphore, #tpu.memory_space<semaphore_mem>>
        %dma_start3A_116 = arith.constant 9360 : i32
        %dma_start3A_117 = arith.constant 0 : i32
        %dma_start3A_118 = tpu.memref_slice %arg6[%dma_start3A_116, %dma_start3A_117] : memref<10000x128xf32, #tpu.memory_space<vmem_shared>> -> memref<640x128xf32, #tpu.memory_space<vmem_shared>>
        %dma_start3A_119 = arith.constant 9360 : i32
        %dma_start3A_120 = arith.constant 0 : i32
        %dma_start3A_121 = tpu.memref_slice %arg4[%dma_start3A_119, %dma_start3A_120] : memref<10000x128xf32, #tpu.memory_space<hbm>> -> memref<640x128xf32, #tpu.memory_space<hbm>>
        tpu.enqueue_dma source(%dma_start3A_121 : memref<640x128xf32, #tpu.memory_space<hbm>>) target(%dma_start3A_118 : memref<640x128xf32, #tpu.memory_space<vmem_shared>>) target_semaphore(%run_scoped3A : memref<!tpu.dma_semaphore, #tpu.memory_space<semaphore_mem>>)
        %dma_wait3A_122 = arith.constant 9360 : i32
        %dma_wait3A_123 = arith.constant 0 : i32
        %dma_wait3A_124 = tpu.memref_slice %arg6[%dma_wait3A_122, %dma_wait3A_123] : memref<10000x128xf32, #tpu.memory_space<vmem_shared>> -> memref<640x128xf32, #tpu.memory_space<vmem_shared>>
        %dma_wait3A_125 = arith.constant 9360 : i32
        %dma_wait3A_126 = arith.constant 0 : i32
        %dma_wait3A_127 = tpu.memref_slice %arg4[%dma_wait3A_125, %dma_wait3A_126] : memref<10000x128xf32, #tpu.memory_space<hbm>> -> memref<640x128xf32, #tpu.memory_space<hbm>>
        tpu.wait_dma2 semaphore(%run_scoped3A : memref<!tpu.dma_semaphore, #tpu.memory_space<semaphore_mem>>) src(%dma_wait3A_127 : memref<640x128xf32, #tpu.memory_space<hbm>>) dst(%dma_wait3A_124 : memref<640x128xf32, #tpu.memory_space<vmem_shared>>)
        tpu.yield
      }) : () -> ()
    } else {
    }
    %barrier3A = arith.constant 0 : index
    tpu.barrier barrier_id(%barrier3A)
    %dma_wait3A = arith.constant 0 : i32
    %dma_wait3A_67 = arith.constant 0 : i32
    %dma_wait3A_68 = arith.constant 0 : i32
    %dma_wait3A_69 = arith.constant 0 : i32
    %dma_wait3A_70 = tpu.memref_slice %arg3[%dma_wait3A, %add3A, %dma_wait3A_67, %dma_wait3A_68, %dma_wait3A_69] : memref<2x32x4x20x125xi32, #tpu.memory_space<hbm>> -> memref<1x1x1x20x125xi32, #tpu.memory_space<hbm>>
    %dma_wait3A_71 = tpu.memref_squeeze %dma_wait3A_70 : memref<1x1x1x20x125xi32, #tpu.memory_space<hbm>> -> memref<20x125xi32, #tpu.memory_space<hbm>>
    %dma_wait3A_72 = arith.constant 0 : i32
    %dma_wait3A_73 = arith.constant 0 : i32
    %dma_wait3A_74 = tpu.memref_slice %arg3[%dma_wait3A, %add3A, %dma_wait3A_67, %dma_wait3A_72, %dma_wait3A_73] : memref<2x32x4x20x125xi32, #tpu.memory_space<hbm>> -> memref<1x1x1x20x125xi32, #tpu.memory_space<hbm>>
    %dma_wait3A_75 = tpu.memref_squeeze %dma_wait3A_74 : memref<1x1x1x20x125xi32, #tpu.memory_space<hbm>> -> memref<20x125xi32, #tpu.memory_space<hbm>>
    tpu.wait_dma2 semaphore(%arg13 : memref<!tpu.dma_semaphore, #tpu.memory_space<semaphore_mem>>) src(%dma_wait3A_75 : memref<20x125xi32, #tpu.memory_space<hbm>>) dst(%arg7 : memref<20x125xi32, #tpu.memory_space<vmem>>)
    %dma_wait3A_76 = arith.constant 1 : i32
    %dma_wait3A_77 = arith.constant 0 : i32
    %dma_wait3A_78 = arith.constant 0 : i32
    %dma_wait3A_79 = arith.constant 0 : i32
    %dma_wait3A_80 = tpu.memref_slice %arg3[%dma_wait3A_76, %add3A, %dma_wait3A_77, %dma_wait3A_78, %dma_wait3A_79] : memref<2x32x4x20x125xi32, #tpu.memory_space<hbm>> -> memref<1x1x1x20x125xi32, #tpu.memory_space<hbm>>
    %dma_wait3A_81 = tpu.memref_squeeze %dma_wait3A_80 : memref<1x1x1x20x125xi32, #tpu.memory_space<hbm>> -> memref<20x125xi32, #tpu.memory_space<hbm>>
    %dma_wait3A_82 = arith.constant 0 : i32
    %dma_wait3A_83 = arith.constant 0 : i32
    %dma_wait3A_84 = tpu.memref_slice %arg3[%dma_wait3A_76, %add3A, %dma_wait3A_77, %dma_wait3A_82, %dma_wait3A_83] : memref<2x32x4x20x125xi32, #tpu.memory_space<hbm>> -> memref<1x1x1x20x125xi32, #tpu.memory_space<hbm>>
    %dma_wait3A_85 = tpu.memref_squeeze %dma_wait3A_84 : memref<1x1x1x20x125xi32, #tpu.memory_space<hbm>> -> memref<20x125xi32, #tpu.memory_space<hbm>>
    tpu.wait_dma2 semaphore(%arg14 : memref<!tpu.dma_semaphore, #tpu.memory_space<semaphore_mem>>) src(%dma_wait3A_85 : memref<20x125xi32, #tpu.memory_space<hbm>>) dst(%arg8 : memref<20x125xi32, #tpu.memory_space<vmem>>)
    %dma_start3A_86 = arith.constant 0 : i32
    %dma_start3A_87 = arith.constant 0 : i32
    %dma_start3A_88 = tpu.memref_slice %arg7[%dma_start3A_86, %dma_start3A_87] : memref<20x125xi32, #tpu.memory_space<vmem>> -> memref<1x125xi32, #tpu.memory_space<vmem>>
    %dma_start3A_89 = tpu.memref_squeeze %dma_start3A_88 : memref<1x125xi32, #tpu.memory_space<vmem>> -> memref<125xi32, #tpu.memory_space<vmem>>
    %dma_start3A_90 = arith.constant 0 : i32
    %dma_start3A_91 = arith.constant 0 : i32
    %dma_start3A_92 = tpu.memref_slice %arg2[%dma_start3A_90, %dma_start3A_91] : memref<10000x128xf32, #tpu.memory_space<hbm>> -> memref<10000x128xf32, #tpu.memory_space<hbm>>
    tpu.enqueue_indirect_dma source(%dma_start3A_92 : memref<10000x128xf32, #tpu.memory_space<hbm>>) target(%arg11 : memref<125x128xf32, #tpu.memory_space<vmem>>) offsets(%dma_start3A_89 : memref<125xi32, #tpu.memory_space<vmem>>) semaphore(%arg17 : memref<!tpu.dma_semaphore, #tpu.memory_space<semaphore_mem>>)
    %dma_start3A_93 = arith.constant 1 : i32
    %dma_start3A_94 = arith.constant 0 : i32
    %dma_start3A_95 = tpu.memref_slice %arg7[%dma_start3A_93, %dma_start3A_94] : memref<20x125xi32, #tpu.memory_space<vmem>> -> memref<1x125xi32, #tpu.memory_space<vmem>>
    %dma_start3A_96 = tpu.memref_squeeze %dma_start3A_95 : memref<1x125xi32, #tpu.memory_space<vmem>> -> memref<125xi32, #tpu.memory_space<vmem>>
    %dma_start3A_97 = arith.constant 0 : i32
    %dma_start3A_98 = arith.constant 0 : i32
    %dma_start3A_99 = tpu.memref_slice %arg2[%dma_start3A_97, %dma_start3A_98] : memref<10000x128xf32, #tpu.memory_space<hbm>> -> memref<10000x128xf32, #tpu.memory_space<hbm>>
    tpu.enqueue_indirect_dma source(%dma_start3A_99 : memref<10000x128xf32, #tpu.memory_space<hbm>>) target(%arg12 : memref<125x128xf32, #tpu.memory_space<vmem>>) offsets(%dma_start3A_96 : memref<125xi32, #tpu.memory_space<vmem>>) semaphore(%arg18 : memref<!tpu.dma_semaphore, #tpu.memory_space<semaphore_mem>>)
    %scan3A = arith.constant 0 : i32
    %scan3A_100 = arith.constant 0 : i32
    %scan3A_101 = arith.constant 2 : i32
    %scan3A_102 = arith.addi %scan3A_100, %scan3A_101 : i32
    %scan3A_103 = arith.constant 1 : i32
    scf.for %scan3A_116 = %scan3A_100 to %scan3A_102 step %scan3A_103  : i32 {
      %mul3A_117 = arith.constant 2 : i32
      %mul3A_118 = arith.muli %mul3A_117, %scan3A_116 : i32
      %add3A_119 = arith.constant 1 : i32
      %add3A_120 = arith.addi %mul3A_118, %add3A_119 : i32
      %lt3A_121 = arith.constant 4 : i32
      %lt3A_122 = arith.cmpi slt, %add3A_120, %lt3A_121 : i32
      %scan3A_123 = arith.constant 0 : i32
      %scan3A_124 = arith.constant 0 : i32
      %scan3A_125 = arith.constant 10 : i32
      %scan3A_126 = arith.addi %scan3A_124, %scan3A_125 : i32
      %scan3A_127 = arith.constant 1 : i32
      scf.for %scan3A_170 = %scan3A_124 to %scan3A_126 step %scan3A_127  : i32 {
        %mul3A_171 = arith.constant 2 : i32
        %mul3A_172 = arith.muli %mul3A_171, %scan3A_170 : i32
        %dma_wait3A_173 = arith.constant 0 : i32
        %dma_wait3A_174 = arith.constant 0 : i32
        %dma_wait3A_175 = tpu.memref_slice %arg7[%dma_wait3A_173, %dma_wait3A_174] : memref<20x125xi32, #tpu.memory_space<vmem>> -> memref<1x125xi32, #tpu.memory_space<vmem>>
        %dma_wait3A_176 = tpu.memref_squeeze %dma_wait3A_175 : memref<1x125xi32, #tpu.memory_space<vmem>> -> memref<125xi32, #tpu.memory_space<vmem>>
        %dma_wait3A_177 = arith.constant 0 : i32
        %dma_wait3A_178 = arith.constant 0 : i32
        %dma_wait3A_179 = tpu.memref_slice %arg2[%dma_wait3A_177, %dma_wait3A_178] : memref<10000x128xf32, #tpu.memory_space<hbm>> -> memref<10000x128xf32, #tpu.memory_space<hbm>>
        tpu.wait_indirect_dma semaphore(%arg17 : memref<!tpu.dma_semaphore, #tpu.memory_space<semaphore_mem>>) src(%dma_wait3A_179 : memref<10000x128xf32, #tpu.memory_space<hbm>>) dst(%arg11 : memref<125x128xf32, #tpu.memory_space<vmem>>)
        "tpu.region"() ({
          %run_scoped3A = tpu.sem_alloc : memref<!tpu.dma_semaphore, #tpu.memory_space<semaphore_mem>>
          %dma_start3A_218 = arith.constant 0 : i32
          %dma_start3A_219 = tpu.memref_slice %arg8[%mul3A_172, %dma_start3A_218] : memref<20x125xi32, #tpu.memory_space<vmem>> -> memref<1x125xi32, #tpu.memory_space<vmem>>
          %dma_start3A_220 = tpu.memref_squeeze %dma_start3A_219 : memref<1x125xi32, #tpu.memory_space<vmem>> -> memref<125xi32, #tpu.memory_space<vmem>>
          %dma_start3A_221 = arith.constant 0 : i32
          %dma_start3A_222 = arith.constant 0 : i32
          %dma_start3A_223 = tpu.memref_slice %arg6[%dma_start3A_221, %dma_start3A_222] : memref<10000x128xf32, #tpu.memory_space<vmem_shared>> -> memref<10000x128xf32, #tpu.memory_space<vmem_shared>>
          tpu.enqueue_indirect_dma source(%arg11 : memref<125x128xf32, #tpu.memory_space<vmem>>) target(%dma_start3A_223 : memref<10000x128xf32, #tpu.memory_space<vmem_shared>>) offsets(%dma_start3A_220 : memref<125xi32, #tpu.memory_space<vmem>>) semaphore(%run_scoped3A : memref<!tpu.dma_semaphore, #tpu.memory_space<semaphore_mem>>) {add = true}
          %dma_wait3A_224 = arith.constant 0 : i32
          %dma_wait3A_225 = tpu.memref_slice %arg8[%mul3A_172, %dma_wait3A_224] : memref<20x125xi32, #tpu.memory_space<vmem>> -> memref<1x125xi32, #tpu.memory_space<vmem>>
          %dma_wait3A_226 = tpu.memref_squeeze %dma_wait3A_225 : memref<1x125xi32, #tpu.memory_space<vmem>> -> memref<125xi32, #tpu.memory_space<vmem>>
          %dma_wait3A_227 = arith.constant 0 : i32
          %dma_wait3A_228 = arith.constant 0 : i32
          %dma_wait3A_229 = tpu.memref_slice %arg6[%dma_wait3A_227, %dma_wait3A_228] : memref<10000x128xf32, #tpu.memory_space<vmem_shared>> -> memref<10000x128xf32, #tpu.memory_space<vmem_shared>>
          tpu.wait_indirect_dma semaphore(%run_scoped3A : memref<!tpu.dma_semaphore, #tpu.memory_space<semaphore_mem>>) src(%arg11 : memref<125x128xf32, #tpu.memory_space<vmem>>) dst(%dma_wait3A_229 : memref<10000x128xf32, #tpu.memory_space<vmem_shared>>)
          tpu.yield
        }) : () -> ()
        %add3A_180 = arith.constant 2 : i32
        %add3A_181 = arith.addi %mul3A_172, %add3A_180 : i32
        %lt3A_182 = arith.constant 20 : i32
        %lt3A_183 = arith.cmpi slt, %add3A_181, %lt3A_182 : i32
        %convert_element_type3A_184 = arith.extui %lt3A_183 : i1 to i32
        %cond3A_185 = arith.constant 0 : i32
        %cond3A_186 = arith.cmpi ne, %convert_element_type3A_184, %cond3A_185 : i32
        scf.if %cond3A_186 {
          %add3A_218 = arith.constant 2 : i32
          %add3A_219 = arith.addi %mul3A_172, %add3A_218 : i32
          %dma_start3A_220 = arith.constant 0 : i32
          %dma_start3A_221 = tpu.memref_slice %arg7[%add3A_219, %dma_start3A_220] : memref<20x125xi32, #tpu.memory_space<vmem>> -> memref<1x125xi32, #tpu.memory_space<vmem>>
          %dma_start3A_222 = tpu.memref_squeeze %dma_start3A_221 : memref<1x125xi32, #tpu.memory_space<vmem>> -> memref<125xi32, #tpu.memory_space<vmem>>
          %dma_start3A_223 = arith.constant 0 : i32
          %dma_start3A_224 = arith.constant 0 : i32
          %dma_start3A_225 = tpu.memref_slice %arg2[%dma_start3A_223, %dma_start3A_224] : memref<10000x128xf32, #tpu.memory_space<hbm>> -> memref<10000x128xf32, #tpu.memory_space<hbm>>
          tpu.enqueue_indirect_dma source(%dma_start3A_225 : memref<10000x128xf32, #tpu.memory_space<hbm>>) target(%arg11 : memref<125x128xf32, #tpu.memory_space<vmem>>) offsets(%dma_start3A_222 : memref<125xi32, #tpu.memory_space<vmem>>) semaphore(%arg17 : memref<!tpu.dma_semaphore, #tpu.memory_space<semaphore_mem>>)
        } else {
        }
        %add3A_187 = arith.constant 2 : i32
        %add3A_188 = arith.addi %mul3A_172, %add3A_187 : i32
        %ge3A = arith.constant 20 : i32
        %ge3A_189 = arith.cmpi sge, %add3A_188, %ge3A : i32
        %and3A_190 = arith.andi %ge3A_189, %lt3A_122 : i1
        %convert_element_type3A_191 = arith.extui %and3A_190 : i1 to i32
        %cond3A_192 = arith.constant 0 : i32
        %cond3A_193 = arith.cmpi ne, %convert_element_type3A_191, %cond3A_192 : i32
        scf.if %cond3A_193 {
          %dma_wait3A_218 = arith.constant 0 : i32
          %dma_wait3A_219 = arith.constant 0 : i32
          %dma_wait3A_220 = arith.constant 0 : i32
          %dma_wait3A_221 = arith.constant 0 : i32
          %dma_wait3A_222 = tpu.memref_slice %arg3[%dma_wait3A_218, %add3A, %dma_wait3A_219, %dma_wait3A_220, %dma_wait3A_221] : memref<2x32x4x20x125xi32, #tpu.memory_space<hbm>> -> memref<1x1x1x20x125xi32, #tpu.memory_space<hbm>>
          %dma_wait3A_223 = tpu.memref_squeeze %dma_wait3A_222 : memref<1x1x1x20x125xi32, #tpu.memory_space<hbm>> -> memref<20x125xi32, #tpu.memory_space<hbm>>
          %dma_wait3A_224 = arith.constant 0 : i32
          %dma_wait3A_225 = arith.constant 0 : i32
          %dma_wait3A_226 = tpu.memref_slice %arg3[%dma_wait3A_218, %add3A, %dma_wait3A_219, %dma_wait3A_224, %dma_wait3A_225] : memref<2x32x4x20x125xi32, #tpu.memory_space<hbm>> -> memref<1x1x1x20x125xi32, #tpu.memory_space<hbm>>
          %dma_wait3A_227 = tpu.memref_squeeze %dma_wait3A_226 : memref<1x1x1x20x125xi32, #tpu.memory_space<hbm>> -> memref<20x125xi32, #tpu.memory_space<hbm>>
          tpu.wait_dma2 semaphore(%arg15 : memref<!tpu.dma_semaphore, #tpu.memory_space<semaphore_mem>>) src(%dma_wait3A_227 : memref<20x125xi32, #tpu.memory_space<hbm>>) dst(%arg9 : memref<20x125xi32, #tpu.memory_space<vmem>>)
          %dma_start3A_228 = arith.constant 0 : i32
          %dma_start3A_229 = arith.constant 0 : i32
          %dma_start3A_230 = tpu.memref_slice %arg9[%dma_start3A_228, %dma_start3A_229] : memref<20x125xi32, #tpu.memory_space<vmem>> -> memref<1x125xi32, #tpu.memory_space<vmem>>
          %dma_start3A_231 = tpu.memref_squeeze %dma_start3A_230 : memref<1x125xi32, #tpu.memory_space<vmem>> -> memref<125xi32, #tpu.memory_space<vmem>>
          %dma_start3A_232 = arith.constant 0 : i32
          %dma_start3A_233 = arith.constant 0 : i32
          %dma_start3A_234 = tpu.memref_slice %arg2[%dma_start3A_232, %dma_start3A_233] : memref<10000x128xf32, #tpu.memory_space<hbm>> -> memref<10000x128xf32, #tpu.memory_space<hbm>>
          tpu.enqueue_indirect_dma source(%dma_start3A_234 : memref<10000x128xf32, #tpu.memory_space<hbm>>) target(%arg11 : memref<125x128xf32, #tpu.memory_space<vmem>>) offsets(%dma_start3A_231 : memref<125xi32, #tpu.memory_space<vmem>>) semaphore(%arg17 : memref<!tpu.dma_semaphore, #tpu.memory_space<semaphore_mem>>)
        } else {
        }
        %dma_wait3A_194 = arith.constant 1 : i32
        %dma_wait3A_195 = arith.constant 0 : i32
        %dma_wait3A_196 = tpu.memref_slice %arg7[%dma_wait3A_194, %dma_wait3A_195] : memref<20x125xi32, #tpu.memory_space<vmem>> -> memref<1x125xi32, #tpu.memory_space<vmem>>
        %dma_wait3A_197 = tpu.memref_squeeze %dma_wait3A_196 : memref<1x125xi32, #tpu.memory_space<vmem>> -> memref<125xi32, #tpu.memory_space<vmem>>
        %dma_wait3A_198 = arith.constant 0 : i32
        %dma_wait3A_199 = arith.constant 0 : i32
        %dma_wait3A_200 = tpu.memref_slice %arg2[%dma_wait3A_198, %dma_wait3A_199] : memref<10000x128xf32, #tpu.memory_space<hbm>> -> memref<10000x128xf32, #tpu.memory_space<hbm>>
        tpu.wait_indirect_dma semaphore(%arg18 : memref<!tpu.dma_semaphore, #tpu.memory_space<semaphore_mem>>) src(%dma_wait3A_200 : memref<10000x128xf32, #tpu.memory_space<hbm>>) dst(%arg12 : memref<125x128xf32, #tpu.memory_space<vmem>>)
        %add3A_201 = arith.constant 1 : i32
        %add3A_202 = arith.addi %mul3A_172, %add3A_201 : i32
        "tpu.region"() ({
          %run_scoped3A = tpu.sem_alloc : memref<!tpu.dma_semaphore, #tpu.memory_space<semaphore_mem>>
          %dma_start3A_218 = arith.constant 0 : i32
          %dma_start3A_219 = tpu.memref_slice %arg8[%add3A_202, %dma_start3A_218] : memref<20x125xi32, #tpu.memory_space<vmem>> -> memref<1x125xi32, #tpu.memory_space<vmem>>
          %dma_start3A_220 = tpu.memref_squeeze %dma_start3A_219 : memref<1x125xi32, #tpu.memory_space<vmem>> -> memref<125xi32, #tpu.memory_space<vmem>>
          %dma_start3A_221 = arith.constant 0 : i32
          %dma_start3A_222 = arith.constant 0 : i32
          %dma_start3A_223 = tpu.memref_slice %arg6[%dma_start3A_221, %dma_start3A_222] : memref<10000x128xf32, #tpu.memory_space<vmem_shared>> -> memref<10000x128xf32, #tpu.memory_space<vmem_shared>>
          tpu.enqueue_indirect_dma source(%arg12 : memref<125x128xf32, #tpu.memory_space<vmem>>) target(%dma_start3A_223 : memref<10000x128xf32, #tpu.memory_space<vmem_shared>>) offsets(%dma_start3A_220 : memref<125xi32, #tpu.memory_space<vmem>>) semaphore(%run_scoped3A : memref<!tpu.dma_semaphore, #tpu.memory_space<semaphore_mem>>) {add = true}
          %dma_wait3A_224 = arith.constant 0 : i32
          %dma_wait3A_225 = tpu.memref_slice %arg8[%add3A_202, %dma_wait3A_224] : memref<20x125xi32, #tpu.memory_space<vmem>> -> memref<1x125xi32, #tpu.memory_space<vmem>>
          %dma_wait3A_226 = tpu.memref_squeeze %dma_wait3A_225 : memref<1x125xi32, #tpu.memory_space<vmem>> -> memref<125xi32, #tpu.memory_space<vmem>>
          %dma_wait3A_227 = arith.constant 0 : i32
          %dma_wait3A_228 = arith.constant 0 : i32
          %dma_wait3A_229 = tpu.memref_slice %arg6[%dma_wait3A_227, %dma_wait3A_228] : memref<10000x128xf32, #tpu.memory_space<vmem_shared>> -> memref<10000x128xf32, #tpu.memory_space<vmem_shared>>
          tpu.wait_indirect_dma semaphore(%run_scoped3A : memref<!tpu.dma_semaphore, #tpu.memory_space<semaphore_mem>>) src(%arg12 : memref<125x128xf32, #tpu.memory_space<vmem>>) dst(%dma_wait3A_229 : memref<10000x128xf32, #tpu.memory_space<vmem_shared>>)
          tpu.yield
        }) : () -> ()
        %add3A_203 = arith.constant 3 : i32
        %add3A_204 = arith.addi %mul3A_172, %add3A_203 : i32
        %lt3A_205 = arith.constant 20 : i32
        %lt3A_206 = arith.cmpi slt, %add3A_204, %lt3A_205 : i32
        %convert_element_type3A_207 = arith.extui %lt3A_206 : i1 to i32
        %cond3A_208 = arith.constant 0 : i32
        %cond3A_209 = arith.cmpi ne, %convert_element_type3A_207, %cond3A_208 : i32
        scf.if %cond3A_209 {
          %add3A_218 = arith.constant 3 : i32
          %add3A_219 = arith.addi %mul3A_172, %add3A_218 : i32
          %dma_start3A_220 = arith.constant 0 : i32
          %dma_start3A_221 = tpu.memref_slice %arg7[%add3A_219, %dma_start3A_220] : memref<20x125xi32, #tpu.memory_space<vmem>> -> memref<1x125xi32, #tpu.memory_space<vmem>>
          %dma_start3A_222 = tpu.memref_squeeze %dma_start3A_221 : memref<1x125xi32, #tpu.memory_space<vmem>> -> memref<125xi32, #tpu.memory_space<vmem>>
          %dma_start3A_223 = arith.constant 0 : i32
          %dma_start3A_224 = arith.constant 0 : i32
          %dma_start3A_225 = tpu.memref_slice %arg2[%dma_start3A_223, %dma_start3A_224] : memref<10000x128xf32, #tpu.memory_space<hbm>> -> memref<10000x128xf32, #tpu.memory_space<hbm>>
          tpu.enqueue_indirect_dma source(%dma_start3A_225 : memref<10000x128xf32, #tpu.memory_space<hbm>>) target(%arg12 : memref<125x128xf32, #tpu.memory_space<vmem>>) offsets(%dma_start3A_222 : memref<125xi32, #tpu.memory_space<vmem>>) semaphore(%arg18 : memref<!tpu.dma_semaphore, #tpu.memory_space<semaphore_mem>>)
        } else {
        }
        %add3A_210 = arith.constant 3 : i32
        %add3A_211 = arith.addi %mul3A_172, %add3A_210 : i32
        %ge3A_212 = arith.constant 20 : i32
        %ge3A_213 = arith.cmpi sge, %add3A_211, %ge3A_212 : i32
        %and3A_214 = arith.andi %ge3A_213, %lt3A_122 : i1
        %convert_element_type3A_215 = arith.extui %and3A_214 : i1 to i32
        %cond3A_216 = arith.constant 0 : i32
        %cond3A_217 = arith.cmpi ne, %convert_element_type3A_215, %cond3A_216 : i32
        scf.if %cond3A_217 {
          %dma_start3A_218 = arith.constant 1 : i32
          %dma_start3A_219 = arith.constant 0 : i32
          %dma_start3A_220 = tpu.memref_slice %arg9[%dma_start3A_218, %dma_start3A_219] : memref<20x125xi32, #tpu.memory_space<vmem>> -> memref<1x125xi32, #tpu.memory_space<vmem>>
          %dma_start3A_221 = tpu.memref_squeeze %dma_start3A_220 : memref<1x125xi32, #tpu.memory_space<vmem>> -> memref<125xi32, #tpu.memory_space<vmem>>
          %dma_start3A_222 = arith.constant 0 : i32
          %dma_start3A_223 = arith.constant 0 : i32
          %dma_start3A_224 = tpu.memref_slice %arg2[%dma_start3A_222, %dma_start3A_223] : memref<10000x128xf32, #tpu.memory_space<hbm>> -> memref<10000x128xf32, #tpu.memory_space<hbm>>
          tpu.enqueue_indirect_dma source(%dma_start3A_224 : memref<10000x128xf32, #tpu.memory_space<hbm>>) target(%arg12 : memref<125x128xf32, #tpu.memory_space<vmem>>) offsets(%dma_start3A_221 : memref<125xi32, #tpu.memory_space<vmem>>) semaphore(%arg18 : memref<!tpu.dma_semaphore, #tpu.memory_space<semaphore_mem>>)
        } else {
        }
      }
      %scan3A_128 = arith.constant 10 : i32
      %dma_wait3A_129 = arith.constant 1 : i32
      %dma_wait3A_130 = arith.constant 0 : i32
      %dma_wait3A_131 = arith.constant 0 : i32
      %dma_wait3A_132 = arith.constant 0 : i32
      %dma_wait3A_133 = tpu.memref_slice %arg3[%dma_wait3A_129, %add3A, %dma_wait3A_130, %dma_wait3A_131, %dma_wait3A_132] : memref<2x32x4x20x125xi32, #tpu.memory_space<hbm>> -> memref<1x1x1x20x125xi32, #tpu.memory_space<hbm>>
      %dma_wait3A_134 = tpu.memref_squeeze %dma_wait3A_133 : memref<1x1x1x20x125xi32, #tpu.memory_space<hbm>> -> memref<20x125xi32, #tpu.memory_space<hbm>>
      %dma_wait3A_135 = arith.constant 0 : i32
      %dma_wait3A_136 = arith.constant 0 : i32
      %dma_wait3A_137 = tpu.memref_slice %arg3[%dma_wait3A_129, %add3A, %dma_wait3A_130, %dma_wait3A_135, %dma_wait3A_136] : memref<2x32x4x20x125xi32, #tpu.memory_space<hbm>> -> memref<1x1x1x20x125xi32, #tpu.memory_space<hbm>>
      %dma_wait3A_138 = tpu.memref_squeeze %dma_wait3A_137 : memref<1x1x1x20x125xi32, #tpu.memory_space<hbm>> -> memref<20x125xi32, #tpu.memory_space<hbm>>
      tpu.wait_dma2 semaphore(%arg16 : memref<!tpu.dma_semaphore, #tpu.memory_space<semaphore_mem>>) src(%dma_wait3A_138 : memref<20x125xi32, #tpu.memory_space<hbm>>) dst(%arg10 : memref<20x125xi32, #tpu.memory_space<vmem>>)
      %add3A_139 = arith.constant 2 : i32
      %add3A_140 = arith.addi %mul3A_118, %add3A_139 : i32
      %lt3A_141 = arith.constant 4 : i32
      %lt3A_142 = arith.cmpi slt, %add3A_140, %lt3A_141 : i32
      %convert_element_type3A_143 = arith.extui %lt3A_142 : i1 to i32
      %cond3A_144 = arith.constant 0 : i32
      %cond3A_145 = arith.cmpi ne, %convert_element_type3A_143, %cond3A_144 : i32
      scf.if %cond3A_145 {
        %add3A_170 = arith.constant 2 : i32
        %add3A_171 = arith.addi %mul3A_118, %add3A_170 : i32
        %dma_start3A_172 = arith.constant 0 : i32
        %dma_start3A_173 = arith.constant 0 : i32
        %dma_start3A_174 = arith.constant 0 : i32
        %dma_start3A_175 = tpu.memref_slice %arg3[%dma_start3A_172, %add3A, %add3A_171, %dma_start3A_173, %dma_start3A_174] : memref<2x32x4x20x125xi32, #tpu.memory_space<hbm>> -> memref<1x1x1x20x125xi32, #tpu.memory_space<hbm>>
        %dma_start3A_176 = tpu.memref_squeeze %dma_start3A_175 : memref<1x1x1x20x125xi32, #tpu.memory_space<hbm>> -> memref<20x125xi32, #tpu.memory_space<hbm>>
        %dma_start3A_177 = arith.constant 0 : i32
        %dma_start3A_178 = arith.constant 0 : i32
        %dma_start3A_179 = tpu.memref_slice %arg3[%dma_start3A_172, %add3A, %add3A_171, %dma_start3A_177, %dma_start3A_178] : memref<2x32x4x20x125xi32, #tpu.memory_space<hbm>> -> memref<1x1x1x20x125xi32, #tpu.memory_space<hbm>>
        %dma_start3A_180 = tpu.memref_squeeze %dma_start3A_179 : memref<1x1x1x20x125xi32, #tpu.memory_space<hbm>> -> memref<20x125xi32, #tpu.memory_space<hbm>>
        tpu.enqueue_dma source(%dma_start3A_180 : memref<20x125xi32, #tpu.memory_space<hbm>>) target(%arg7 : memref<20x125xi32, #tpu.memory_space<vmem>>) target_semaphore(%arg13 : memref<!tpu.dma_semaphore, #tpu.memory_space<semaphore_mem>>)
        %add3A_181 = arith.constant 2 : i32
        %add3A_182 = arith.addi %mul3A_118, %add3A_181 : i32
        %dma_start3A_183 = arith.constant 1 : i32
        %dma_start3A_184 = arith.constant 0 : i32
        %dma_start3A_185 = arith.constant 0 : i32
        %dma_start3A_186 = tpu.memref_slice %arg3[%dma_start3A_183, %add3A, %add3A_182, %dma_start3A_184, %dma_start3A_185] : memref<2x32x4x20x125xi32, #tpu.memory_space<hbm>> -> memref<1x1x1x20x125xi32, #tpu.memory_space<hbm>>
        %dma_start3A_187 = tpu.memref_squeeze %dma_start3A_186 : memref<1x1x1x20x125xi32, #tpu.memory_space<hbm>> -> memref<20x125xi32, #tpu.memory_space<hbm>>
        %dma_start3A_188 = arith.constant 0 : i32
        %dma_start3A_189 = arith.constant 0 : i32
        %dma_start3A_190 = tpu.memref_slice %arg3[%dma_start3A_183, %add3A, %add3A_182, %dma_start3A_188, %dma_start3A_189] : memref<2x32x4x20x125xi32, #tpu.memory_space<hbm>> -> memref<1x1x1x20x125xi32, #tpu.memory_space<hbm>>
        %dma_start3A_191 = tpu.memref_squeeze %dma_start3A_190 : memref<1x1x1x20x125xi32, #tpu.memory_space<hbm>> -> memref<20x125xi32, #tpu.memory_space<hbm>>
        tpu.enqueue_dma source(%dma_start3A_191 : memref<20x125xi32, #tpu.memory_space<hbm>>) target(%arg8 : memref<20x125xi32, #tpu.memory_space<vmem>>) target_semaphore(%arg14 : memref<!tpu.dma_semaphore, #tpu.memory_space<semaphore_mem>>)
      } else {
      }
      %add3A_146 = arith.constant 2 : i32
      %add3A_147 = arith.addi %mul3A_118, %add3A_146 : i32
      %lt3A_148 = arith.constant 4 : i32
      %lt3A_149 = arith.cmpi slt, %add3A_147, %lt3A_148 : i32
      %scan3A_150 = arith.constant 0 : i32
      %scan3A_151 = arith.constant 0 : i32
      %scan3A_152 = arith.constant 10 : i32
      %scan3A_153 = arith.addi %scan3A_151, %scan3A_152 : i32
      %scan3A_154 = arith.constant 1 : i32
      scf.for %scan3A_170 = %scan3A_151 to %scan3A_153 step %scan3A_154  : i32 {
        %mul3A_171 = arith.constant 2 : i32
        %mul3A_172 = arith.muli %mul3A_171, %scan3A_170 : i32
        %dma_wait3A_173 = arith.constant 0 : i32
        %dma_wait3A_174 = arith.constant 0 : i32
        %dma_wait3A_175 = tpu.memref_slice %arg9[%dma_wait3A_173, %dma_wait3A_174] : memref<20x125xi32, #tpu.memory_space<vmem>> -> memref<1x125xi32, #tpu.memory_space<vmem>>
        %dma_wait3A_176 = tpu.memref_squeeze %dma_wait3A_175 : memref<1x125xi32, #tpu.memory_space<vmem>> -> memref<125xi32, #tpu.memory_space<vmem>>
        %dma_wait3A_177 = arith.constant 0 : i32
        %dma_wait3A_178 = arith.constant 0 : i32
        %dma_wait3A_179 = tpu.memref_slice %arg2[%dma_wait3A_177, %dma_wait3A_178] : memref<10000x128xf32, #tpu.memory_space<hbm>> -> memref<10000x128xf32, #tpu.memory_space<hbm>>
        tpu.wait_indirect_dma semaphore(%arg17 : memref<!tpu.dma_semaphore, #tpu.memory_space<semaphore_mem>>) src(%dma_wait3A_179 : memref<10000x128xf32, #tpu.memory_space<hbm>>) dst(%arg11 : memref<125x128xf32, #tpu.memory_space<vmem>>)
        "tpu.region"() ({
          %run_scoped3A = tpu.sem_alloc : memref<!tpu.dma_semaphore, #tpu.memory_space<semaphore_mem>>
          %dma_start3A_218 = arith.constant 0 : i32
          %dma_start3A_219 = tpu.memref_slice %arg10[%mul3A_172, %dma_start3A_218] : memref<20x125xi32, #tpu.memory_space<vmem>> -> memref<1x125xi32, #tpu.memory_space<vmem>>
          %dma_start3A_220 = tpu.memref_squeeze %dma_start3A_219 : memref<1x125xi32, #tpu.memory_space<vmem>> -> memref<125xi32, #tpu.memory_space<vmem>>
          %dma_start3A_221 = arith.constant 0 : i32
          %dma_start3A_222 = arith.constant 0 : i32
          %dma_start3A_223 = tpu.memref_slice %arg6[%dma_start3A_221, %dma_start3A_222] : memref<10000x128xf32, #tpu.memory_space<vmem_shared>> -> memref<10000x128xf32, #tpu.memory_space<vmem_shared>>
          tpu.enqueue_indirect_dma source(%arg11 : memref<125x128xf32, #tpu.memory_space<vmem>>) target(%dma_start3A_223 : memref<10000x128xf32, #tpu.memory_space<vmem_shared>>) offsets(%dma_start3A_220 : memref<125xi32, #tpu.memory_space<vmem>>) semaphore(%run_scoped3A : memref<!tpu.dma_semaphore, #tpu.memory_space<semaphore_mem>>) {add = true}
          %dma_wait3A_224 = arith.constant 0 : i32
          %dma_wait3A_225 = tpu.memref_slice %arg10[%mul3A_172, %dma_wait3A_224] : memref<20x125xi32, #tpu.memory_space<vmem>> -> memref<1x125xi32, #tpu.memory_space<vmem>>
          %dma_wait3A_226 = tpu.memref_squeeze %dma_wait3A_225 : memref<1x125xi32, #tpu.memory_space<vmem>> -> memref<125xi32, #tpu.memory_space<vmem>>
          %dma_wait3A_227 = arith.constant 0 : i32
          %dma_wait3A_228 = arith.constant 0 : i32
          %dma_wait3A_229 = tpu.memref_slice %arg6[%dma_wait3A_227, %dma_wait3A_228] : memref<10000x128xf32, #tpu.memory_space<vmem_shared>> -> memref<10000x128xf32, #tpu.memory_space<vmem_shared>>
          tpu.wait_indirect_dma semaphore(%run_scoped3A : memref<!tpu.dma_semaphore, #tpu.memory_space<semaphore_mem>>) src(%arg11 : memref<125x128xf32, #tpu.memory_space<vmem>>) dst(%dma_wait3A_229 : memref<10000x128xf32, #tpu.memory_space<vmem_shared>>)
          tpu.yield
        }) : () -> ()
        %add3A_180 = arith.constant 2 : i32
        %add3A_181 = arith.addi %mul3A_172, %add3A_180 : i32
        %lt3A_182 = arith.constant 20 : i32
        %lt3A_183 = arith.cmpi slt, %add3A_181, %lt3A_182 : i32
        %convert_element_type3A_184 = arith.extui %lt3A_183 : i1 to i32
        %cond3A_185 = arith.constant 0 : i32
        %cond3A_186 = arith.cmpi ne, %convert_element_type3A_184, %cond3A_185 : i32
        scf.if %cond3A_186 {
          %add3A_218 = arith.constant 2 : i32
          %add3A_219 = arith.addi %mul3A_172, %add3A_218 : i32
          %dma_start3A_220 = arith.constant 0 : i32
          %dma_start3A_221 = tpu.memref_slice %arg9[%add3A_219, %dma_start3A_220] : memref<20x125xi32, #tpu.memory_space<vmem>> -> memref<1x125xi32, #tpu.memory_space<vmem>>
          %dma_start3A_222 = tpu.memref_squeeze %dma_start3A_221 : memref<1x125xi32, #tpu.memory_space<vmem>> -> memref<125xi32, #tpu.memory_space<vmem>>
          %dma_start3A_223 = arith.constant 0 : i32
          %dma_start3A_224 = arith.constant 0 : i32
          %dma_start3A_225 = tpu.memref_slice %arg2[%dma_start3A_223, %dma_start3A_224] : memref<10000x128xf32, #tpu.memory_space<hbm>> -> memref<10000x128xf32, #tpu.memory_space<hbm>>
          tpu.enqueue_indirect_dma source(%dma_start3A_225 : memref<10000x128xf32, #tpu.memory_space<hbm>>) target(%arg11 : memref<125x128xf32, #tpu.memory_space<vmem>>) offsets(%dma_start3A_222 : memref<125xi32, #tpu.memory_space<vmem>>) semaphore(%arg17 : memref<!tpu.dma_semaphore, #tpu.memory_space<semaphore_mem>>)
        } else {
        }
        %add3A_187 = arith.constant 2 : i32
        %add3A_188 = arith.addi %mul3A_172, %add3A_187 : i32
        %ge3A = arith.constant 20 : i32
        %ge3A_189 = arith.cmpi sge, %add3A_188, %ge3A : i32
        %and3A_190 = arith.andi %ge3A_189, %lt3A_149 : i1
        %convert_element_type3A_191 = arith.extui %and3A_190 : i1 to i32
        %cond3A_192 = arith.constant 0 : i32
        %cond3A_193 = arith.cmpi ne, %convert_element_type3A_191, %cond3A_192 : i32
        scf.if %cond3A_193 {
          %dma_wait3A_218 = arith.constant 0 : i32
          %dma_wait3A_219 = arith.constant 0 : i32
          %dma_wait3A_220 = arith.constant 0 : i32
          %dma_wait3A_221 = arith.constant 0 : i32
          %dma_wait3A_222 = tpu.memref_slice %arg3[%dma_wait3A_218, %add3A, %dma_wait3A_219, %dma_wait3A_220, %dma_wait3A_221] : memref<2x32x4x20x125xi32, #tpu.memory_space<hbm>> -> memref<1x1x1x20x125xi32, #tpu.memory_space<hbm>>
          %dma_wait3A_223 = tpu.memref_squeeze %dma_wait3A_222 : memref<1x1x1x20x125xi32, #tpu.memory_space<hbm>> -> memref<20x125xi32, #tpu.memory_space<hbm>>
          %dma_wait3A_224 = arith.constant 0 : i32
          %dma_wait3A_225 = arith.constant 0 : i32
          %dma_wait3A_226 = tpu.memref_slice %arg3[%dma_wait3A_218, %add3A, %dma_wait3A_219, %dma_wait3A_224, %dma_wait3A_225] : memref<2x32x4x20x125xi32, #tpu.memory_space<hbm>> -> memref<1x1x1x20x125xi32, #tpu.memory_space<hbm>>
          %dma_wait3A_227 = tpu.memref_squeeze %dma_wait3A_226 : memref<1x1x1x20x125xi32, #tpu.memory_space<hbm>> -> memref<20x125xi32, #tpu.memory_space<hbm>>
          tpu.wait_dma2 semaphore(%arg13 : memref<!tpu.dma_semaphore, #tpu.memory_space<semaphore_mem>>) src(%dma_wait3A_227 : memref<20x125xi32, #tpu.memory_space<hbm>>) dst(%arg7 : memref<20x125xi32, #tpu.memory_space<vmem>>)
          %dma_start3A_228 = arith.constant 0 : i32
          %dma_start3A_229 = arith.constant 0 : i32
          %dma_start3A_230 = tpu.memref_slice %arg7[%dma_start3A_228, %dma_start3A_229] : memref<20x125xi32, #tpu.memory_space<vmem>> -> memref<1x125xi32, #tpu.memory_space<vmem>>
          %dma_start3A_231 = tpu.memref_squeeze %dma_start3A_230 : memref<1x125xi32, #tpu.memory_space<vmem>> -> memref<125xi32, #tpu.memory_space<vmem>>
          %dma_start3A_232 = arith.constant 0 : i32
          %dma_start3A_233 = arith.constant 0 : i32
          %dma_start3A_234 = tpu.memref_slice %arg2[%dma_start3A_232, %dma_start3A_233] : memref<10000x128xf32, #tpu.memory_space<hbm>> -> memref<10000x128xf32, #tpu.memory_space<hbm>>
          tpu.enqueue_indirect_dma source(%dma_start3A_234 : memref<10000x128xf32, #tpu.memory_space<hbm>>) target(%arg11 : memref<125x128xf32, #tpu.memory_space<vmem>>) offsets(%dma_start3A_231 : memref<125xi32, #tpu.memory_space<vmem>>) semaphore(%arg17 : memref<!tpu.dma_semaphore, #tpu.memory_space<semaphore_mem>>)
        } else {
        }
        %dma_wait3A_194 = arith.constant 1 : i32
        %dma_wait3A_195 = arith.constant 0 : i32
        %dma_wait3A_196 = tpu.memref_slice %arg9[%dma_wait3A_194, %dma_wait3A_195] : memref<20x125xi32, #tpu.memory_space<vmem>> -> memref<1x125xi32, #tpu.memory_space<vmem>>
        %dma_wait3A_197 = tpu.memref_squeeze %dma_wait3A_196 : memref<1x125xi32, #tpu.memory_space<vmem>> -> memref<125xi32, #tpu.memory_space<vmem>>
        %dma_wait3A_198 = arith.constant 0 : i32
        %dma_wait3A_199 = arith.constant 0 : i32
        %dma_wait3A_200 = tpu.memref_slice %arg2[%dma_wait3A_198, %dma_wait3A_199] : memref<10000x128xf32, #tpu.memory_space<hbm>> -> memref<10000x128xf32, #tpu.memory_space<hbm>>
        tpu.wait_indirect_dma semaphore(%arg18 : memref<!tpu.dma_semaphore, #tpu.memory_space<semaphore_mem>>) src(%dma_wait3A_200 : memref<10000x128xf32, #tpu.memory_space<hbm>>) dst(%arg12 : memref<125x128xf32, #tpu.memory_space<vmem>>)
        %add3A_201 = arith.constant 1 : i32
        %add3A_202 = arith.addi %mul3A_172, %add3A_201 : i32
        "tpu.region"() ({
          %run_scoped3A = tpu.sem_alloc : memref<!tpu.dma_semaphore, #tpu.memory_space<semaphore_mem>>
          %dma_start3A_218 = arith.constant 0 : i32
          %dma_start3A_219 = tpu.memref_slice %arg10[%add3A_202, %dma_start3A_218] : memref<20x125xi32, #tpu.memory_space<vmem>> -> memref<1x125xi32, #tpu.memory_space<vmem>>
          %dma_start3A_220 = tpu.memref_squeeze %dma_start3A_219 : memref<1x125xi32, #tpu.memory_space<vmem>> -> memref<125xi32, #tpu.memory_space<vmem>>
          %dma_start3A_221 = arith.constant 0 : i32
          %dma_start3A_222 = arith.constant 0 : i32
          %dma_start3A_223 = tpu.memref_slice %arg6[%dma_start3A_221, %dma_start3A_222] : memref<10000x128xf32, #tpu.memory_space<vmem_shared>> -> memref<10000x128xf32, #tpu.memory_space<vmem_shared>>
          tpu.enqueue_indirect_dma source(%arg12 : memref<125x128xf32, #tpu.memory_space<vmem>>) target(%dma_start3A_223 : memref<10000x128xf32, #tpu.memory_space<vmem_shared>>) offsets(%dma_start3A_220 : memref<125xi32, #tpu.memory_space<vmem>>) semaphore(%run_scoped3A : memref<!tpu.dma_semaphore, #tpu.memory_space<semaphore_mem>>) {add = true}
          %dma_wait3A_224 = arith.constant 0 : i32
          %dma_wait3A_225 = tpu.memref_slice %arg10[%add3A_202, %dma_wait3A_224] : memref<20x125xi32, #tpu.memory_space<vmem>> -> memref<1x125xi32, #tpu.memory_space<vmem>>
          %dma_wait3A_226 = tpu.memref_squeeze %dma_wait3A_225 : memref<1x125xi32, #tpu.memory_space<vmem>> -> memref<125xi32, #tpu.memory_space<vmem>>
          %dma_wait3A_227 = arith.constant 0 : i32
          %dma_wait3A_228 = arith.constant 0 : i32
          %dma_wait3A_229 = tpu.memref_slice %arg6[%dma_wait3A_227, %dma_wait3A_228] : memref<10000x128xf32, #tpu.memory_space<vmem_shared>> -> memref<10000x128xf32, #tpu.memory_space<vmem_shared>>
          tpu.wait_indirect_dma semaphore(%run_scoped3A : memref<!tpu.dma_semaphore, #tpu.memory_space<semaphore_mem>>) src(%arg12 : memref<125x128xf32, #tpu.memory_space<vmem>>) dst(%dma_wait3A_229 : memref<10000x128xf32, #tpu.memory_space<vmem_shared>>)
          tpu.yield
        }) : () -> ()
        %add3A_203 = arith.constant 3 : i32
        %add3A_204 = arith.addi %mul3A_172, %add3A_203 : i32
        %lt3A_205 = arith.constant 20 : i32
        %lt3A_206 = arith.cmpi slt, %add3A_204, %lt3A_205 : i32
        %convert_element_type3A_207 = arith.extui %lt3A_206 : i1 to i32
        %cond3A_208 = arith.constant 0 : i32
        %cond3A_209 = arith.cmpi ne, %convert_element_type3A_207, %cond3A_208 : i32
        scf.if %cond3A_209 {
          %add3A_218 = arith.constant 3 : i32
          %add3A_219 = arith.addi %mul3A_172, %add3A_218 : i32
          %dma_start3A_220 = arith.constant 0 : i32
          %dma_start3A_221 = tpu.memref_slice %arg9[%add3A_219, %dma_start3A_220] : memref<20x125xi32, #tpu.memory_space<vmem>> -> memref<1x125xi32, #tpu.memory_space<vmem>>
          %dma_start3A_222 = tpu.memref_squeeze %dma_start3A_221 : memref<1x125xi32, #tpu.memory_space<vmem>> -> memref<125xi32, #tpu.memory_space<vmem>>
          %dma_start3A_223 = arith.constant 0 : i32
          %dma_start3A_224 = arith.constant 0 : i32
          %dma_start3A_225 = tpu.memref_slice %arg2[%dma_start3A_223, %dma_start3A_224] : memref<10000x128xf32, #tpu.memory_space<hbm>> -> memref<10000x128xf32, #tpu.memory_space<hbm>>
          tpu.enqueue_indirect_dma source(%dma_start3A_225 : memref<10000x128xf32, #tpu.memory_space<hbm>>) target(%arg12 : memref<125x128xf32, #tpu.memory_space<vmem>>) offsets(%dma_start3A_222 : memref<125xi32, #tpu.memory_space<vmem>>) semaphore(%arg18 : memref<!tpu.dma_semaphore, #tpu.memory_space<semaphore_mem>>)
        } else {
        }
        %add3A_210 = arith.constant 3 : i32
        %add3A_211 = arith.addi %mul3A_172, %add3A_210 : i32
        %ge3A_212 = arith.constant 20 : i32
        %ge3A_213 = arith.cmpi sge, %add3A_211, %ge3A_212 : i32
        %and3A_214 = arith.andi %ge3A_213, %lt3A_149 : i1
        %convert_element_type3A_215 = arith.extui %and3A_214 : i1 to i32
        %cond3A_216 = arith.constant 0 : i32
        %cond3A_217 = arith.cmpi ne, %convert_element_type3A_215, %cond3A_216 : i32
        scf.if %cond3A_217 {
          %dma_start3A_218 = arith.constant 1 : i32
          %dma_start3A_219 = arith.constant 0 : i32
          %dma_start3A_220 = tpu.memref_slice %arg7[%dma_start3A_218, %dma_start3A_219] : memref<20x125xi32, #tpu.memory_space<vmem>> -> memref<1x125xi32, #tpu.memory_space<vmem>>
          %dma_start3A_221 = tpu.memref_squeeze %dma_start3A_220 : memref<1x125xi32, #tpu.memory_space<vmem>> -> memref<125xi32, #tpu.memory_space<vmem>>
          %dma_start3A_222 = arith.constant 0 : i32
          %dma_start3A_223 = arith.constant 0 : i32
          %dma_start3A_224 = tpu.memref_slice %arg2[%dma_start3A_222, %dma_start3A_223] : memref<10000x128xf32, #tpu.memory_space<hbm>> -> memref<10000x128xf32, #tpu.memory_space<hbm>>
          tpu.enqueue_indirect_dma source(%dma_start3A_224 : memref<10000x128xf32, #tpu.memory_space<hbm>>) target(%arg12 : memref<125x128xf32, #tpu.memory_space<vmem>>) offsets(%dma_start3A_221 : memref<125xi32, #tpu.memory_space<vmem>>) semaphore(%arg18 : memref<!tpu.dma_semaphore, #tpu.memory_space<semaphore_mem>>)
        } else {
        }
      }
      %scan3A_155 = arith.constant 10 : i32
      %add3A_156 = arith.constant 2 : i32
      %add3A_157 = arith.addi %mul3A_118, %add3A_156 : i32
      %lt3A_158 = arith.constant 4 : i32
      %lt3A_159 = arith.cmpi slt, %add3A_157, %lt3A_158 : i32
      %convert_element_type3A_160 = arith.extui %lt3A_159 : i1 to i32
      %cond3A_161 = arith.constant 0 : i32
      %cond3A_162 = arith.cmpi ne, %convert_element_type3A_160, %cond3A_161 : i32
      scf.if %cond3A_162 {
        %dma_wait3A_170 = arith.constant 1 : i32
        %dma_wait3A_171 = arith.constant 0 : i32
        %dma_wait3A_172 = arith.constant 0 : i32
        %dma_wait3A_173 = arith.constant 0 : i32
        %dma_wait3A_174 = tpu.memref_slice %arg3[%dma_wait3A_170, %add3A, %dma_wait3A_171, %dma_wait3A_172, %dma_wait3A_173] : memref<2x32x4x20x125xi32, #tpu.memory_space<hbm>> -> memref<1x1x1x20x125xi32, #tpu.memory_space<hbm>>
        %dma_wait3A_175 = tpu.memref_squeeze %dma_wait3A_174 : memref<1x1x1x20x125xi32, #tpu.memory_space<hbm>> -> memref<20x125xi32, #tpu.memory_space<hbm>>
        %dma_wait3A_176 = arith.constant 0 : i32
        %dma_wait3A_177 = arith.constant 0 : i32
        %dma_wait3A_178 = tpu.memref_slice %arg3[%dma_wait3A_170, %add3A, %dma_wait3A_171, %dma_wait3A_176, %dma_wait3A_177] : memref<2x32x4x20x125xi32, #tpu.memory_space<hbm>> -> memref<1x1x1x20x125xi32, #tpu.memory_space<hbm>>
        %dma_wait3A_179 = tpu.memref_squeeze %dma_wait3A_178 : memref<1x1x1x20x125xi32, #tpu.memory_space<hbm>> -> memref<20x125xi32, #tpu.memory_space<hbm>>
        tpu.wait_dma2 semaphore(%arg14 : memref<!tpu.dma_semaphore, #tpu.memory_space<semaphore_mem>>) src(%dma_wait3A_179 : memref<20x125xi32, #tpu.memory_space<hbm>>) dst(%arg8 : memref<20x125xi32, #tpu.memory_space<vmem>>)
      } else {
      }
      %add3A_163 = arith.constant 3 : i32
      %add3A_164 = arith.addi %mul3A_118, %add3A_163 : i32
      %lt3A_165 = arith.constant 4 : i32
      %lt3A_166 = arith.cmpi slt, %add3A_164, %lt3A_165 : i32
      %convert_element_type3A_167 = arith.extui %lt3A_166 : i1 to i32
      %cond3A_168 = arith.constant 0 : i32
      %cond3A_169 = arith.cmpi ne, %convert_element_type3A_167, %cond3A_168 : i32
      scf.if %cond3A_169 {
        %add3A_170 = arith.constant 3 : i32
        %add3A_171 = arith.addi %mul3A_118, %add3A_170 : i32
        %dma_start3A_172 = arith.constant 0 : i32
        %dma_start3A_173 = arith.constant 0 : i32
        %dma_start3A_174 = arith.constant 0 : i32
        %dma_start3A_175 = tpu.memref_slice %arg3[%dma_start3A_172, %add3A, %add3A_171, %dma_start3A_173, %dma_start3A_174] : memref<2x32x4x20x125xi32, #tpu.memory_space<hbm>> -> memref<1x1x1x20x125xi32, #tpu.memory_space<hbm>>
        %dma_start3A_176 = tpu.memref_squeeze %dma_start3A_175 : memref<1x1x1x20x125xi32, #tpu.memory_space<hbm>> -> memref<20x125xi32, #tpu.memory_space<hbm>>
        %dma_start3A_177 = arith.constant 0 : i32
        %dma_start3A_178 = arith.constant 0 : i32
        %dma_start3A_179 = tpu.memref_slice %arg3[%dma_start3A_172, %add3A, %add3A_171, %dma_start3A_177, %dma_start3A_178] : memref<2x32x4x20x125xi32, #tpu.memory_space<hbm>> -> memref<1x1x1x20x125xi32, #tpu.memory_space<hbm>>
        %dma_start3A_180 = tpu.memref_squeeze %dma_start3A_179 : memref<1x1x1x20x125xi32, #tpu.memory_space<hbm>> -> memref<20x125xi32, #tpu.memory_space<hbm>>
        tpu.enqueue_dma source(%dma_start3A_180 : memref<20x125xi32, #tpu.memory_space<hbm>>) target(%arg9 : memref<20x125xi32, #tpu.memory_space<vmem>>) target_semaphore(%arg15 : memref<!tpu.dma_semaphore, #tpu.memory_space<semaphore_mem>>)
        %add3A_181 = arith.constant 3 : i32
        %add3A_182 = arith.addi %mul3A_118, %add3A_181 : i32
        %dma_start3A_183 = arith.constant 1 : i32
        %dma_start3A_184 = arith.constant 0 : i32
        %dma_start3A_185 = arith.constant 0 : i32
        %dma_start3A_186 = tpu.memref_slice %arg3[%dma_start3A_183, %add3A, %add3A_182, %dma_start3A_184, %dma_start3A_185] : memref<2x32x4x20x125xi32, #tpu.memory_space<hbm>> -> memref<1x1x1x20x125xi32, #tpu.memory_space<hbm>>
        %dma_start3A_187 = tpu.memref_squeeze %dma_start3A_186 : memref<1x1x1x20x125xi32, #tpu.memory_space<hbm>> -> memref<20x125xi32, #tpu.memory_space<hbm>>
        %dma_start3A_188 = arith.constant 0 : i32
        %dma_start3A_189 = arith.constant 0 : i32
        %dma_start3A_190 = tpu.memref_slice %arg3[%dma_start3A_183, %add3A, %add3A_182, %dma_start3A_188, %dma_start3A_189] : memref<2x32x4x20x125xi32, #tpu.memory_space<hbm>> -> memref<1x1x1x20x125xi32, #tpu.memory_space<hbm>>
        %dma_start3A_191 = tpu.memref_squeeze %dma_start3A_190 : memref<1x1x1x20x125xi32, #tpu.memory_space<hbm>> -> memref<20x125xi32, #tpu.memory_space<hbm>>
        tpu.enqueue_dma source(%dma_start3A_191 : memref<20x125xi32, #tpu.memory_space<hbm>>) target(%arg10 : memref<20x125xi32, #tpu.memory_space<vmem>>) target_semaphore(%arg16 : memref<!tpu.dma_semaphore, #tpu.memory_space<semaphore_mem>>)
      } else {
      }
    }
    %scan3A_104 = arith.constant 2 : i32
    %barrier3A_105 = arith.constant 0 : index
    tpu.barrier barrier_id(%barrier3A_105)
    %lt3A_106 = arith.constant 15 : i32
    %lt3A_107 = arith.cmpi slt, %arg1, %lt3A_106 : i32
    %convert_element_type3A_108 = arith.extui %lt3A_107 : i1 to i32
    %cond3A_109 = arith.constant 0 : i32
    %cond3A_110 = arith.cmpi ne, %convert_element_type3A_108, %cond3A_109 : i32
    scf.if %cond3A_110 {
      %mul3A_116 = arith.constant 624 : i32
      %mul3A_117 = arith.muli %arg1, %mul3A_116 : i32
      %mul3A_118 = arith.constant 624 : i32
      %mul3A_119 = arith.muli %arg1, %mul3A_118 : i32
      "tpu.region"() ({
        %run_scoped3A = tpu.sem_alloc : memref<!tpu.dma_semaphore, #tpu.memory_space<semaphore_mem>>
        %dma_start3A_120 = arith.constant 0 : i32
        %dma_start3A_121 = tpu.memref_slice %arg5[%arg0, %mul3A_119, %dma_start3A_120] : memref<2x10000x128xf32, #tpu.memory_space<hbm>> -> memref<1x624x128xf32, #tpu.memory_space<hbm>>
        %dma_start3A_122 = tpu.memref_squeeze %dma_start3A_121 : memref<1x624x128xf32, #tpu.memory_space<hbm>> -> memref<624x128xf32, #tpu.memory_space<hbm>>
        %dma_start3A_123 = arith.constant 0 : i32
        %dma_start3A_124 = tpu.memref_slice %arg6[%mul3A_117, %dma_start3A_123] : memref<10000x128xf32, #tpu.memory_space<vmem_shared>> -> memref<624x128xf32, #tpu.memory_space<vmem_shared>>
        tpu.enqueue_dma source(%dma_start3A_124 : memref<624x128xf32, #tpu.memory_space<vmem_shared>>) target(%dma_start3A_122 : memref<624x128xf32, #tpu.memory_space<hbm>>) target_semaphore(%run_scoped3A : memref<!tpu.dma_semaphore, #tpu.memory_space<semaphore_mem>>)
        %dma_wait3A_125 = arith.constant 0 : i32
        %dma_wait3A_126 = tpu.memref_slice %arg5[%arg0, %mul3A_119, %dma_wait3A_125] : memref<2x10000x128xf32, #tpu.memory_space<hbm>> -> memref<1x624x128xf32, #tpu.memory_space<hbm>>
        %dma_wait3A_127 = tpu.memref_squeeze %dma_wait3A_126 : memref<1x624x128xf32, #tpu.memory_space<hbm>> -> memref<624x128xf32, #tpu.memory_space<hbm>>
        %dma_wait3A_128 = arith.constant 0 : i32
        %dma_wait3A_129 = tpu.memref_slice %arg6[%mul3A_117, %dma_wait3A_128] : memref<10000x128xf32, #tpu.memory_space<vmem_shared>> -> memref<624x128xf32, #tpu.memory_space<vmem_shared>>
        tpu.wait_dma2 semaphore(%run_scoped3A : memref<!tpu.dma_semaphore, #tpu.memory_space<semaphore_mem>>) src(%dma_wait3A_129 : memref<624x128xf32, #tpu.memory_space<vmem_shared>>) dst(%dma_wait3A_127 : memref<624x128xf32, #tpu.memory_space<hbm>>)
        tpu.yield
      }) : () -> ()
    } else {
    }
    %eq3A_111 = arith.constant 15 : i32
    %eq3A_112 = arith.cmpi eq, %arg1, %eq3A_111 : i32
    %convert_element_type3A_113 = arith.extui %eq3A_112 : i1 to i32
    %cond3A_114 = arith.constant 0 : i32
    %cond3A_115 = arith.cmpi ne, %convert_element_type3A_113, %cond3A_114 : i32
    scf.if %cond3A_115 {
      "tpu.region"() ({
        %run_scoped3A = tpu.sem_alloc : memref<!tpu.dma_semaphore, #tpu.memory_space<semaphore_mem>>
        %dma_start3A_116 = arith.constant 9360 : i32
        %dma_start3A_117 = arith.constant 0 : i32
        %dma_start3A_118 = tpu.memref_slice %arg5[%arg0, %dma_start3A_116, %dma_start3A_117] : memref<2x10000x128xf32, #tpu.memory_space<hbm>> -> memref<1x640x128xf32, #tpu.memory_space<hbm>>
        %dma_start3A_119 = tpu.memref_squeeze %dma_start3A_118 : memref<1x640x128xf32, #tpu.memory_space<hbm>> -> memref<640x128xf32, #tpu.memory_space<hbm>>
        %dma_start3A_120 = arith.constant 9360 : i32
        %dma_start3A_121 = arith.constant 0 : i32
        %dma_start3A_122 = tpu.memref_slice %arg6[%dma_start3A_120, %dma_start3A_121] : memref<10000x128xf32, #tpu.memory_space<vmem_shared>> -> memref<640x128xf32, #tpu.memory_space<vmem_shared>>
        tpu.enqueue_dma source(%dma_start3A_122 : memref<640x128xf32, #tpu.memory_space<vmem_shared>>) target(%dma_start3A_119 : memref<640x128xf32, #tpu.memory_space<hbm>>) target_semaphore(%run_scoped3A : memref<!tpu.dma_semaphore, #tpu.memory_space<semaphore_mem>>)
        %dma_wait3A_123 = arith.constant 9360 : i32
        %dma_wait3A_124 = arith.constant 0 : i32
        %dma_wait3A_125 = tpu.memref_slice %arg5[%arg0, %dma_wait3A_123, %dma_wait3A_124] : memref<2x10000x128xf32, #tpu.memory_space<hbm>> -> memref<1x640x128xf32, #tpu.memory_space<hbm>>
        %dma_wait3A_126 = tpu.memref_squeeze %dma_wait3A_125 : memref<1x640x128xf32, #tpu.memory_space<hbm>> -> memref<640x128xf32, #tpu.memory_space<hbm>>
        %dma_wait3A_127 = arith.constant 9360 : i32
        %dma_wait3A_128 = arith.constant 0 : i32
        %dma_wait3A_129 = tpu.memref_slice %arg6[%dma_wait3A_127, %dma_wait3A_128] : memref<10000x128xf32, #tpu.memory_space<vmem_shared>> -> memref<640x128xf32, #tpu.memory_space<vmem_shared>>
        tpu.wait_dma2 semaphore(%run_scoped3A : memref<!tpu.dma_semaphore, #tpu.memory_space<semaphore_mem>>) src(%dma_wait3A_129 : memref<640x128xf32, #tpu.memory_space<vmem_shared>>) dst(%dma_wait3A_126 : memref<640x128xf32, #tpu.memory_space<hbm>>)
        tpu.yield
      }) : () -> ()
    } else {
    }
    return
  }
}

#map = affine_map<(d0, d1) -> (0, 0)>
#map1 = affine_map<(d0, d1) -> (0, 0, 0, 0, 0)>
#map2 = affine_map<(d0, d1) -> (0, 0, 0)>
module attributes {stable_mosaic.version = 14 : i64} {
  func.func @sc_agg(%arg0: i32, %arg1: i32, %arg2: memref<10000x128xf32, #tpu.memory_space<hbm>>, %arg3: memref<2x32x4x20x125xi32, #tpu.memory_space<hbm>>, %arg4: memref<10000x128xf32, #tpu.memory_space<hbm>>, %arg5: memref<2x10000x128xf32, #tpu.memory_space<hbm>>, %arg6: memref<10000x128xf32, #tpu.memory_space<vmem_shared>>, %arg7: memref<20x125xi32, #tpu.memory_space<vmem>>, %arg8: memref<20x125xi32, #tpu.memory_space<vmem>>, %arg9: memref<20x125xi32, #tpu.memory_space<vmem>>, %arg10: memref<20x125xi32, #tpu.memory_space<vmem>>, %arg11: memref<125x128xf32, #tpu.memory_space<vmem>>, %arg12: memref<125x128xf32, #tpu.memory_space<vmem>>, %arg13: memref<!tpu.dma_semaphore, #tpu.memory_space<semaphore_mem>>, %arg14: memref<!tpu.dma_semaphore, #tpu.memory_space<semaphore_mem>>, %arg15: memref<!tpu.dma_semaphore, #tpu.memory_space<semaphore_mem>>, %arg16: memref<!tpu.dma_semaphore, #tpu.memory_space<semaphore_mem>>, %arg17: memref<!tpu.dma_semaphore, #tpu.memory_space<semaphore_mem>>, %arg18: memref<!tpu.dma_semaphore, #tpu.memory_space<semaphore_mem>>) attributes {dimension_semantics = [#tpu.dimension_semantics<core_parallel>, #tpu.dimension_semantics<subcore_parallel>], iteration_bounds = array<i64: 2, 16>, scalar_prefetch = 0 : i64, scratch_operands = 13 : i64, tpu.core_type = #tpu.core_type<sc_vector_subcore>, window_params = [{transform_indices = #map}, {transform_indices = #map1}, {transform_indices = #map}, {transform_indices = #map2}]} {
    %mul3A = arith.constant 2 : i32
    %mul3A_0 = arith.muli %arg1, %mul3A : i32
    %add3A = arith.addi %mul3A_0, %arg0 : i32
    %dma_start3A = arith.constant 0 : i32
    %dma_start3A_1 = arith.constant 0 : i32
    %dma_start3A_2 = arith.constant 0 : i32
    %dma_start3A_3 = arith.constant 0 : i32
    %dma_start3A_4 = tpu.memref_slice %arg3[%dma_start3A, %add3A, %dma_start3A_1, %dma_start3A_2, %dma_start3A_3] : memref<2x32x4x20x125xi32, #tpu.memory_space<hbm>> -> memref<1x1x1x20x125xi32, #tpu.memory_space<hbm>>
    %dma_start3A_5 = tpu.memref_squeeze %dma_start3A_4 : memref<1x1x1x20x125xi32, #tpu.memory_space<hbm>> -> memref<20x125xi32, #tpu.memory_space<hbm>>
    %dma_start3A_6 = arith.constant 0 : i32
    %dma_start3A_7 = arith.constant 0 : i32
    %dma_start3A_8 = tpu.memref_slice %arg3[%dma_start3A, %add3A, %dma_start3A_1, %dma_start3A_6, %dma_start3A_7] : memref<2x32x4x20x125xi32, #tpu.memory_space<hbm>> -> memref<1x1x1x20x125xi32, #tpu.memory_space<hbm>>
    %dma_start3A_9 = tpu.memref_squeeze %dma_start3A_8 : memref<1x1x1x20x125xi32, #tpu.memory_space<hbm>> -> memref<20x125xi32, #tpu.memory_space<hbm>>
    tpu.enqueue_dma source(%dma_start3A_9 : memref<20x125xi32, #tpu.memory_space<hbm>>) target(%arg7 : memref<20x125xi32, #tpu.memory_space<vmem>>) target_semaphore(%arg13 : memref<!tpu.dma_semaphore, #tpu.memory_space<semaphore_mem>>)
    %dma_start3A_10 = arith.constant 1 : i32
    %dma_start3A_11 = arith.constant 0 : i32
    %dma_start3A_12 = arith.constant 0 : i32
    %dma_start3A_13 = arith.constant 0 : i32
    %dma_start3A_14 = tpu.memref_slice %arg3[%dma_start3A_10, %add3A, %dma_start3A_11, %dma_start3A_12, %dma_start3A_13] : memref<2x32x4x20x125xi32, #tpu.memory_space<hbm>> -> memref<1x1x1x20x125xi32, #tpu.memory_space<hbm>>
    %dma_start3A_15 = tpu.memref_squeeze %dma_start3A_14 : memref<1x1x1x20x125xi32, #tpu.memory_space<hbm>> -> memref<20x125xi32, #tpu.memory_space<hbm>>
    %dma_start3A_16 = arith.constant 0 : i32
    %dma_start3A_17 = arith.constant 0 : i32
    %dma_start3A_18 = tpu.memref_slice %arg3[%dma_start3A_10, %add3A, %dma_start3A_11, %dma_start3A_16, %dma_start3A_17] : memref<2x32x4x20x125xi32, #tpu.memory_space<hbm>> -> memref<1x1x1x20x125xi32, #tpu.memory_space<hbm>>
    %dma_start3A_19 = tpu.memref_squeeze %dma_start3A_18 : memref<1x1x1x20x125xi32, #tpu.memory_space<hbm>> -> memref<20x125xi32, #tpu.memory_space<hbm>>
    tpu.enqueue_dma source(%dma_start3A_19 : memref<20x125xi32, #tpu.memory_space<hbm>>) target(%arg8 : memref<20x125xi32, #tpu.memory_space<vmem>>) target_semaphore(%arg14 : memref<!tpu.dma_semaphore, #tpu.memory_space<semaphore_mem>>)
    %dma_start3A_20 = arith.constant 0 : i32
    %dma_start3A_21 = arith.constant 1 : i32
    %dma_start3A_22 = arith.constant 0 : i32
    %dma_start3A_23 = arith.constant 0 : i32
    %dma_start3A_24 = tpu.memref_slice %arg3[%dma_start3A_20, %add3A, %dma_start3A_21, %dma_start3A_22, %dma_start3A_23] : memref<2x32x4x20x125xi32, #tpu.memory_space<hbm>> -> memref<1x1x1x20x125xi32, #tpu.memory_space<hbm>>
    %dma_start3A_25 = tpu.memref_squeeze %dma_start3A_24 : memref<1x1x1x20x125xi32, #tpu.memory_space<hbm>> -> memref<20x125xi32, #tpu.memory_space<hbm>>
    %dma_start3A_26 = arith.constant 0 : i32
    %dma_start3A_27 = arith.constant 0 : i32
    %dma_start3A_28 = tpu.memref_slice %arg3[%dma_start3A_20, %add3A, %dma_start3A_21, %dma_start3A_26, %dma_start3A_27] : memref<2x32x4x20x125xi32, #tpu.memory_space<hbm>> -> memref<1x1x1x20x125xi32, #tpu.memory_space<hbm>>
    %dma_start3A_29 = tpu.memref_squeeze %dma_start3A_28 : memref<1x1x1x20x125xi32, #tpu.memory_space<hbm>> -> memref<20x125xi32, #tpu.memory_space<hbm>>
    tpu.enqueue_dma source(%dma_start3A_29 : memref<20x125xi32, #tpu.memory_space<hbm>>) target(%arg9 : memref<20x125xi32, #tpu.memory_space<vmem>>) target_semaphore(%arg15 : memref<!tpu.dma_semaphore, #tpu.memory_space<semaphore_mem>>)
    %dma_start3A_30 = arith.constant 1 : i32
    %dma_start3A_31 = arith.constant 1 : i32
    %dma_start3A_32 = arith.constant 0 : i32
    %dma_start3A_33 = arith.constant 0 : i32
    %dma_start3A_34 = tpu.memref_slice %arg3[%dma_start3A_30, %add3A, %dma_start3A_31, %dma_start3A_32, %dma_start3A_33] : memref<2x32x4x20x125xi32, #tpu.memory_space<hbm>> -> memref<1x1x1x20x125xi32, #tpu.memory_space<hbm>>
    %dma_start3A_35 = tpu.memref_squeeze %dma_start3A_34 : memref<1x1x1x20x125xi32, #tpu.memory_space<hbm>> -> memref<20x125xi32, #tpu.memory_space<hbm>>
    %dma_start3A_36 = arith.constant 0 : i32
    %dma_start3A_37 = arith.constant 0 : i32
    %dma_start3A_38 = tpu.memref_slice %arg3[%dma_start3A_30, %add3A, %dma_start3A_31, %dma_start3A_36, %dma_start3A_37] : memref<2x32x4x20x125xi32, #tpu.memory_space<hbm>> -> memref<1x1x1x20x125xi32, #tpu.memory_space<hbm>>
    %dma_start3A_39 = tpu.memref_squeeze %dma_start3A_38 : memref<1x1x1x20x125xi32, #tpu.memory_space<hbm>> -> memref<20x125xi32, #tpu.memory_space<hbm>>
    tpu.enqueue_dma source(%dma_start3A_39 : memref<20x125xi32, #tpu.memory_space<hbm>>) target(%arg10 : memref<20x125xi32, #tpu.memory_space<vmem>>) target_semaphore(%arg16 : memref<!tpu.dma_semaphore, #tpu.memory_space<semaphore_mem>>)
    %eq3A = arith.constant 0 : i32
    %eq3A_40 = arith.cmpi eq, %arg0, %eq3A : i32
    %lt3A = arith.constant 15 : i32
    %lt3A_41 = arith.cmpi slt, %arg1, %lt3A : i32
    %and3A = arith.andi %eq3A_40, %lt3A_41 : i1
    %convert_element_type3A = arith.extui %and3A : i1 to i32
    %cond3A = arith.constant 0 : i32
    %cond3A_42 = arith.cmpi ne, %convert_element_type3A, %cond3A : i32
    scf.if %cond3A_42 {
      %mul3A_116 = arith.constant 624 : i32
      %mul3A_117 = arith.muli %arg1, %mul3A_116 : i32
      %mul3A_118 = arith.constant 624 : i32
      %mul3A_119 = arith.muli %arg1, %mul3A_118 : i32
      "tpu.region"() ({
        %run_scoped3A = tpu.sem_alloc : memref<!tpu.dma_semaphore, #tpu.memory_space<semaphore_mem>>
        %dma_start3A_120 = arith.constant 0 : i32
        %dma_start3A_121 = tpu.memref_slice %arg6[%mul3A_119, %dma_start3A_120] : memref<10000x128xf32, #tpu.memory_space<vmem_shared>> -> memref<624x128xf32, #tpu.memory_space<vmem_shared>>
        %dma_start3A_122 = arith.constant 0 : i32
        %dma_start3A_123 = tpu.memref_slice %arg2[%mul3A_117, %dma_start3A_122] : memref<10000x128xf32, #tpu.memory_space<hbm>> -> memref<624x128xf32, #tpu.memory_space<hbm>>
        tpu.enqueue_dma source(%dma_start3A_123 : memref<624x128xf32, #tpu.memory_space<hbm>>) target(%dma_start3A_121 : memref<624x128xf32, #tpu.memory_space<vmem_shared>>) target_semaphore(%run_scoped3A : memref<!tpu.dma_semaphore, #tpu.memory_space<semaphore_mem>>)
        %dma_wait3A_124 = arith.constant 0 : i32
        %dma_wait3A_125 = tpu.memref_slice %arg6[%mul3A_119, %dma_wait3A_124] : memref<10000x128xf32, #tpu.memory_space<vmem_shared>> -> memref<624x128xf32, #tpu.memory_space<vmem_shared>>
        %dma_wait3A_126 = arith.constant 0 : i32
        %dma_wait3A_127 = tpu.memref_slice %arg2[%mul3A_117, %dma_wait3A_126] : memref<10000x128xf32, #tpu.memory_space<hbm>> -> memref<624x128xf32, #tpu.memory_space<hbm>>
        tpu.wait_dma2 semaphore(%run_scoped3A : memref<!tpu.dma_semaphore, #tpu.memory_space<semaphore_mem>>) src(%dma_wait3A_127 : memref<624x128xf32, #tpu.memory_space<hbm>>) dst(%dma_wait3A_125 : memref<624x128xf32, #tpu.memory_space<vmem_shared>>)
        tpu.yield
      }) : () -> ()
    } else {
    }
    %eq3A_43 = arith.constant 0 : i32
    %eq3A_44 = arith.cmpi eq, %arg0, %eq3A_43 : i32
    %eq3A_45 = arith.constant 15 : i32
    %eq3A_46 = arith.cmpi eq, %arg1, %eq3A_45 : i32
    %and3A_47 = arith.andi %eq3A_44, %eq3A_46 : i1
    %convert_element_type3A_48 = arith.extui %and3A_47 : i1 to i32
    %cond3A_49 = arith.constant 0 : i32
    %cond3A_50 = arith.cmpi ne, %convert_element_type3A_48, %cond3A_49 : i32
    scf.if %cond3A_50 {
      "tpu.region"() ({
        %run_scoped3A = tpu.sem_alloc : memref<!tpu.dma_semaphore, #tpu.memory_space<semaphore_mem>>
        %dma_start3A_116 = arith.constant 9360 : i32
        %dma_start3A_117 = arith.constant 0 : i32
        %dma_start3A_118 = tpu.memref_slice %arg6[%dma_start3A_116, %dma_start3A_117] : memref<10000x128xf32, #tpu.memory_space<vmem_shared>> -> memref<640x128xf32, #tpu.memory_space<vmem_shared>>
        %dma_start3A_119 = arith.constant 9360 : i32
        %dma_start3A_120 = arith.constant 0 : i32
        %dma_start3A_121 = tpu.memref_slice %arg2[%dma_start3A_119, %dma_start3A_120] : memref<10000x128xf32, #tpu.memory_space<hbm>> -> memref<640x128xf32, #tpu.memory_space<hbm>>
        tpu.enqueue_dma source(%dma_start3A_121 : memref<640x128xf32, #tpu.memory_space<hbm>>) target(%dma_start3A_118 : memref<640x128xf32, #tpu.memory_space<vmem_shared>>) target_semaphore(%run_scoped3A : memref<!tpu.dma_semaphore, #tpu.memory_space<semaphore_mem>>)
        %dma_wait3A_122 = arith.constant 9360 : i32
        %dma_wait3A_123 = arith.constant 0 : i32
        %dma_wait3A_124 = tpu.memref_slice %arg6[%dma_wait3A_122, %dma_wait3A_123] : memref<10000x128xf32, #tpu.memory_space<vmem_shared>> -> memref<640x128xf32, #tpu.memory_space<vmem_shared>>
        %dma_wait3A_125 = arith.constant 9360 : i32
        %dma_wait3A_126 = arith.constant 0 : i32
        %dma_wait3A_127 = tpu.memref_slice %arg2[%dma_wait3A_125, %dma_wait3A_126] : memref<10000x128xf32, #tpu.memory_space<hbm>> -> memref<640x128xf32, #tpu.memory_space<hbm>>
        tpu.wait_dma2 semaphore(%run_scoped3A : memref<!tpu.dma_semaphore, #tpu.memory_space<semaphore_mem>>) src(%dma_wait3A_127 : memref<640x128xf32, #tpu.memory_space<hbm>>) dst(%dma_wait3A_124 : memref<640x128xf32, #tpu.memory_space<vmem_shared>>)
        tpu.yield
      }) : () -> ()
    } else {
    }
    %eq3A_51 = arith.constant 1 : i32
    %eq3A_52 = arith.cmpi eq, %arg0, %eq3A_51 : i32
    %lt3A_53 = arith.constant 15 : i32
    %lt3A_54 = arith.cmpi slt, %arg1, %lt3A_53 : i32
    %and3A_55 = arith.andi %eq3A_52, %lt3A_54 : i1
    %convert_element_type3A_56 = arith.extui %and3A_55 : i1 to i32
    %cond3A_57 = arith.constant 0 : i32
    %cond3A_58 = arith.cmpi ne, %convert_element_type3A_56, %cond3A_57 : i32
    scf.if %cond3A_58 {
      %mul3A_116 = arith.constant 624 : i32
      %mul3A_117 = arith.muli %arg1, %mul3A_116 : i32
      %mul3A_118 = arith.constant 624 : i32
      %mul3A_119 = arith.muli %arg1, %mul3A_118 : i32
      "tpu.region"() ({
        %run_scoped3A = tpu.sem_alloc : memref<!tpu.dma_semaphore, #tpu.memory_space<semaphore_mem>>
        %dma_start3A_120 = arith.constant 0 : i32
        %dma_start3A_121 = tpu.memref_slice %arg6[%mul3A_119, %dma_start3A_120] : memref<10000x128xf32, #tpu.memory_space<vmem_shared>> -> memref<624x128xf32, #tpu.memory_space<vmem_shared>>
        %dma_start3A_122 = arith.constant 0 : i32
        %dma_start3A_123 = tpu.memref_slice %arg4[%mul3A_117, %dma_start3A_122] : memref<10000x128xf32, #tpu.memory_space<hbm>> -> memref<624x128xf32, #tpu.memory_space<hbm>>
        tpu.enqueue_dma source(%dma_start3A_123 : memref<624x128xf32, #tpu.memory_space<hbm>>) target(%dma_start3A_121 : memref<624x128xf32, #tpu.memory_space<vmem_shared>>) target_semaphore(%run_scoped3A : memref<!tpu.dma_semaphore, #tpu.memory_space<semaphore_mem>>)
        %dma_wait3A_124 = arith.constant 0 : i32
        %dma_wait3A_125 = tpu.memref_slice %arg6[%mul3A_119, %dma_wait3A_124] : memref<10000x128xf32, #tpu.memory_space<vmem_shared>> -> memref<624x128xf32, #tpu.memory_space<vmem_shared>>
        %dma_wait3A_126 = arith.constant 0 : i32
        %dma_wait3A_127 = tpu.memref_slice %arg4[%mul3A_117, %dma_wait3A_126] : memref<10000x128xf32, #tpu.memory_space<hbm>> -> memref<624x128xf32, #tpu.memory_space<hbm>>
        tpu.wait_dma2 semaphore(%run_scoped3A : memref<!tpu.dma_semaphore, #tpu.memory_space<semaphore_mem>>) src(%dma_wait3A_127 : memref<624x128xf32, #tpu.memory_space<hbm>>) dst(%dma_wait3A_125 : memref<624x128xf32, #tpu.memory_space<vmem_shared>>)
        tpu.yield
      }) : () -> ()
    } else {
    }
    %eq3A_59 = arith.constant 1 : i32
    %eq3A_60 = arith.cmpi eq, %arg0, %eq3A_59 : i32
    %eq3A_61 = arith.constant 15 : i32
    %eq3A_62 = arith.cmpi eq, %arg1, %eq3A_61 : i32
    %and3A_63 = arith.andi %eq3A_60, %eq3A_62 : i1
    %convert_element_type3A_64 = arith.extui %and3A_63 : i1 to i32
    %cond3A_65 = arith.constant 0 : i32
    %cond3A_66 = arith.cmpi ne, %convert_element_type3A_64, %cond3A_65 : i32
    scf.if %cond3A_66 {
      "tpu.region"() ({
        %run_scoped3A = tpu.sem_alloc : memref<!tpu.dma_semaphore, #tpu.memory_space<semaphore_mem>>
        %dma_start3A_116 = arith.constant 9360 : i32
        %dma_start3A_117 = arith.constant 0 : i32
        %dma_start3A_118 = tpu.memref_slice %arg6[%dma_start3A_116, %dma_start3A_117] : memref<10000x128xf32, #tpu.memory_space<vmem_shared>> -> memref<640x128xf32, #tpu.memory_space<vmem_shared>>
        %dma_start3A_119 = arith.constant 9360 : i32
        %dma_start3A_120 = arith.constant 0 : i32
        %dma_start3A_121 = tpu.memref_slice %arg4[%dma_start3A_119, %dma_start3A_120] : memref<10000x128xf32, #tpu.memory_space<hbm>> -> memref<640x128xf32, #tpu.memory_space<hbm>>
        tpu.enqueue_dma source(%dma_start3A_121 : memref<640x128xf32, #tpu.memory_space<hbm>>) target(%dma_start3A_118 : memref<640x128xf32, #tpu.memory_space<vmem_shared>>) target_semaphore(%run_scoped3A : memref<!tpu.dma_semaphore, #tpu.memory_space<semaphore_mem>>)
        %dma_wait3A_122 = arith.constant 9360 : i32
        %dma_wait3A_123 = arith.constant 0 : i32
        %dma_wait3A_124 = tpu.memref_slice %arg6[%dma_wait3A_122, %dma_wait3A_123] : memref<10000x128xf32, #tpu.memory_space<vmem_shared>> -> memref<640x128xf32, #tpu.memory_space<vmem_shared>>
        %dma_wait3A_125 = arith.constant 9360 : i32
        %dma_wait3A_126 = arith.constant 0 : i32
        %dma_wait3A_127 = tpu.memref_slice %arg4[%dma_wait3A_125, %dma_wait3A_126] : memref<10000x128xf32, #tpu.memory_space<hbm>> -> memref<640x128xf32, #tpu.memory_space<hbm>>
        tpu.wait_dma2 semaphore(%run_scoped3A : memref<!tpu.dma_semaphore, #tpu.memory_space<semaphore_mem>>) src(%dma_wait3A_127 : memref<640x128xf32, #tpu.memory_space<hbm>>) dst(%dma_wait3A_124 : memref<640x128xf32, #tpu.memory_space<vmem_shared>>)
        tpu.yield
      }) : () -> ()
    } else {
    }
    %barrier3A = arith.constant 0 : index
    tpu.barrier barrier_id(%barrier3A)
    %dma_wait3A = arith.constant 0 : i32
    %dma_wait3A_67 = arith.constant 0 : i32
    %dma_wait3A_68 = arith.constant 0 : i32
    %dma_wait3A_69 = arith.constant 0 : i32
    %dma_wait3A_70 = tpu.memref_slice %arg3[%dma_wait3A, %add3A, %dma_wait3A_67, %dma_wait3A_68, %dma_wait3A_69] : memref<2x32x4x20x125xi32, #tpu.memory_space<hbm>> -> memref<1x1x1x20x125xi32, #tpu.memory_space<hbm>>
    %dma_wait3A_71 = tpu.memref_squeeze %dma_wait3A_70 : memref<1x1x1x20x125xi32, #tpu.memory_space<hbm>> -> memref<20x125xi32, #tpu.memory_space<hbm>>
    %dma_wait3A_72 = arith.constant 0 : i32
    %dma_wait3A_73 = arith.constant 0 : i32
    %dma_wait3A_74 = tpu.memref_slice %arg3[%dma_wait3A, %add3A, %dma_wait3A_67, %dma_wait3A_72, %dma_wait3A_73] : memref<2x32x4x20x125xi32, #tpu.memory_space<hbm>> -> memref<1x1x1x20x125xi32, #tpu.memory_space<hbm>>
    %dma_wait3A_75 = tpu.memref_squeeze %dma_wait3A_74 : memref<1x1x1x20x125xi32, #tpu.memory_space<hbm>> -> memref<20x125xi32, #tpu.memory_space<hbm>>
    tpu.wait_dma2 semaphore(%arg13 : memref<!tpu.dma_semaphore, #tpu.memory_space<semaphore_mem>>) src(%dma_wait3A_75 : memref<20x125xi32, #tpu.memory_space<hbm>>) dst(%arg7 : memref<20x125xi32, #tpu.memory_space<vmem>>)
    %dma_wait3A_76 = arith.constant 1 : i32
    %dma_wait3A_77 = arith.constant 0 : i32
    %dma_wait3A_78 = arith.constant 0 : i32
    %dma_wait3A_79 = arith.constant 0 : i32
    %dma_wait3A_80 = tpu.memref_slice %arg3[%dma_wait3A_76, %add3A, %dma_wait3A_77, %dma_wait3A_78, %dma_wait3A_79] : memref<2x32x4x20x125xi32, #tpu.memory_space<hbm>> -> memref<1x1x1x20x125xi32, #tpu.memory_space<hbm>>
    %dma_wait3A_81 = tpu.memref_squeeze %dma_wait3A_80 : memref<1x1x1x20x125xi32, #tpu.memory_space<hbm>> -> memref<20x125xi32, #tpu.memory_space<hbm>>
    %dma_wait3A_82 = arith.constant 0 : i32
    %dma_wait3A_83 = arith.constant 0 : i32
    %dma_wait3A_84 = tpu.memref_slice %arg3[%dma_wait3A_76, %add3A, %dma_wait3A_77, %dma_wait3A_82, %dma_wait3A_83] : memref<2x32x4x20x125xi32, #tpu.memory_space<hbm>> -> memref<1x1x1x20x125xi32, #tpu.memory_space<hbm>>
    %dma_wait3A_85 = tpu.memref_squeeze %dma_wait3A_84 : memref<1x1x1x20x125xi32, #tpu.memory_space<hbm>> -> memref<20x125xi32, #tpu.memory_space<hbm>>
    tpu.wait_dma2 semaphore(%arg14 : memref<!tpu.dma_semaphore, #tpu.memory_space<semaphore_mem>>) src(%dma_wait3A_85 : memref<20x125xi32, #tpu.memory_space<hbm>>) dst(%arg8 : memref<20x125xi32, #tpu.memory_space<vmem>>)
    %dma_start3A_86 = arith.constant 0 : i32
    %dma_start3A_87 = arith.constant 0 : i32
    %dma_start3A_88 = tpu.memref_slice %arg7[%dma_start3A_86, %dma_start3A_87] : memref<20x125xi32, #tpu.memory_space<vmem>> -> memref<1x125xi32, #tpu.memory_space<vmem>>
    %dma_start3A_89 = tpu.memref_squeeze %dma_start3A_88 : memref<1x125xi32, #tpu.memory_space<vmem>> -> memref<125xi32, #tpu.memory_space<vmem>>
    %dma_start3A_90 = arith.constant 0 : i32
    %dma_start3A_91 = arith.constant 0 : i32
    %dma_start3A_92 = tpu.memref_slice %arg2[%dma_start3A_90, %dma_start3A_91] : memref<10000x128xf32, #tpu.memory_space<hbm>> -> memref<10000x128xf32, #tpu.memory_space<hbm>>
    tpu.enqueue_indirect_dma source(%dma_start3A_92 : memref<10000x128xf32, #tpu.memory_space<hbm>>) target(%arg11 : memref<125x128xf32, #tpu.memory_space<vmem>>) offsets(%dma_start3A_89 : memref<125xi32, #tpu.memory_space<vmem>>) semaphore(%arg17 : memref<!tpu.dma_semaphore, #tpu.memory_space<semaphore_mem>>)
    %dma_start3A_93 = arith.constant 1 : i32
    %dma_start3A_94 = arith.constant 0 : i32
    %dma_start3A_95 = tpu.memref_slice %arg7[%dma_start3A_93, %dma_start3A_94] : memref<20x125xi32, #tpu.memory_space<vmem>> -> memref<1x125xi32, #tpu.memory_space<vmem>>
    %dma_start3A_96 = tpu.memref_squeeze %dma_start3A_95 : memref<1x125xi32, #tpu.memory_space<vmem>> -> memref<125xi32, #tpu.memory_space<vmem>>
    %dma_start3A_97 = arith.constant 0 : i32
    %dma_start3A_98 = arith.constant 0 : i32
    %dma_start3A_99 = tpu.memref_slice %arg2[%dma_start3A_97, %dma_start3A_98] : memref<10000x128xf32, #tpu.memory_space<hbm>> -> memref<10000x128xf32, #tpu.memory_space<hbm>>
    tpu.enqueue_indirect_dma source(%dma_start3A_99 : memref<10000x128xf32, #tpu.memory_space<hbm>>) target(%arg12 : memref<125x128xf32, #tpu.memory_space<vmem>>) offsets(%dma_start3A_96 : memref<125xi32, #tpu.memory_space<vmem>>) semaphore(%arg18 : memref<!tpu.dma_semaphore, #tpu.memory_space<semaphore_mem>>)
    %scan3A = arith.constant 0 : i32
    %scan3A_100 = arith.constant 0 : i32
    %scan3A_101 = arith.constant 2 : i32
    %scan3A_102 = arith.addi %scan3A_100, %scan3A_101 : i32
    %scan3A_103 = arith.constant 1 : i32
    scf.for %scan3A_116 = %scan3A_100 to %scan3A_102 step %scan3A_103  : i32 {
      %mul3A_117 = arith.constant 2 : i32
      %mul3A_118 = arith.muli %mul3A_117, %scan3A_116 : i32
      %add3A_119 = arith.constant 1 : i32
      %add3A_120 = arith.addi %mul3A_118, %add3A_119 : i32
      %lt3A_121 = arith.constant 4 : i32
      %lt3A_122 = arith.cmpi slt, %add3A_120, %lt3A_121 : i32
      %scan3A_123 = arith.constant 0 : i32
      %scan3A_124 = arith.constant 0 : i32
      %scan3A_125 = arith.constant 10 : i32
      %scan3A_126 = arith.addi %scan3A_124, %scan3A_125 : i32
      %scan3A_127 = arith.constant 1 : i32
      scf.for %scan3A_170 = %scan3A_124 to %scan3A_126 step %scan3A_127  : i32 {
        %mul3A_171 = arith.constant 2 : i32
        %mul3A_172 = arith.muli %mul3A_171, %scan3A_170 : i32
        %dma_wait3A_173 = arith.constant 0 : i32
        %dma_wait3A_174 = arith.constant 0 : i32
        %dma_wait3A_175 = tpu.memref_slice %arg7[%dma_wait3A_173, %dma_wait3A_174] : memref<20x125xi32, #tpu.memory_space<vmem>> -> memref<1x125xi32, #tpu.memory_space<vmem>>
        %dma_wait3A_176 = tpu.memref_squeeze %dma_wait3A_175 : memref<1x125xi32, #tpu.memory_space<vmem>> -> memref<125xi32, #tpu.memory_space<vmem>>
        %dma_wait3A_177 = arith.constant 0 : i32
        %dma_wait3A_178 = arith.constant 0 : i32
        %dma_wait3A_179 = tpu.memref_slice %arg2[%dma_wait3A_177, %dma_wait3A_178] : memref<10000x128xf32, #tpu.memory_space<hbm>> -> memref<10000x128xf32, #tpu.memory_space<hbm>>
        tpu.wait_indirect_dma semaphore(%arg17 : memref<!tpu.dma_semaphore, #tpu.memory_space<semaphore_mem>>) src(%dma_wait3A_179 : memref<10000x128xf32, #tpu.memory_space<hbm>>) dst(%arg11 : memref<125x128xf32, #tpu.memory_space<vmem>>)
        "tpu.region"() ({
          %run_scoped3A = tpu.sem_alloc : memref<!tpu.dma_semaphore, #tpu.memory_space<semaphore_mem>>
          %dma_start3A_218 = arith.constant 0 : i32
          %dma_start3A_219 = tpu.memref_slice %arg8[%mul3A_172, %dma_start3A_218] : memref<20x125xi32, #tpu.memory_space<vmem>> -> memref<1x125xi32, #tpu.memory_space<vmem>>
          %dma_start3A_220 = tpu.memref_squeeze %dma_start3A_219 : memref<1x125xi32, #tpu.memory_space<vmem>> -> memref<125xi32, #tpu.memory_space<vmem>>
          %dma_start3A_221 = arith.constant 0 : i32
          %dma_start3A_222 = arith.constant 0 : i32
          %dma_start3A_223 = tpu.memref_slice %arg6[%dma_start3A_221, %dma_start3A_222] : memref<10000x128xf32, #tpu.memory_space<vmem_shared>> -> memref<10000x128xf32, #tpu.memory_space<vmem_shared>>
          tpu.enqueue_indirect_dma source(%arg11 : memref<125x128xf32, #tpu.memory_space<vmem>>) target(%dma_start3A_223 : memref<10000x128xf32, #tpu.memory_space<vmem_shared>>) offsets(%dma_start3A_220 : memref<125xi32, #tpu.memory_space<vmem>>) semaphore(%run_scoped3A : memref<!tpu.dma_semaphore, #tpu.memory_space<semaphore_mem>>) {add = true}
          %dma_wait3A_224 = arith.constant 0 : i32
          %dma_wait3A_225 = tpu.memref_slice %arg8[%mul3A_172, %dma_wait3A_224] : memref<20x125xi32, #tpu.memory_space<vmem>> -> memref<1x125xi32, #tpu.memory_space<vmem>>
          %dma_wait3A_226 = tpu.memref_squeeze %dma_wait3A_225 : memref<1x125xi32, #tpu.memory_space<vmem>> -> memref<125xi32, #tpu.memory_space<vmem>>
          %dma_wait3A_227 = arith.constant 0 : i32
          %dma_wait3A_228 = arith.constant 0 : i32
          %dma_wait3A_229 = tpu.memref_slice %arg6[%dma_wait3A_227, %dma_wait3A_228] : memref<10000x128xf32, #tpu.memory_space<vmem_shared>> -> memref<10000x128xf32, #tpu.memory_space<vmem_shared>>
          tpu.wait_indirect_dma semaphore(%run_scoped3A : memref<!tpu.dma_semaphore, #tpu.memory_space<semaphore_mem>>) src(%arg11 : memref<125x128xf32, #tpu.memory_space<vmem>>) dst(%dma_wait3A_229 : memref<10000x128xf32, #tpu.memory_space<vmem_shared>>)
          tpu.yield
        }) : () -> ()
        %add3A_180 = arith.constant 2 : i32
        %add3A_181 = arith.addi %mul3A_172, %add3A_180 : i32
        %lt3A_182 = arith.constant 20 : i32
        %lt3A_183 = arith.cmpi slt, %add3A_181, %lt3A_182 : i32
        %convert_element_type3A_184 = arith.extui %lt3A_183 : i1 to i32
        %cond3A_185 = arith.constant 0 : i32
        %cond3A_186 = arith.cmpi ne, %convert_element_type3A_184, %cond3A_185 : i32
        scf.if %cond3A_186 {
          %add3A_218 = arith.constant 2 : i32
          %add3A_219 = arith.addi %mul3A_172, %add3A_218 : i32
          %dma_start3A_220 = arith.constant 0 : i32
          %dma_start3A_221 = tpu.memref_slice %arg7[%add3A_219, %dma_start3A_220] : memref<20x125xi32, #tpu.memory_space<vmem>> -> memref<1x125xi32, #tpu.memory_space<vmem>>
          %dma_start3A_222 = tpu.memref_squeeze %dma_start3A_221 : memref<1x125xi32, #tpu.memory_space<vmem>> -> memref<125xi32, #tpu.memory_space<vmem>>
          %dma_start3A_223 = arith.constant 0 : i32
          %dma_start3A_224 = arith.constant 0 : i32
          %dma_start3A_225 = tpu.memref_slice %arg2[%dma_start3A_223, %dma_start3A_224] : memref<10000x128xf32, #tpu.memory_space<hbm>> -> memref<10000x128xf32, #tpu.memory_space<hbm>>
          tpu.enqueue_indirect_dma source(%dma_start3A_225 : memref<10000x128xf32, #tpu.memory_space<hbm>>) target(%arg11 : memref<125x128xf32, #tpu.memory_space<vmem>>) offsets(%dma_start3A_222 : memref<125xi32, #tpu.memory_space<vmem>>) semaphore(%arg17 : memref<!tpu.dma_semaphore, #tpu.memory_space<semaphore_mem>>)
        } else {
        }
        %add3A_187 = arith.constant 2 : i32
        %add3A_188 = arith.addi %mul3A_172, %add3A_187 : i32
        %ge3A = arith.constant 20 : i32
        %ge3A_189 = arith.cmpi sge, %add3A_188, %ge3A : i32
        %and3A_190 = arith.andi %ge3A_189, %lt3A_122 : i1
        %convert_element_type3A_191 = arith.extui %and3A_190 : i1 to i32
        %cond3A_192 = arith.constant 0 : i32
        %cond3A_193 = arith.cmpi ne, %convert_element_type3A_191, %cond3A_192 : i32
        scf.if %cond3A_193 {
          %dma_wait3A_218 = arith.constant 0 : i32
          %dma_wait3A_219 = arith.constant 0 : i32
          %dma_wait3A_220 = arith.constant 0 : i32
          %dma_wait3A_221 = arith.constant 0 : i32
          %dma_wait3A_222 = tpu.memref_slice %arg3[%dma_wait3A_218, %add3A, %dma_wait3A_219, %dma_wait3A_220, %dma_wait3A_221] : memref<2x32x4x20x125xi32, #tpu.memory_space<hbm>> -> memref<1x1x1x20x125xi32, #tpu.memory_space<hbm>>
          %dma_wait3A_223 = tpu.memref_squeeze %dma_wait3A_222 : memref<1x1x1x20x125xi32, #tpu.memory_space<hbm>> -> memref<20x125xi32, #tpu.memory_space<hbm>>
          %dma_wait3A_224 = arith.constant 0 : i32
          %dma_wait3A_225 = arith.constant 0 : i32
          %dma_wait3A_226 = tpu.memref_slice %arg3[%dma_wait3A_218, %add3A, %dma_wait3A_219, %dma_wait3A_224, %dma_wait3A_225] : memref<2x32x4x20x125xi32, #tpu.memory_space<hbm>> -> memref<1x1x1x20x125xi32, #tpu.memory_space<hbm>>
          %dma_wait3A_227 = tpu.memref_squeeze %dma_wait3A_226 : memref<1x1x1x20x125xi32, #tpu.memory_space<hbm>> -> memref<20x125xi32, #tpu.memory_space<hbm>>
          tpu.wait_dma2 semaphore(%arg15 : memref<!tpu.dma_semaphore, #tpu.memory_space<semaphore_mem>>) src(%dma_wait3A_227 : memref<20x125xi32, #tpu.memory_space<hbm>>) dst(%arg9 : memref<20x125xi32, #tpu.memory_space<vmem>>)
          %dma_start3A_228 = arith.constant 0 : i32
          %dma_start3A_229 = arith.constant 0 : i32
          %dma_start3A_230 = tpu.memref_slice %arg9[%dma_start3A_228, %dma_start3A_229] : memref<20x125xi32, #tpu.memory_space<vmem>> -> memref<1x125xi32, #tpu.memory_space<vmem>>
          %dma_start3A_231 = tpu.memref_squeeze %dma_start3A_230 : memref<1x125xi32, #tpu.memory_space<vmem>> -> memref<125xi32, #tpu.memory_space<vmem>>
          %dma_start3A_232 = arith.constant 0 : i32
          %dma_start3A_233 = arith.constant 0 : i32
          %dma_start3A_234 = tpu.memref_slice %arg2[%dma_start3A_232, %dma_start3A_233] : memref<10000x128xf32, #tpu.memory_space<hbm>> -> memref<10000x128xf32, #tpu.memory_space<hbm>>
          tpu.enqueue_indirect_dma source(%dma_start3A_234 : memref<10000x128xf32, #tpu.memory_space<hbm>>) target(%arg11 : memref<125x128xf32, #tpu.memory_space<vmem>>) offsets(%dma_start3A_231 : memref<125xi32, #tpu.memory_space<vmem>>) semaphore(%arg17 : memref<!tpu.dma_semaphore, #tpu.memory_space<semaphore_mem>>)
        } else {
        }
        %dma_wait3A_194 = arith.constant 1 : i32
        %dma_wait3A_195 = arith.constant 0 : i32
        %dma_wait3A_196 = tpu.memref_slice %arg7[%dma_wait3A_194, %dma_wait3A_195] : memref<20x125xi32, #tpu.memory_space<vmem>> -> memref<1x125xi32, #tpu.memory_space<vmem>>
        %dma_wait3A_197 = tpu.memref_squeeze %dma_wait3A_196 : memref<1x125xi32, #tpu.memory_space<vmem>> -> memref<125xi32, #tpu.memory_space<vmem>>
        %dma_wait3A_198 = arith.constant 0 : i32
        %dma_wait3A_199 = arith.constant 0 : i32
        %dma_wait3A_200 = tpu.memref_slice %arg2[%dma_wait3A_198, %dma_wait3A_199] : memref<10000x128xf32, #tpu.memory_space<hbm>> -> memref<10000x128xf32, #tpu.memory_space<hbm>>
        tpu.wait_indirect_dma semaphore(%arg18 : memref<!tpu.dma_semaphore, #tpu.memory_space<semaphore_mem>>) src(%dma_wait3A_200 : memref<10000x128xf32, #tpu.memory_space<hbm>>) dst(%arg12 : memref<125x128xf32, #tpu.memory_space<vmem>>)
        %add3A_201 = arith.constant 1 : i32
        %add3A_202 = arith.addi %mul3A_172, %add3A_201 : i32
        "tpu.region"() ({
          %run_scoped3A = tpu.sem_alloc : memref<!tpu.dma_semaphore, #tpu.memory_space<semaphore_mem>>
          %dma_start3A_218 = arith.constant 0 : i32
          %dma_start3A_219 = tpu.memref_slice %arg8[%add3A_202, %dma_start3A_218] : memref<20x125xi32, #tpu.memory_space<vmem>> -> memref<1x125xi32, #tpu.memory_space<vmem>>
          %dma_start3A_220 = tpu.memref_squeeze %dma_start3A_219 : memref<1x125xi32, #tpu.memory_space<vmem>> -> memref<125xi32, #tpu.memory_space<vmem>>
          %dma_start3A_221 = arith.constant 0 : i32
          %dma_start3A_222 = arith.constant 0 : i32
          %dma_start3A_223 = tpu.memref_slice %arg6[%dma_start3A_221, %dma_start3A_222] : memref<10000x128xf32, #tpu.memory_space<vmem_shared>> -> memref<10000x128xf32, #tpu.memory_space<vmem_shared>>
          tpu.enqueue_indirect_dma source(%arg12 : memref<125x128xf32, #tpu.memory_space<vmem>>) target(%dma_start3A_223 : memref<10000x128xf32, #tpu.memory_space<vmem_shared>>) offsets(%dma_start3A_220 : memref<125xi32, #tpu.memory_space<vmem>>) semaphore(%run_scoped3A : memref<!tpu.dma_semaphore, #tpu.memory_space<semaphore_mem>>) {add = true}
          %dma_wait3A_224 = arith.constant 0 : i32
          %dma_wait3A_225 = tpu.memref_slice %arg8[%add3A_202, %dma_wait3A_224] : memref<20x125xi32, #tpu.memory_space<vmem>> -> memref<1x125xi32, #tpu.memory_space<vmem>>
          %dma_wait3A_226 = tpu.memref_squeeze %dma_wait3A_225 : memref<1x125xi32, #tpu.memory_space<vmem>> -> memref<125xi32, #tpu.memory_space<vmem>>
          %dma_wait3A_227 = arith.constant 0 : i32
          %dma_wait3A_228 = arith.constant 0 : i32
          %dma_wait3A_229 = tpu.memref_slice %arg6[%dma_wait3A_227, %dma_wait3A_228] : memref<10000x128xf32, #tpu.memory_space<vmem_shared>> -> memref<10000x128xf32, #tpu.memory_space<vmem_shared>>
          tpu.wait_indirect_dma semaphore(%run_scoped3A : memref<!tpu.dma_semaphore, #tpu.memory_space<semaphore_mem>>) src(%arg12 : memref<125x128xf32, #tpu.memory_space<vmem>>) dst(%dma_wait3A_229 : memref<10000x128xf32, #tpu.memory_space<vmem_shared>>)
          tpu.yield
        }) : () -> ()
        %add3A_203 = arith.constant 3 : i32
        %add3A_204 = arith.addi %mul3A_172, %add3A_203 : i32
        %lt3A_205 = arith.constant 20 : i32
        %lt3A_206 = arith.cmpi slt, %add3A_204, %lt3A_205 : i32
        %convert_element_type3A_207 = arith.extui %lt3A_206 : i1 to i32
        %cond3A_208 = arith.constant 0 : i32
        %cond3A_209 = arith.cmpi ne, %convert_element_type3A_207, %cond3A_208 : i32
        scf.if %cond3A_209 {
          %add3A_218 = arith.constant 3 : i32
          %add3A_219 = arith.addi %mul3A_172, %add3A_218 : i32
          %dma_start3A_220 = arith.constant 0 : i32
          %dma_start3A_221 = tpu.memref_slice %arg7[%add3A_219, %dma_start3A_220] : memref<20x125xi32, #tpu.memory_space<vmem>> -> memref<1x125xi32, #tpu.memory_space<vmem>>
          %dma_start3A_222 = tpu.memref_squeeze %dma_start3A_221 : memref<1x125xi32, #tpu.memory_space<vmem>> -> memref<125xi32, #tpu.memory_space<vmem>>
          %dma_start3A_223 = arith.constant 0 : i32
          %dma_start3A_224 = arith.constant 0 : i32
          %dma_start3A_225 = tpu.memref_slice %arg2[%dma_start3A_223, %dma_start3A_224] : memref<10000x128xf32, #tpu.memory_space<hbm>> -> memref<10000x128xf32, #tpu.memory_space<hbm>>
          tpu.enqueue_indirect_dma source(%dma_start3A_225 : memref<10000x128xf32, #tpu.memory_space<hbm>>) target(%arg12 : memref<125x128xf32, #tpu.memory_space<vmem>>) offsets(%dma_start3A_222 : memref<125xi32, #tpu.memory_space<vmem>>) semaphore(%arg18 : memref<!tpu.dma_semaphore, #tpu.memory_space<semaphore_mem>>)
        } else {
        }
        %add3A_210 = arith.constant 3 : i32
        %add3A_211 = arith.addi %mul3A_172, %add3A_210 : i32
        %ge3A_212 = arith.constant 20 : i32
        %ge3A_213 = arith.cmpi sge, %add3A_211, %ge3A_212 : i32
        %and3A_214 = arith.andi %ge3A_213, %lt3A_122 : i1
        %convert_element_type3A_215 = arith.extui %and3A_214 : i1 to i32
        %cond3A_216 = arith.constant 0 : i32
        %cond3A_217 = arith.cmpi ne, %convert_element_type3A_215, %cond3A_216 : i32
        scf.if %cond3A_217 {
          %dma_start3A_218 = arith.constant 1 : i32
          %dma_start3A_219 = arith.constant 0 : i32
          %dma_start3A_220 = tpu.memref_slice %arg9[%dma_start3A_218, %dma_start3A_219] : memref<20x125xi32, #tpu.memory_space<vmem>> -> memref<1x125xi32, #tpu.memory_space<vmem>>
          %dma_start3A_221 = tpu.memref_squeeze %dma_start3A_220 : memref<1x125xi32, #tpu.memory_space<vmem>> -> memref<125xi32, #tpu.memory_space<vmem>>
          %dma_start3A_222 = arith.constant 0 : i32
          %dma_start3A_223 = arith.constant 0 : i32
          %dma_start3A_224 = tpu.memref_slice %arg2[%dma_start3A_222, %dma_start3A_223] : memref<10000x128xf32, #tpu.memory_space<hbm>> -> memref<10000x128xf32, #tpu.memory_space<hbm>>
          tpu.enqueue_indirect_dma source(%dma_start3A_224 : memref<10000x128xf32, #tpu.memory_space<hbm>>) target(%arg12 : memref<125x128xf32, #tpu.memory_space<vmem>>) offsets(%dma_start3A_221 : memref<125xi32, #tpu.memory_space<vmem>>) semaphore(%arg18 : memref<!tpu.dma_semaphore, #tpu.memory_space<semaphore_mem>>)
        } else {
        }
      }
      %scan3A_128 = arith.constant 10 : i32
      %dma_wait3A_129 = arith.constant 1 : i32
      %dma_wait3A_130 = arith.constant 0 : i32
      %dma_wait3A_131 = arith.constant 0 : i32
      %dma_wait3A_132 = arith.constant 0 : i32
      %dma_wait3A_133 = tpu.memref_slice %arg3[%dma_wait3A_129, %add3A, %dma_wait3A_130, %dma_wait3A_131, %dma_wait3A_132] : memref<2x32x4x20x125xi32, #tpu.memory_space<hbm>> -> memref<1x1x1x20x125xi32, #tpu.memory_space<hbm>>
      %dma_wait3A_134 = tpu.memref_squeeze %dma_wait3A_133 : memref<1x1x1x20x125xi32, #tpu.memory_space<hbm>> -> memref<20x125xi32, #tpu.memory_space<hbm>>
      %dma_wait3A_135 = arith.constant 0 : i32
      %dma_wait3A_136 = arith.constant 0 : i32
      %dma_wait3A_137 = tpu.memref_slice %arg3[%dma_wait3A_129, %add3A, %dma_wait3A_130, %dma_wait3A_135, %dma_wait3A_136] : memref<2x32x4x20x125xi32, #tpu.memory_space<hbm>> -> memref<1x1x1x20x125xi32, #tpu.memory_space<hbm>>
      %dma_wait3A_138 = tpu.memref_squeeze %dma_wait3A_137 : memref<1x1x1x20x125xi32, #tpu.memory_space<hbm>> -> memref<20x125xi32, #tpu.memory_space<hbm>>
      tpu.wait_dma2 semaphore(%arg16 : memref<!tpu.dma_semaphore, #tpu.memory_space<semaphore_mem>>) src(%dma_wait3A_138 : memref<20x125xi32, #tpu.memory_space<hbm>>) dst(%arg10 : memref<20x125xi32, #tpu.memory_space<vmem>>)
      %add3A_139 = arith.constant 2 : i32
      %add3A_140 = arith.addi %mul3A_118, %add3A_139 : i32
      %lt3A_141 = arith.constant 4 : i32
      %lt3A_142 = arith.cmpi slt, %add3A_140, %lt3A_141 : i32
      %convert_element_type3A_143 = arith.extui %lt3A_142 : i1 to i32
      %cond3A_144 = arith.constant 0 : i32
      %cond3A_145 = arith.cmpi ne, %convert_element_type3A_143, %cond3A_144 : i32
      scf.if %cond3A_145 {
        %add3A_170 = arith.constant 2 : i32
        %add3A_171 = arith.addi %mul3A_118, %add3A_170 : i32
        %dma_start3A_172 = arith.constant 0 : i32
        %dma_start3A_173 = arith.constant 0 : i32
        %dma_start3A_174 = arith.constant 0 : i32
        %dma_start3A_175 = tpu.memref_slice %arg3[%dma_start3A_172, %add3A, %add3A_171, %dma_start3A_173, %dma_start3A_174] : memref<2x32x4x20x125xi32, #tpu.memory_space<hbm>> -> memref<1x1x1x20x125xi32, #tpu.memory_space<hbm>>
        %dma_start3A_176 = tpu.memref_squeeze %dma_start3A_175 : memref<1x1x1x20x125xi32, #tpu.memory_space<hbm>> -> memref<20x125xi32, #tpu.memory_space<hbm>>
        %dma_start3A_177 = arith.constant 0 : i32
        %dma_start3A_178 = arith.constant 0 : i32
        %dma_start3A_179 = tpu.memref_slice %arg3[%dma_start3A_172, %add3A, %add3A_171, %dma_start3A_177, %dma_start3A_178] : memref<2x32x4x20x125xi32, #tpu.memory_space<hbm>> -> memref<1x1x1x20x125xi32, #tpu.memory_space<hbm>>
        %dma_start3A_180 = tpu.memref_squeeze %dma_start3A_179 : memref<1x1x1x20x125xi32, #tpu.memory_space<hbm>> -> memref<20x125xi32, #tpu.memory_space<hbm>>
        tpu.enqueue_dma source(%dma_start3A_180 : memref<20x125xi32, #tpu.memory_space<hbm>>) target(%arg7 : memref<20x125xi32, #tpu.memory_space<vmem>>) target_semaphore(%arg13 : memref<!tpu.dma_semaphore, #tpu.memory_space<semaphore_mem>>)
        %add3A_181 = arith.constant 2 : i32
        %add3A_182 = arith.addi %mul3A_118, %add3A_181 : i32
        %dma_start3A_183 = arith.constant 1 : i32
        %dma_start3A_184 = arith.constant 0 : i32
        %dma_start3A_185 = arith.constant 0 : i32
        %dma_start3A_186 = tpu.memref_slice %arg3[%dma_start3A_183, %add3A, %add3A_182, %dma_start3A_184, %dma_start3A_185] : memref<2x32x4x20x125xi32, #tpu.memory_space<hbm>> -> memref<1x1x1x20x125xi32, #tpu.memory_space<hbm>>
        %dma_start3A_187 = tpu.memref_squeeze %dma_start3A_186 : memref<1x1x1x20x125xi32, #tpu.memory_space<hbm>> -> memref<20x125xi32, #tpu.memory_space<hbm>>
        %dma_start3A_188 = arith.constant 0 : i32
        %dma_start3A_189 = arith.constant 0 : i32
        %dma_start3A_190 = tpu.memref_slice %arg3[%dma_start3A_183, %add3A, %add3A_182, %dma_start3A_188, %dma_start3A_189] : memref<2x32x4x20x125xi32, #tpu.memory_space<hbm>> -> memref<1x1x1x20x125xi32, #tpu.memory_space<hbm>>
        %dma_start3A_191 = tpu.memref_squeeze %dma_start3A_190 : memref<1x1x1x20x125xi32, #tpu.memory_space<hbm>> -> memref<20x125xi32, #tpu.memory_space<hbm>>
        tpu.enqueue_dma source(%dma_start3A_191 : memref<20x125xi32, #tpu.memory_space<hbm>>) target(%arg8 : memref<20x125xi32, #tpu.memory_space<vmem>>) target_semaphore(%arg14 : memref<!tpu.dma_semaphore, #tpu.memory_space<semaphore_mem>>)
      } else {
      }
      %add3A_146 = arith.constant 2 : i32
      %add3A_147 = arith.addi %mul3A_118, %add3A_146 : i32
      %lt3A_148 = arith.constant 4 : i32
      %lt3A_149 = arith.cmpi slt, %add3A_147, %lt3A_148 : i32
      %scan3A_150 = arith.constant 0 : i32
      %scan3A_151 = arith.constant 0 : i32
      %scan3A_152 = arith.constant 10 : i32
      %scan3A_153 = arith.addi %scan3A_151, %scan3A_152 : i32
      %scan3A_154 = arith.constant 1 : i32
      scf.for %scan3A_170 = %scan3A_151 to %scan3A_153 step %scan3A_154  : i32 {
        %mul3A_171 = arith.constant 2 : i32
        %mul3A_172 = arith.muli %mul3A_171, %scan3A_170 : i32
        %dma_wait3A_173 = arith.constant 0 : i32
        %dma_wait3A_174 = arith.constant 0 : i32
        %dma_wait3A_175 = tpu.memref_slice %arg9[%dma_wait3A_173, %dma_wait3A_174] : memref<20x125xi32, #tpu.memory_space<vmem>> -> memref<1x125xi32, #tpu.memory_space<vmem>>
        %dma_wait3A_176 = tpu.memref_squeeze %dma_wait3A_175 : memref<1x125xi32, #tpu.memory_space<vmem>> -> memref<125xi32, #tpu.memory_space<vmem>>
        %dma_wait3A_177 = arith.constant 0 : i32
        %dma_wait3A_178 = arith.constant 0 : i32
        %dma_wait3A_179 = tpu.memref_slice %arg2[%dma_wait3A_177, %dma_wait3A_178] : memref<10000x128xf32, #tpu.memory_space<hbm>> -> memref<10000x128xf32, #tpu.memory_space<hbm>>
        tpu.wait_indirect_dma semaphore(%arg17 : memref<!tpu.dma_semaphore, #tpu.memory_space<semaphore_mem>>) src(%dma_wait3A_179 : memref<10000x128xf32, #tpu.memory_space<hbm>>) dst(%arg11 : memref<125x128xf32, #tpu.memory_space<vmem>>)
        "tpu.region"() ({
          %run_scoped3A = tpu.sem_alloc : memref<!tpu.dma_semaphore, #tpu.memory_space<semaphore_mem>>
          %dma_start3A_218 = arith.constant 0 : i32
          %dma_start3A_219 = tpu.memref_slice %arg10[%mul3A_172, %dma_start3A_218] : memref<20x125xi32, #tpu.memory_space<vmem>> -> memref<1x125xi32, #tpu.memory_space<vmem>>
          %dma_start3A_220 = tpu.memref_squeeze %dma_start3A_219 : memref<1x125xi32, #tpu.memory_space<vmem>> -> memref<125xi32, #tpu.memory_space<vmem>>
          %dma_start3A_221 = arith.constant 0 : i32
          %dma_start3A_222 = arith.constant 0 : i32
          %dma_start3A_223 = tpu.memref_slice %arg6[%dma_start3A_221, %dma_start3A_222] : memref<10000x128xf32, #tpu.memory_space<vmem_shared>> -> memref<10000x128xf32, #tpu.memory_space<vmem_shared>>
          tpu.enqueue_indirect_dma source(%arg11 : memref<125x128xf32, #tpu.memory_space<vmem>>) target(%dma_start3A_223 : memref<10000x128xf32, #tpu.memory_space<vmem_shared>>) offsets(%dma_start3A_220 : memref<125xi32, #tpu.memory_space<vmem>>) semaphore(%run_scoped3A : memref<!tpu.dma_semaphore, #tpu.memory_space<semaphore_mem>>) {add = true}
          %dma_wait3A_224 = arith.constant 0 : i32
          %dma_wait3A_225 = tpu.memref_slice %arg10[%mul3A_172, %dma_wait3A_224] : memref<20x125xi32, #tpu.memory_space<vmem>> -> memref<1x125xi32, #tpu.memory_space<vmem>>
          %dma_wait3A_226 = tpu.memref_squeeze %dma_wait3A_225 : memref<1x125xi32, #tpu.memory_space<vmem>> -> memref<125xi32, #tpu.memory_space<vmem>>
          %dma_wait3A_227 = arith.constant 0 : i32
          %dma_wait3A_228 = arith.constant 0 : i32
          %dma_wait3A_229 = tpu.memref_slice %arg6[%dma_wait3A_227, %dma_wait3A_228] : memref<10000x128xf32, #tpu.memory_space<vmem_shared>> -> memref<10000x128xf32, #tpu.memory_space<vmem_shared>>
          tpu.wait_indirect_dma semaphore(%run_scoped3A : memref<!tpu.dma_semaphore, #tpu.memory_space<semaphore_mem>>) src(%arg11 : memref<125x128xf32, #tpu.memory_space<vmem>>) dst(%dma_wait3A_229 : memref<10000x128xf32, #tpu.memory_space<vmem_shared>>)
          tpu.yield
        }) : () -> ()
        %add3A_180 = arith.constant 2 : i32
        %add3A_181 = arith.addi %mul3A_172, %add3A_180 : i32
        %lt3A_182 = arith.constant 20 : i32
        %lt3A_183 = arith.cmpi slt, %add3A_181, %lt3A_182 : i32
        %convert_element_type3A_184 = arith.extui %lt3A_183 : i1 to i32
        %cond3A_185 = arith.constant 0 : i32
        %cond3A_186 = arith.cmpi ne, %convert_element_type3A_184, %cond3A_185 : i32
        scf.if %cond3A_186 {
          %add3A_218 = arith.constant 2 : i32
          %add3A_219 = arith.addi %mul3A_172, %add3A_218 : i32
          %dma_start3A_220 = arith.constant 0 : i32
          %dma_start3A_221 = tpu.memref_slice %arg9[%add3A_219, %dma_start3A_220] : memref<20x125xi32, #tpu.memory_space<vmem>> -> memref<1x125xi32, #tpu.memory_space<vmem>>
          %dma_start3A_222 = tpu.memref_squeeze %dma_start3A_221 : memref<1x125xi32, #tpu.memory_space<vmem>> -> memref<125xi32, #tpu.memory_space<vmem>>
          %dma_start3A_223 = arith.constant 0 : i32
          %dma_start3A_224 = arith.constant 0 : i32
          %dma_start3A_225 = tpu.memref_slice %arg2[%dma_start3A_223, %dma_start3A_224] : memref<10000x128xf32, #tpu.memory_space<hbm>> -> memref<10000x128xf32, #tpu.memory_space<hbm>>
          tpu.enqueue_indirect_dma source(%dma_start3A_225 : memref<10000x128xf32, #tpu.memory_space<hbm>>) target(%arg11 : memref<125x128xf32, #tpu.memory_space<vmem>>) offsets(%dma_start3A_222 : memref<125xi32, #tpu.memory_space<vmem>>) semaphore(%arg17 : memref<!tpu.dma_semaphore, #tpu.memory_space<semaphore_mem>>)
        } else {
        }
        %add3A_187 = arith.constant 2 : i32
        %add3A_188 = arith.addi %mul3A_172, %add3A_187 : i32
        %ge3A = arith.constant 20 : i32
        %ge3A_189 = arith.cmpi sge, %add3A_188, %ge3A : i32
        %and3A_190 = arith.andi %ge3A_189, %lt3A_149 : i1
        %convert_element_type3A_191 = arith.extui %and3A_190 : i1 to i32
        %cond3A_192 = arith.constant 0 : i32
        %cond3A_193 = arith.cmpi ne, %convert_element_type3A_191, %cond3A_192 : i32
        scf.if %cond3A_193 {
          %dma_wait3A_218 = arith.constant 0 : i32
          %dma_wait3A_219 = arith.constant 0 : i32
          %dma_wait3A_220 = arith.constant 0 : i32
          %dma_wait3A_221 = arith.constant 0 : i32
          %dma_wait3A_222 = tpu.memref_slice %arg3[%dma_wait3A_218, %add3A, %dma_wait3A_219, %dma_wait3A_220, %dma_wait3A_221] : memref<2x32x4x20x125xi32, #tpu.memory_space<hbm>> -> memref<1x1x1x20x125xi32, #tpu.memory_space<hbm>>
          %dma_wait3A_223 = tpu.memref_squeeze %dma_wait3A_222 : memref<1x1x1x20x125xi32, #tpu.memory_space<hbm>> -> memref<20x125xi32, #tpu.memory_space<hbm>>
          %dma_wait3A_224 = arith.constant 0 : i32
          %dma_wait3A_225 = arith.constant 0 : i32
          %dma_wait3A_226 = tpu.memref_slice %arg3[%dma_wait3A_218, %add3A, %dma_wait3A_219, %dma_wait3A_224, %dma_wait3A_225] : memref<2x32x4x20x125xi32, #tpu.memory_space<hbm>> -> memref<1x1x1x20x125xi32, #tpu.memory_space<hbm>>
          %dma_wait3A_227 = tpu.memref_squeeze %dma_wait3A_226 : memref<1x1x1x20x125xi32, #tpu.memory_space<hbm>> -> memref<20x125xi32, #tpu.memory_space<hbm>>
          tpu.wait_dma2 semaphore(%arg13 : memref<!tpu.dma_semaphore, #tpu.memory_space<semaphore_mem>>) src(%dma_wait3A_227 : memref<20x125xi32, #tpu.memory_space<hbm>>) dst(%arg7 : memref<20x125xi32, #tpu.memory_space<vmem>>)
          %dma_start3A_228 = arith.constant 0 : i32
          %dma_start3A_229 = arith.constant 0 : i32
          %dma_start3A_230 = tpu.memref_slice %arg7[%dma_start3A_228, %dma_start3A_229] : memref<20x125xi32, #tpu.memory_space<vmem>> -> memref<1x125xi32, #tpu.memory_space<vmem>>
          %dma_start3A_231 = tpu.memref_squeeze %dma_start3A_230 : memref<1x125xi32, #tpu.memory_space<vmem>> -> memref<125xi32, #tpu.memory_space<vmem>>
          %dma_start3A_232 = arith.constant 0 : i32
          %dma_start3A_233 = arith.constant 0 : i32
          %dma_start3A_234 = tpu.memref_slice %arg2[%dma_start3A_232, %dma_start3A_233] : memref<10000x128xf32, #tpu.memory_space<hbm>> -> memref<10000x128xf32, #tpu.memory_space<hbm>>
          tpu.enqueue_indirect_dma source(%dma_start3A_234 : memref<10000x128xf32, #tpu.memory_space<hbm>>) target(%arg11 : memref<125x128xf32, #tpu.memory_space<vmem>>) offsets(%dma_start3A_231 : memref<125xi32, #tpu.memory_space<vmem>>) semaphore(%arg17 : memref<!tpu.dma_semaphore, #tpu.memory_space<semaphore_mem>>)
        } else {
        }
        %dma_wait3A_194 = arith.constant 1 : i32
        %dma_wait3A_195 = arith.constant 0 : i32
        %dma_wait3A_196 = tpu.memref_slice %arg9[%dma_wait3A_194, %dma_wait3A_195] : memref<20x125xi32, #tpu.memory_space<vmem>> -> memref<1x125xi32, #tpu.memory_space<vmem>>
        %dma_wait3A_197 = tpu.memref_squeeze %dma_wait3A_196 : memref<1x125xi32, #tpu.memory_space<vmem>> -> memref<125xi32, #tpu.memory_space<vmem>>
        %dma_wait3A_198 = arith.constant 0 : i32
        %dma_wait3A_199 = arith.constant 0 : i32
        %dma_wait3A_200 = tpu.memref_slice %arg2[%dma_wait3A_198, %dma_wait3A_199] : memref<10000x128xf32, #tpu.memory_space<hbm>> -> memref<10000x128xf32, #tpu.memory_space<hbm>>
        tpu.wait_indirect_dma semaphore(%arg18 : memref<!tpu.dma_semaphore, #tpu.memory_space<semaphore_mem>>) src(%dma_wait3A_200 : memref<10000x128xf32, #tpu.memory_space<hbm>>) dst(%arg12 : memref<125x128xf32, #tpu.memory_space<vmem>>)
        %add3A_201 = arith.constant 1 : i32
        %add3A_202 = arith.addi %mul3A_172, %add3A_201 : i32
        "tpu.region"() ({
          %run_scoped3A = tpu.sem_alloc : memref<!tpu.dma_semaphore, #tpu.memory_space<semaphore_mem>>
          %dma_start3A_218 = arith.constant 0 : i32
          %dma_start3A_219 = tpu.memref_slice %arg10[%add3A_202, %dma_start3A_218] : memref<20x125xi32, #tpu.memory_space<vmem>> -> memref<1x125xi32, #tpu.memory_space<vmem>>
          %dma_start3A_220 = tpu.memref_squeeze %dma_start3A_219 : memref<1x125xi32, #tpu.memory_space<vmem>> -> memref<125xi32, #tpu.memory_space<vmem>>
          %dma_start3A_221 = arith.constant 0 : i32
          %dma_start3A_222 = arith.constant 0 : i32
          %dma_start3A_223 = tpu.memref_slice %arg6[%dma_start3A_221, %dma_start3A_222] : memref<10000x128xf32, #tpu.memory_space<vmem_shared>> -> memref<10000x128xf32, #tpu.memory_space<vmem_shared>>
          tpu.enqueue_indirect_dma source(%arg12 : memref<125x128xf32, #tpu.memory_space<vmem>>) target(%dma_start3A_223 : memref<10000x128xf32, #tpu.memory_space<vmem_shared>>) offsets(%dma_start3A_220 : memref<125xi32, #tpu.memory_space<vmem>>) semaphore(%run_scoped3A : memref<!tpu.dma_semaphore, #tpu.memory_space<semaphore_mem>>) {add = true}
          %dma_wait3A_224 = arith.constant 0 : i32
          %dma_wait3A_225 = tpu.memref_slice %arg10[%add3A_202, %dma_wait3A_224] : memref<20x125xi32, #tpu.memory_space<vmem>> -> memref<1x125xi32, #tpu.memory_space<vmem>>
          %dma_wait3A_226 = tpu.memref_squeeze %dma_wait3A_225 : memref<1x125xi32, #tpu.memory_space<vmem>> -> memref<125xi32, #tpu.memory_space<vmem>>
          %dma_wait3A_227 = arith.constant 0 : i32
          %dma_wait3A_228 = arith.constant 0 : i32
          %dma_wait3A_229 = tpu.memref_slice %arg6[%dma_wait3A_227, %dma_wait3A_228] : memref<10000x128xf32, #tpu.memory_space<vmem_shared>> -> memref<10000x128xf32, #tpu.memory_space<vmem_shared>>
          tpu.wait_indirect_dma semaphore(%run_scoped3A : memref<!tpu.dma_semaphore, #tpu.memory_space<semaphore_mem>>) src(%arg12 : memref<125x128xf32, #tpu.memory_space<vmem>>) dst(%dma_wait3A_229 : memref<10000x128xf32, #tpu.memory_space<vmem_shared>>)
          tpu.yield
        }) : () -> ()
        %add3A_203 = arith.constant 3 : i32
        %add3A_204 = arith.addi %mul3A_172, %add3A_203 : i32
        %lt3A_205 = arith.constant 20 : i32
        %lt3A_206 = arith.cmpi slt, %add3A_204, %lt3A_205 : i32
        %convert_element_type3A_207 = arith.extui %lt3A_206 : i1 to i32
        %cond3A_208 = arith.constant 0 : i32
        %cond3A_209 = arith.cmpi ne, %convert_element_type3A_207, %cond3A_208 : i32
        scf.if %cond3A_209 {
          %add3A_218 = arith.constant 3 : i32
          %add3A_219 = arith.addi %mul3A_172, %add3A_218 : i32
          %dma_start3A_220 = arith.constant 0 : i32
          %dma_start3A_221 = tpu.memref_slice %arg9[%add3A_219, %dma_start3A_220] : memref<20x125xi32, #tpu.memory_space<vmem>> -> memref<1x125xi32, #tpu.memory_space<vmem>>
          %dma_start3A_222 = tpu.memref_squeeze %dma_start3A_221 : memref<1x125xi32, #tpu.memory_space<vmem>> -> memref<125xi32, #tpu.memory_space<vmem>>
          %dma_start3A_223 = arith.constant 0 : i32
          %dma_start3A_224 = arith.constant 0 : i32
          %dma_start3A_225 = tpu.memref_slice %arg2[%dma_start3A_223, %dma_start3A_224] : memref<10000x128xf32, #tpu.memory_space<hbm>> -> memref<10000x128xf32, #tpu.memory_space<hbm>>
          tpu.enqueue_indirect_dma source(%dma_start3A_225 : memref<10000x128xf32, #tpu.memory_space<hbm>>) target(%arg12 : memref<125x128xf32, #tpu.memory_space<vmem>>) offsets(%dma_start3A_222 : memref<125xi32, #tpu.memory_space<vmem>>) semaphore(%arg18 : memref<!tpu.dma_semaphore, #tpu.memory_space<semaphore_mem>>)
        } else {
        }
        %add3A_210 = arith.constant 3 : i32
        %add3A_211 = arith.addi %mul3A_172, %add3A_210 : i32
        %ge3A_212 = arith.constant 20 : i32
        %ge3A_213 = arith.cmpi sge, %add3A_211, %ge3A_212 : i32
        %and3A_214 = arith.andi %ge3A_213, %lt3A_149 : i1
        %convert_element_type3A_215 = arith.extui %and3A_214 : i1 to i32
        %cond3A_216 = arith.constant 0 : i32
        %cond3A_217 = arith.cmpi ne, %convert_element_type3A_215, %cond3A_216 : i32
        scf.if %cond3A_217 {
          %dma_start3A_218 = arith.constant 1 : i32
          %dma_start3A_219 = arith.constant 0 : i32
          %dma_start3A_220 = tpu.memref_slice %arg7[%dma_start3A_218, %dma_start3A_219] : memref<20x125xi32, #tpu.memory_space<vmem>> -> memref<1x125xi32, #tpu.memory_space<vmem>>
          %dma_start3A_221 = tpu.memref_squeeze %dma_start3A_220 : memref<1x125xi32, #tpu.memory_space<vmem>> -> memref<125xi32, #tpu.memory_space<vmem>>
          %dma_start3A_222 = arith.constant 0 : i32
          %dma_start3A_223 = arith.constant 0 : i32
          %dma_start3A_224 = tpu.memref_slice %arg2[%dma_start3A_222, %dma_start3A_223] : memref<10000x128xf32, #tpu.memory_space<hbm>> -> memref<10000x128xf32, #tpu.memory_space<hbm>>
          tpu.enqueue_indirect_dma source(%dma_start3A_224 : memref<10000x128xf32, #tpu.memory_space<hbm>>) target(%arg12 : memref<125x128xf32, #tpu.memory_space<vmem>>) offsets(%dma_start3A_221 : memref<125xi32, #tpu.memory_space<vmem>>) semaphore(%arg18 : memref<!tpu.dma_semaphore, #tpu.memory_space<semaphore_mem>>)
        } else {
        }
      }
      %scan3A_155 = arith.constant 10 : i32
      %add3A_156 = arith.constant 2 : i32
      %add3A_157 = arith.addi %mul3A_118, %add3A_156 : i32
      %lt3A_158 = arith.constant 4 : i32
      %lt3A_159 = arith.cmpi slt, %add3A_157, %lt3A_158 : i32
      %convert_element_type3A_160 = arith.extui %lt3A_159 : i1 to i32
      %cond3A_161 = arith.constant 0 : i32
      %cond3A_162 = arith.cmpi ne, %convert_element_type3A_160, %cond3A_161 : i32
      scf.if %cond3A_162 {
        %dma_wait3A_170 = arith.constant 1 : i32
        %dma_wait3A_171 = arith.constant 0 : i32
        %dma_wait3A_172 = arith.constant 0 : i32
        %dma_wait3A_173 = arith.constant 0 : i32
        %dma_wait3A_174 = tpu.memref_slice %arg3[%dma_wait3A_170, %add3A, %dma_wait3A_171, %dma_wait3A_172, %dma_wait3A_173] : memref<2x32x4x20x125xi32, #tpu.memory_space<hbm>> -> memref<1x1x1x20x125xi32, #tpu.memory_space<hbm>>
        %dma_wait3A_175 = tpu.memref_squeeze %dma_wait3A_174 : memref<1x1x1x20x125xi32, #tpu.memory_space<hbm>> -> memref<20x125xi32, #tpu.memory_space<hbm>>
        %dma_wait3A_176 = arith.constant 0 : i32
        %dma_wait3A_177 = arith.constant 0 : i32
        %dma_wait3A_178 = tpu.memref_slice %arg3[%dma_wait3A_170, %add3A, %dma_wait3A_171, %dma_wait3A_176, %dma_wait3A_177] : memref<2x32x4x20x125xi32, #tpu.memory_space<hbm>> -> memref<1x1x1x20x125xi32, #tpu.memory_space<hbm>>
        %dma_wait3A_179 = tpu.memref_squeeze %dma_wait3A_178 : memref<1x1x1x20x125xi32, #tpu.memory_space<hbm>> -> memref<20x125xi32, #tpu.memory_space<hbm>>
        tpu.wait_dma2 semaphore(%arg14 : memref<!tpu.dma_semaphore, #tpu.memory_space<semaphore_mem>>) src(%dma_wait3A_179 : memref<20x125xi32, #tpu.memory_space<hbm>>) dst(%arg8 : memref<20x125xi32, #tpu.memory_space<vmem>>)
      } else {
      }
      %add3A_163 = arith.constant 3 : i32
      %add3A_164 = arith.addi %mul3A_118, %add3A_163 : i32
      %lt3A_165 = arith.constant 4 : i32
      %lt3A_166 = arith.cmpi slt, %add3A_164, %lt3A_165 : i32
      %convert_element_type3A_167 = arith.extui %lt3A_166 : i1 to i32
      %cond3A_168 = arith.constant 0 : i32
      %cond3A_169 = arith.cmpi ne, %convert_element_type3A_167, %cond3A_168 : i32
      scf.if %cond3A_169 {
        %add3A_170 = arith.constant 3 : i32
        %add3A_171 = arith.addi %mul3A_118, %add3A_170 : i32
        %dma_start3A_172 = arith.constant 0 : i32
        %dma_start3A_173 = arith.constant 0 : i32
        %dma_start3A_174 = arith.constant 0 : i32
        %dma_start3A_175 = tpu.memref_slice %arg3[%dma_start3A_172, %add3A, %add3A_171, %dma_start3A_173, %dma_start3A_174] : memref<2x32x4x20x125xi32, #tpu.memory_space<hbm>> -> memref<1x1x1x20x125xi32, #tpu.memory_space<hbm>>
        %dma_start3A_176 = tpu.memref_squeeze %dma_start3A_175 : memref<1x1x1x20x125xi32, #tpu.memory_space<hbm>> -> memref<20x125xi32, #tpu.memory_space<hbm>>
        %dma_start3A_177 = arith.constant 0 : i32
        %dma_start3A_178 = arith.constant 0 : i32
        %dma_start3A_179 = tpu.memref_slice %arg3[%dma_start3A_172, %add3A, %add3A_171, %dma_start3A_177, %dma_start3A_178] : memref<2x32x4x20x125xi32, #tpu.memory_space<hbm>> -> memref<1x1x1x20x125xi32, #tpu.memory_space<hbm>>
        %dma_start3A_180 = tpu.memref_squeeze %dma_start3A_179 : memref<1x1x1x20x125xi32, #tpu.memory_space<hbm>> -> memref<20x125xi32, #tpu.memory_space<hbm>>
        tpu.enqueue_dma source(%dma_start3A_180 : memref<20x125xi32, #tpu.memory_space<hbm>>) target(%arg9 : memref<20x125xi32, #tpu.memory_space<vmem>>) target_semaphore(%arg15 : memref<!tpu.dma_semaphore, #tpu.memory_space<semaphore_mem>>)
        %add3A_181 = arith.constant 3 : i32
        %add3A_182 = arith.addi %mul3A_118, %add3A_181 : i32
        %dma_start3A_183 = arith.constant 1 : i32
        %dma_start3A_184 = arith.constant 0 : i32
        %dma_start3A_185 = arith.constant 0 : i32
        %dma_start3A_186 = tpu.memref_slice %arg3[%dma_start3A_183, %add3A, %add3A_182, %dma_start3A_184, %dma_start3A_185] : memref<2x32x4x20x125xi32, #tpu.memory_space<hbm>> -> memref<1x1x1x20x125xi32, #tpu.memory_space<hbm>>
        %dma_start3A_187 = tpu.memref_squeeze %dma_start3A_186 : memref<1x1x1x20x125xi32, #tpu.memory_space<hbm>> -> memref<20x125xi32, #tpu.memory_space<hbm>>
        %dma_start3A_188 = arith.constant 0 : i32
        %dma_start3A_189 = arith.constant 0 : i32
        %dma_start3A_190 = tpu.memref_slice %arg3[%dma_start3A_183, %add3A, %add3A_182, %dma_start3A_188, %dma_start3A_189] : memref<2x32x4x20x125xi32, #tpu.memory_space<hbm>> -> memref<1x1x1x20x125xi32, #tpu.memory_space<hbm>>
        %dma_start3A_191 = tpu.memref_squeeze %dma_start3A_190 : memref<1x1x1x20x125xi32, #tpu.memory_space<hbm>> -> memref<20x125xi32, #tpu.memory_space<hbm>>
        tpu.enqueue_dma source(%dma_start3A_191 : memref<20x125xi32, #tpu.memory_space<hbm>>) target(%arg10 : memref<20x125xi32, #tpu.memory_space<vmem>>) target_semaphore(%arg16 : memref<!tpu.dma_semaphore, #tpu.memory_space<semaphore_mem>>)
      } else {
      }
    }
    %scan3A_104 = arith.constant 2 : i32
    %barrier3A_105 = arith.constant 0 : index
    tpu.barrier barrier_id(%barrier3A_105)
    %lt3A_106 = arith.constant 15 : i32
    %lt3A_107 = arith.cmpi slt, %arg1, %lt3A_106 : i32
    %convert_element_type3A_108 = arith.extui %lt3A_107 : i1 to i32
    %cond3A_109 = arith.constant 0 : i32
    %cond3A_110 = arith.cmpi ne, %convert_element_type3A_108, %cond3A_109 : i32
    scf.if %cond3A_110 {
      %mul3A_116 = arith.constant 624 : i32
      %mul3A_117 = arith.muli %arg1, %mul3A_116 : i32
      %mul3A_118 = arith.constant 624 : i32
      %mul3A_119 = arith.muli %arg1, %mul3A_118 : i32
      "tpu.region"() ({
        %run_scoped3A = tpu.sem_alloc : memref<!tpu.dma_semaphore, #tpu.memory_space<semaphore_mem>>
        %dma_start3A_120 = arith.constant 0 : i32
        %dma_start3A_121 = tpu.memref_slice %arg5[%arg0, %mul3A_119, %dma_start3A_120] : memref<2x10000x128xf32, #tpu.memory_space<hbm>> -> memref<1x624x128xf32, #tpu.memory_space<hbm>>
        %dma_start3A_122 = tpu.memref_squeeze %dma_start3A_121 : memref<1x624x128xf32, #tpu.memory_space<hbm>> -> memref<624x128xf32, #tpu.memory_space<hbm>>
        %dma_start3A_123 = arith.constant 0 : i32
        %dma_start3A_124 = tpu.memref_slice %arg6[%mul3A_117, %dma_start3A_123] : memref<10000x128xf32, #tpu.memory_space<vmem_shared>> -> memref<624x128xf32, #tpu.memory_space<vmem_shared>>
        tpu.enqueue_dma source(%dma_start3A_124 : memref<624x128xf32, #tpu.memory_space<vmem_shared>>) target(%dma_start3A_122 : memref<624x128xf32, #tpu.memory_space<hbm>>) target_semaphore(%run_scoped3A : memref<!tpu.dma_semaphore, #tpu.memory_space<semaphore_mem>>)
        %dma_wait3A_125 = arith.constant 0 : i32
        %dma_wait3A_126 = tpu.memref_slice %arg5[%arg0, %mul3A_119, %dma_wait3A_125] : memref<2x10000x128xf32, #tpu.memory_space<hbm>> -> memref<1x624x128xf32, #tpu.memory_space<hbm>>
        %dma_wait3A_127 = tpu.memref_squeeze %dma_wait3A_126 : memref<1x624x128xf32, #tpu.memory_space<hbm>> -> memref<624x128xf32, #tpu.memory_space<hbm>>
        %dma_wait3A_128 = arith.constant 0 : i32
        %dma_wait3A_129 = tpu.memref_slice %arg6[%mul3A_117, %dma_wait3A_128] : memref<10000x128xf32, #tpu.memory_space<vmem_shared>> -> memref<624x128xf32, #tpu.memory_space<vmem_shared>>
        tpu.wait_dma2 semaphore(%run_scoped3A : memref<!tpu.dma_semaphore, #tpu.memory_space<semaphore_mem>>) src(%dma_wait3A_129 : memref<624x128xf32, #tpu.memory_space<vmem_shared>>) dst(%dma_wait3A_127 : memref<624x128xf32, #tpu.memory_space<hbm>>)
        tpu.yield
      }) : () -> ()
    } else {
    }
    %eq3A_111 = arith.constant 15 : i32
    %eq3A_112 = arith.cmpi eq, %arg1, %eq3A_111 : i32
    %convert_element_type3A_113 = arith.extui %eq3A_112 : i1 to i32
    %cond3A_114 = arith.constant 0 : i32
    %cond3A_115 = arith.cmpi ne, %convert_element_type3A_113, %cond3A_114 : i32
    scf.if %cond3A_115 {
      "tpu.region"() ({
        %run_scoped3A = tpu.sem_alloc : memref<!tpu.dma_semaphore, #tpu.memory_space<semaphore_mem>>
        %dma_start3A_116 = arith.constant 9360 : i32
        %dma_start3A_117 = arith.constant 0 : i32
        %dma_start3A_118 = tpu.memref_slice %arg5[%arg0, %dma_start3A_116, %dma_start3A_117] : memref<2x10000x128xf32, #tpu.memory_space<hbm>> -> memref<1x640x128xf32, #tpu.memory_space<hbm>>
        %dma_start3A_119 = tpu.memref_squeeze %dma_start3A_118 : memref<1x640x128xf32, #tpu.memory_space<hbm>> -> memref<640x128xf32, #tpu.memory_space<hbm>>
        %dma_start3A_120 = arith.constant 9360 : i32
        %dma_start3A_121 = arith.constant 0 : i32
        %dma_start3A_122 = tpu.memref_slice %arg6[%dma_start3A_120, %dma_start3A_121] : memref<10000x128xf32, #tpu.memory_space<vmem_shared>> -> memref<640x128xf32, #tpu.memory_space<vmem_shared>>
        tpu.enqueue_dma source(%dma_start3A_122 : memref<640x128xf32, #tpu.memory_space<vmem_shared>>) target(%dma_start3A_119 : memref<640x128xf32, #tpu.memory_space<hbm>>) target_semaphore(%run_scoped3A : memref<!tpu.dma_semaphore, #tpu.memory_space<semaphore_mem>>)
        %dma_wait3A_123 = arith.constant 9360 : i32
        %dma_wait3A_124 = arith.constant 0 : i32
        %dma_wait3A_125 = tpu.memref_slice %arg5[%arg0, %dma_wait3A_123, %dma_wait3A_124] : memref<2x10000x128xf32, #tpu.memory_space<hbm>> -> memref<1x640x128xf32, #tpu.memory_space<hbm>>
        %dma_wait3A_126 = tpu.memref_squeeze %dma_wait3A_125 : memref<1x640x128xf32, #tpu.memory_space<hbm>> -> memref<640x128xf32, #tpu.memory_space<hbm>>
        %dma_wait3A_127 = arith.constant 9360 : i32
        %dma_wait3A_128 = arith.constant 0 : i32
        %dma_wait3A_129 = tpu.memref_slice %arg6[%dma_wait3A_127, %dma_wait3A_128] : memref<10000x128xf32, #tpu.memory_space<vmem_shared>> -> memref<640x128xf32, #tpu.memory_space<vmem_shared>>
        tpu.wait_dma2 semaphore(%run_scoped3A : memref<!tpu.dma_semaphore, #tpu.memory_space<semaphore_mem>>) src(%dma_wait3A_129 : memref<640x128xf32, #tpu.memory_space<vmem_shared>>) dst(%dma_wait3A_126 : memref<640x128xf32, #tpu.memory_space<hbm>>)
        tpu.yield
      }) : () -> ()
    } else {
    }
    return
  }
}

module attributes {stable_mosaic.version = 14 : i64} {
  func.func @_block0_body(%arg0: memref<10000x128xf32, #tpu.memory_space<vmem>>, %arg1: memref<128x128xf32, #tpu.memory_space<vmem>>, %arg2: memref<1x128xf32, #tpu.memory_space<vmem>>, %arg3: memref<1x128xf32, #tpu.memory_space<vmem>>, %arg4: memref<1x128xf32, #tpu.memory_space<vmem>>, %arg5: memref<10000x128xf32, #tpu.memory_space<vmem>>) attributes {dimension_semantics = [], scalar_prefetch = 0 : i64, scratch_operands = 0 : i64, tpu.core_type = #tpu.core_type<tc>} {
    %get3A = arith.constant 0 : index
    %get3A_0 = arith.constant 0 : index
    %get3A_1 = vector.load %arg0[%get3A, %get3A_0] : memref<10000x128xf32, #tpu.memory_space<vmem>>, vector<10000x128xf32>
    %get3A_2 = arith.constant 0 : index
    %get3A_3 = arith.constant 0 : index
    %get3A_4 = vector.load %arg1[%get3A_2, %get3A_3] : memref<128x128xf32, #tpu.memory_space<vmem>>, vector<128x128xf32>
    %dot_general3A = arith.constant dense<0.000000e+00> : vector<10000x128xf32>
    %dot_general3A_5 = tpu.matmul %get3A_1, %get3A_4, %dot_general3A {dimension_numbers = #tpu.dot_dimension_numbers<[1], [0], [0], [1], [0, 0, 1, 1], [], []>, transpose_lhs_hint = false} : vector<10000x128xf32>, vector<128x128xf32>, vector<10000x128xf32> -> vector<10000x128xf32>
    %get3A_6 = arith.constant 0 : index
    %get3A_7 = arith.constant 0 : index
    %get3A_8 = vector.load %arg2[%get3A_6, %get3A_7] : memref<1x128xf32, #tpu.memory_space<vmem>>, vector<1x128xf32>
    %add3A = vector.broadcast %get3A_8 : vector<1x128xf32> to vector<10000x128xf32>
    %add3A_9 = arith.addf %dot_general3A_5, %add3A : vector<10000x128xf32>
    %get3A_10 = arith.constant 0 : index
    %get3A_11 = arith.constant 0 : index
    %get3A_12 = vector.load %arg3[%get3A_10, %get3A_11] : memref<1x128xf32, #tpu.memory_space<vmem>>, vector<1x128xf32>
    %get3A_13 = arith.constant 0 : index
    %get3A_14 = arith.constant 0 : index
    %get3A_15 = vector.load %arg4[%get3A_13, %get3A_14] : memref<1x128xf32, #tpu.memory_space<vmem>>, vector<1x128xf32>
    %reduce_sum3A = arith.constant dense<0.000000e+00> : vector<128xf32>
    %reduce_sum3A_16 = vector.multi_reduction <add>, %add3A_9, %reduce_sum3A [0] : vector<10000x128xf32> to vector<128xf32>
    %broadcast_in_dim3A = vector.shape_cast %reduce_sum3A_16 : vector<128xf32> to vector<1x128xf32>
    %mul3A = arith.constant 9.99999974E-5 : f32
    %mul3A_17 = vector.broadcast %mul3A : f32 to vector<1x128xf32>
    %mul3A_18 = arith.mulf %broadcast_in_dim3A, %mul3A_17 : vector<1x128xf32>
    %sub3A = vector.broadcast %mul3A_18 : vector<1x128xf32> to vector<10000x128xf32>
    %sub3A_19 = arith.subf %add3A_9, %sub3A : vector<10000x128xf32>
    %mul3A_20 = arith.mulf %sub3A_19, %sub3A_19 : vector<10000x128xf32>
    %reduce_sum3A_21 = arith.constant dense<0.000000e+00> : vector<128xf32>
    %reduce_sum3A_22 = vector.multi_reduction <add>, %mul3A_20, %reduce_sum3A_21 [0] : vector<10000x128xf32> to vector<128xf32>
    %broadcast_in_dim3A_23 = vector.shape_cast %reduce_sum3A_22 : vector<128xf32> to vector<1x128xf32>
    %mul3A_24 = arith.constant 9.99999974E-5 : f32
    %mul3A_25 = vector.broadcast %mul3A_24 : f32 to vector<1x128xf32>
    %mul3A_26 = arith.mulf %broadcast_in_dim3A_23, %mul3A_25 : vector<1x128xf32>
    %mul3A_27 = vector.broadcast %get3A_12 : vector<1x128xf32> to vector<10000x128xf32>
    %mul3A_28 = arith.mulf %mul3A_27, %sub3A_19 : vector<10000x128xf32>
    %add3A_29 = arith.constant 9.99999974E-6 : f32
    %add3A_30 = vector.broadcast %add3A_29 : f32 to vector<1x128xf32>
    %add3A_31 = arith.addf %mul3A_26, %add3A_30 : vector<1x128xf32>
    %rsqrt3A = math.rsqrt %add3A_31 : vector<1x128xf32>
    %mul3A_32 = vector.broadcast %rsqrt3A : vector<1x128xf32> to vector<10000x128xf32>
    %mul3A_33 = arith.mulf %mul3A_28, %mul3A_32 : vector<10000x128xf32>
    %add3A_34 = vector.broadcast %get3A_15 : vector<1x128xf32> to vector<10000x128xf32>
    %add3A_35 = arith.addf %mul3A_33, %add3A_34 : vector<10000x128xf32>
    %max3A = arith.constant 0.000000e+00 : f32
    %max3A_36 = vector.broadcast %max3A : f32 to vector<10000x128xf32>
    %max3A_37 = arith.maximumf %add3A_35, %max3A_36 : vector<10000x128xf32>
    %swap3A = arith.constant 0 : index
    %swap3A_38 = arith.constant 0 : index
    %swap3A_39 = vector.load %arg5[%swap3A, %swap3A_38] : memref<10000x128xf32, #tpu.memory_space<vmem>>, vector<10000x128xf32>
    tpu.vector_store %arg5[%swap3A, %swap3A_38], %max3A_37 {strides = array<i32>} : memref<10000x128xf32, #tpu.memory_space<vmem>>, vector<10000x128xf32>,
    return
  }
}

module attributes {stable_mosaic.version = 14 : i64} {
  func.func @_conv_body(%arg0: memref<10000x128xf32, #tpu.memory_space<vmem>>, %arg1: memref<10000x128xf32, #tpu.memory_space<vmem>>, %arg2: memref<128x128xf32, #tpu.memory_space<vmem>>, %arg3: memref<1x128xf32, #tpu.memory_space<vmem>>, %arg4: memref<1x128xf32, #tpu.memory_space<vmem>>, %arg5: memref<1x128xf32, #tpu.memory_space<vmem>>, %arg6: memref<10000x128xf32, #tpu.memory_space<vmem>>) attributes {dimension_semantics = [], scalar_prefetch = 0 : i64, scratch_operands = 0 : i64, tpu.core_type = #tpu.core_type<tc>} {
    %get3A = arith.constant 0 : index
    %get3A_0 = arith.constant 0 : index
    %get3A_1 = vector.load %arg0[%get3A, %get3A_0] : memref<10000x128xf32, #tpu.memory_space<vmem>>, vector<10000x128xf32>
    %get3A_2 = arith.constant 0 : index
    %get3A_3 = arith.constant 0 : index
    %get3A_4 = vector.load %arg1[%get3A_2, %get3A_3] : memref<10000x128xf32, #tpu.memory_space<vmem>>, vector<10000x128xf32>
    %add3A = arith.addf %get3A_1, %get3A_4 : vector<10000x128xf32>
    %get3A_5 = arith.constant 0 : index
    %get3A_6 = arith.constant 0 : index
    %get3A_7 = vector.load %arg2[%get3A_5, %get3A_6] : memref<128x128xf32, #tpu.memory_space<vmem>>, vector<128x128xf32>
    %dot_general3A = arith.constant dense<0.000000e+00> : vector<10000x128xf32>
    %dot_general3A_8 = tpu.matmul %add3A, %get3A_7, %dot_general3A {dimension_numbers = #tpu.dot_dimension_numbers<[1], [0], [0], [1], [0, 0, 1, 1], [], []>, transpose_lhs_hint = false} : vector<10000x128xf32>, vector<128x128xf32>, vector<10000x128xf32> -> vector<10000x128xf32>
    %get3A_9 = arith.constant 0 : index
    %get3A_10 = arith.constant 0 : index
    %get3A_11 = vector.load %arg3[%get3A_9, %get3A_10] : memref<1x128xf32, #tpu.memory_space<vmem>>, vector<1x128xf32>
    %add3A_12 = vector.broadcast %get3A_11 : vector<1x128xf32> to vector<10000x128xf32>
    %add3A_13 = arith.addf %dot_general3A_8, %add3A_12 : vector<10000x128xf32>
    %get3A_14 = arith.constant 0 : index
    %get3A_15 = arith.constant 0 : index
    %get3A_16 = vector.load %arg4[%get3A_14, %get3A_15] : memref<1x128xf32, #tpu.memory_space<vmem>>, vector<1x128xf32>
    %get3A_17 = arith.constant 0 : index
    %get3A_18 = arith.constant 0 : index
    %get3A_19 = vector.load %arg5[%get3A_17, %get3A_18] : memref<1x128xf32, #tpu.memory_space<vmem>>, vector<1x128xf32>
    %reduce_sum3A = arith.constant dense<0.000000e+00> : vector<128xf32>
    %reduce_sum3A_20 = vector.multi_reduction <add>, %add3A_13, %reduce_sum3A [0] : vector<10000x128xf32> to vector<128xf32>
    %broadcast_in_dim3A = vector.shape_cast %reduce_sum3A_20 : vector<128xf32> to vector<1x128xf32>
    %mul3A = arith.constant 9.99999974E-5 : f32
    %mul3A_21 = vector.broadcast %mul3A : f32 to vector<1x128xf32>
    %mul3A_22 = arith.mulf %broadcast_in_dim3A, %mul3A_21 : vector<1x128xf32>
    %sub3A = vector.broadcast %mul3A_22 : vector<1x128xf32> to vector<10000x128xf32>
    %sub3A_23 = arith.subf %add3A_13, %sub3A : vector<10000x128xf32>
    %mul3A_24 = arith.mulf %sub3A_23, %sub3A_23 : vector<10000x128xf32>
    %reduce_sum3A_25 = arith.constant dense<0.000000e+00> : vector<128xf32>
    %reduce_sum3A_26 = vector.multi_reduction <add>, %mul3A_24, %reduce_sum3A_25 [0] : vector<10000x128xf32> to vector<128xf32>
    %broadcast_in_dim3A_27 = vector.shape_cast %reduce_sum3A_26 : vector<128xf32> to vector<1x128xf32>
    %mul3A_28 = arith.constant 9.99999974E-5 : f32
    %mul3A_29 = vector.broadcast %mul3A_28 : f32 to vector<1x128xf32>
    %mul3A_30 = arith.mulf %broadcast_in_dim3A_27, %mul3A_29 : vector<1x128xf32>
    %mul3A_31 = vector.broadcast %get3A_16 : vector<1x128xf32> to vector<10000x128xf32>
    %mul3A_32 = arith.mulf %mul3A_31, %sub3A_23 : vector<10000x128xf32>
    %add3A_33 = arith.constant 9.99999974E-6 : f32
    %add3A_34 = vector.broadcast %add3A_33 : f32 to vector<1x128xf32>
    %add3A_35 = arith.addf %mul3A_30, %add3A_34 : vector<1x128xf32>
    %rsqrt3A = math.rsqrt %add3A_35 : vector<1x128xf32>
    %mul3A_36 = vector.broadcast %rsqrt3A : vector<1x128xf32> to vector<10000x128xf32>
    %mul3A_37 = arith.mulf %mul3A_32, %mul3A_36 : vector<10000x128xf32>
    %add3A_38 = vector.broadcast %get3A_19 : vector<1x128xf32> to vector<10000x128xf32>
    %add3A_39 = arith.addf %mul3A_37, %add3A_38 : vector<10000x128xf32>
    %max3A = arith.constant 0.000000e+00 : f32
    %max3A_40 = vector.broadcast %max3A : f32 to vector<10000x128xf32>
    %max3A_41 = arith.maximumf %add3A_39, %max3A_40 : vector<10000x128xf32>
    %swap3A = arith.constant 0 : index
    %swap3A_42 = arith.constant 0 : index
    %swap3A_43 = vector.load %arg6[%swap3A, %swap3A_42] : memref<10000x128xf32, #tpu.memory_space<vmem>>, vector<10000x128xf32>
    tpu.vector_store %arg6[%swap3A, %swap3A_42], %max3A_41 {strides = array<i32>} : memref<10000x128xf32, #tpu.memory_space<vmem>>, vector<10000x128xf32>,
    return
  }
}

module attributes {stable_mosaic.version = 14 : i64} {
  func.func @_head_body(%arg0: memref<10000x128xf32, #tpu.memory_space<vmem>>, %arg1: memref<10000x128xf32, #tpu.memory_space<vmem>>, %arg2: memref<128x128xf32, #tpu.memory_space<vmem>>, %arg3: memref<1x128xf32, #tpu.memory_space<vmem>>, %arg4: memref<1x128xf32, #tpu.memory_space<vmem>>, %arg5: memref<1x128xf32, #tpu.memory_space<vmem>>, %arg6: memref<128x128xf32, #tpu.memory_space<vmem>>, %arg7: memref<1x128xf32, #tpu.memory_space<vmem>>, %arg8: memref<1x128xf32, #tpu.memory_space<vmem>>, %arg9: memref<1x128xf32, #tpu.memory_space<vmem>>, %arg10: memref<128x128xf32, #tpu.memory_space<vmem>>, %arg11: memref<1x128xf32, #tpu.memory_space<vmem>>, %arg12: memref<1x128xf32, #tpu.memory_space<vmem>>, %arg13: memref<1x128xf32, #tpu.memory_space<vmem>>, %arg14: memref<128x1xf32, #tpu.memory_space<vmem>>, %arg15: memref<1x1xf32, #tpu.memory_space<vmem>>, %arg16: memref<10000x1xi32, #tpu.memory_space<vmem>>, %arg17: memref<1x8xf32, #tpu.memory_space<vmem>>, %arg18: memref<10000x1xf32, #tpu.memory_space<vmem>>) attributes {dimension_semantics = [], scalar_prefetch = 0 : i64, scratch_operands = 0 : i64, tpu.core_type = #tpu.core_type<tc>} {
    %get3A = arith.constant 0 : index
    %get3A_0 = arith.constant 0 : index
    %get3A_1 = vector.load %arg0[%get3A, %get3A_0] : memref<10000x128xf32, #tpu.memory_space<vmem>>, vector<10000x128xf32>
    %get3A_2 = arith.constant 0 : index
    %get3A_3 = arith.constant 0 : index
    %get3A_4 = vector.load %arg1[%get3A_2, %get3A_3] : memref<10000x128xf32, #tpu.memory_space<vmem>>, vector<10000x128xf32>
    %add3A = arith.addf %get3A_1, %get3A_4 : vector<10000x128xf32>
    %get3A_5 = arith.constant 0 : index
    %get3A_6 = arith.constant 0 : index
    %get3A_7 = vector.load %arg2[%get3A_5, %get3A_6] : memref<128x128xf32, #tpu.memory_space<vmem>>, vector<128x128xf32>
    %dot_general3A = arith.constant dense<0.000000e+00> : vector<10000x128xf32>
    %dot_general3A_8 = tpu.matmul %add3A, %get3A_7, %dot_general3A {dimension_numbers = #tpu.dot_dimension_numbers<[1], [0], [0], [1], [0, 0, 1, 1], [], []>, transpose_lhs_hint = false} : vector<10000x128xf32>, vector<128x128xf32>, vector<10000x128xf32> -> vector<10000x128xf32>
    %get3A_9 = arith.constant 0 : index
    %get3A_10 = arith.constant 0 : index
    %get3A_11 = vector.load %arg3[%get3A_9, %get3A_10] : memref<1x128xf32, #tpu.memory_space<vmem>>, vector<1x128xf32>
    %add3A_12 = vector.broadcast %get3A_11 : vector<1x128xf32> to vector<10000x128xf32>
    %add3A_13 = arith.addf %dot_general3A_8, %add3A_12 : vector<10000x128xf32>
    %get3A_14 = arith.constant 0 : index
    %get3A_15 = arith.constant 0 : index
    %get3A_16 = vector.load %arg4[%get3A_14, %get3A_15] : memref<1x128xf32, #tpu.memory_space<vmem>>, vector<1x128xf32>
    %get3A_17 = arith.constant 0 : index
    %get3A_18 = arith.constant 0 : index
    %get3A_19 = vector.load %arg5[%get3A_17, %get3A_18] : memref<1x128xf32, #tpu.memory_space<vmem>>, vector<1x128xf32>
    %reduce_sum3A = arith.constant dense<0.000000e+00> : vector<128xf32>
    %reduce_sum3A_20 = vector.multi_reduction <add>, %add3A_13, %reduce_sum3A [0] : vector<10000x128xf32> to vector<128xf32>
    %broadcast_in_dim3A = vector.shape_cast %reduce_sum3A_20 : vector<128xf32> to vector<1x128xf32>
    %mul3A = arith.constant 9.99999974E-5 : f32
    %mul3A_21 = vector.broadcast %mul3A : f32 to vector<1x128xf32>
    %mul3A_22 = arith.mulf %broadcast_in_dim3A, %mul3A_21 : vector<1x128xf32>
    %sub3A = vector.broadcast %mul3A_22 : vector<1x128xf32> to vector<10000x128xf32>
    %sub3A_23 = arith.subf %add3A_13, %sub3A : vector<10000x128xf32>
    %mul3A_24 = arith.mulf %sub3A_23, %sub3A_23 : vector<10000x128xf32>
    %reduce_sum3A_25 = arith.constant dense<0.000000e+00> : vector<128xf32>
    %reduce_sum3A_26 = vector.multi_reduction <add>, %mul3A_24, %reduce_sum3A_25 [0] : vector<10000x128xf32> to vector<128xf32>
    %broadcast_in_dim3A_27 = vector.shape_cast %reduce_sum3A_26 : vector<128xf32> to vector<1x128xf32>
    %mul3A_28 = arith.constant 9.99999974E-5 : f32
    %mul3A_29 = vector.broadcast %mul3A_28 : f32 to vector<1x128xf32>
    %mul3A_30 = arith.mulf %broadcast_in_dim3A_27, %mul3A_29 : vector<1x128xf32>
    %mul3A_31 = vector.broadcast %get3A_16 : vector<1x128xf32> to vector<10000x128xf32>
    %mul3A_32 = arith.mulf %mul3A_31, %sub3A_23 : vector<10000x128xf32>
    %add3A_33 = arith.constant 9.99999974E-6 : f32
    %add3A_34 = vector.broadcast %add3A_33 : f32 to vector<1x128xf32>
    %add3A_35 = arith.addf %mul3A_30, %add3A_34 : vector<1x128xf32>
    %rsqrt3A = math.rsqrt %add3A_35 : vector<1x128xf32>
    %mul3A_36 = vector.broadcast %rsqrt3A : vector<1x128xf32> to vector<10000x128xf32>
    %mul3A_37 = arith.mulf %mul3A_32, %mul3A_36 : vector<10000x128xf32>
    %add3A_38 = vector.broadcast %get3A_19 : vector<1x128xf32> to vector<10000x128xf32>
    %add3A_39 = arith.addf %mul3A_37, %add3A_38 : vector<10000x128xf32>
    %max3A = arith.constant 0.000000e+00 : f32
    %max3A_40 = vector.broadcast %max3A : f32 to vector<10000x128xf32>
    %max3A_41 = arith.maximumf %add3A_39, %max3A_40 : vector<10000x128xf32>
    %get3A_42 = arith.constant 0 : index
    %get3A_43 = arith.constant 0 : index
    %get3A_44 = vector.load %arg6[%get3A_42, %get3A_43] : memref<128x128xf32, #tpu.memory_space<vmem>>, vector<128x128xf32>
    %dot_general3A_45 = arith.constant dense<0.000000e+00> : vector<10000x128xf32>
    %dot_general3A_46 = tpu.matmul %max3A_41, %get3A_44, %dot_general3A_45 {dimension_numbers = #tpu.dot_dimension_numbers<[1], [0], [0], [1], [0, 0, 1, 1], [], []>, transpose_lhs_hint = false} : vector<10000x128xf32>, vector<128x128xf32>, vector<10000x128xf32> -> vector<10000x128xf32>
    %get3A_47 = arith.constant 0 : index
    %get3A_48 = arith.constant 0 : index
    %get3A_49 = vector.load %arg7[%get3A_47, %get3A_48] : memref<1x128xf32, #tpu.memory_space<vmem>>, vector<1x128xf32>
    %add3A_50 = vector.broadcast %get3A_49 : vector<1x128xf32> to vector<10000x128xf32>
    %add3A_51 = arith.addf %dot_general3A_46, %add3A_50 : vector<10000x128xf32>
    %get3A_52 = arith.constant 0 : index
    %get3A_53 = arith.constant 0 : index
    %get3A_54 = vector.load %arg8[%get3A_52, %get3A_53] : memref<1x128xf32, #tpu.memory_space<vmem>>, vector<1x128xf32>
    %get3A_55 = arith.constant 0 : index
    %get3A_56 = arith.constant 0 : index
    %get3A_57 = vector.load %arg9[%get3A_55, %get3A_56] : memref<1x128xf32, #tpu.memory_space<vmem>>, vector<1x128xf32>
    %reduce_sum3A_58 = arith.constant dense<0.000000e+00> : vector<128xf32>
    %reduce_sum3A_59 = vector.multi_reduction <add>, %add3A_51, %reduce_sum3A_58 [0] : vector<10000x128xf32> to vector<128xf32>
    %broadcast_in_dim3A_60 = vector.shape_cast %reduce_sum3A_59 : vector<128xf32> to vector<1x128xf32>
    %mul3A_61 = arith.constant 9.99999974E-5 : f32
    %mul3A_62 = vector.broadcast %mul3A_61 : f32 to vector<1x128xf32>
    %mul3A_63 = arith.mulf %broadcast_in_dim3A_60, %mul3A_62 : vector<1x128xf32>
    %sub3A_64 = vector.broadcast %mul3A_63 : vector<1x128xf32> to vector<10000x128xf32>
    %sub3A_65 = arith.subf %add3A_51, %sub3A_64 : vector<10000x128xf32>
    %mul3A_66 = arith.mulf %sub3A_65, %sub3A_65 : vector<10000x128xf32>
    %reduce_sum3A_67 = arith.constant dense<0.000000e+00> : vector<128xf32>
    %reduce_sum3A_68 = vector.multi_reduction <add>, %mul3A_66, %reduce_sum3A_67 [0] : vector<10000x128xf32> to vector<128xf32>
    %broadcast_in_dim3A_69 = vector.shape_cast %reduce_sum3A_68 : vector<128xf32> to vector<1x128xf32>
    %mul3A_70 = arith.constant 9.99999974E-5 : f32
    %mul3A_71 = vector.broadcast %mul3A_70 : f32 to vector<1x128xf32>
    %mul3A_72 = arith.mulf %broadcast_in_dim3A_69, %mul3A_71 : vector<1x128xf32>
    %mul3A_73 = vector.broadcast %get3A_54 : vector<1x128xf32> to vector<10000x128xf32>
    %mul3A_74 = arith.mulf %mul3A_73, %sub3A_65 : vector<10000x128xf32>
    %add3A_75 = arith.constant 9.99999974E-6 : f32
    %add3A_76 = vector.broadcast %add3A_75 : f32 to vector<1x128xf32>
    %add3A_77 = arith.addf %mul3A_72, %add3A_76 : vector<1x128xf32>
    %rsqrt3A_78 = math.rsqrt %add3A_77 : vector<1x128xf32>
    %mul3A_79 = vector.broadcast %rsqrt3A_78 : vector<1x128xf32> to vector<10000x128xf32>
    %mul3A_80 = arith.mulf %mul3A_74, %mul3A_79 : vector<10000x128xf32>
    %add3A_81 = vector.broadcast %get3A_57 : vector<1x128xf32> to vector<10000x128xf32>
    %add3A_82 = arith.addf %mul3A_80, %add3A_81 : vector<10000x128xf32>
    %max3A_83 = arith.constant 0.000000e+00 : f32
    %max3A_84 = vector.broadcast %max3A_83 : f32 to vector<10000x128xf32>
    %max3A_85 = arith.maximumf %add3A_82, %max3A_84 : vector<10000x128xf32>
    %get3A_86 = arith.constant 0 : index
    %get3A_87 = arith.constant 0 : index
    %get3A_88 = vector.load %arg10[%get3A_86, %get3A_87] : memref<128x128xf32, #tpu.memory_space<vmem>>, vector<128x128xf32>
    %dot_general3A_89 = arith.constant dense<0.000000e+00> : vector<10000x128xf32>
    %dot_general3A_90 = tpu.matmul %max3A_85, %get3A_88, %dot_general3A_89 {dimension_numbers = #tpu.dot_dimension_numbers<[1], [0], [0], [1], [0, 0, 1, 1], [], []>, transpose_lhs_hint = false} : vector<10000x128xf32>, vector<128x128xf32>, vector<10000x128xf32> -> vector<10000x128xf32>
    %get3A_91 = arith.constant 0 : index
    %get3A_92 = arith.constant 0 : index
    %get3A_93 = vector.load %arg11[%get3A_91, %get3A_92] : memref<1x128xf32, #tpu.memory_space<vmem>>, vector<1x128xf32>
    %add3A_94 = vector.broadcast %get3A_93 : vector<1x128xf32> to vector<10000x128xf32>
    %add3A_95 = arith.addf %dot_general3A_90, %add3A_94 : vector<10000x128xf32>
    %get3A_96 = arith.constant 0 : index
    %get3A_97 = arith.constant 0 : index
    %get3A_98 = vector.load %arg12[%get3A_96, %get3A_97] : memref<1x128xf32, #tpu.memory_space<vmem>>, vector<1x128xf32>
    %get3A_99 = arith.constant 0 : index
    %get3A_100 = arith.constant 0 : index
    %get3A_101 = vector.load %arg13[%get3A_99, %get3A_100] : memref<1x128xf32, #tpu.memory_space<vmem>>, vector<1x128xf32>
    %reduce_sum3A_102 = arith.constant dense<0.000000e+00> : vector<128xf32>
    %reduce_sum3A_103 = vector.multi_reduction <add>, %add3A_95, %reduce_sum3A_102 [0] : vector<10000x128xf32> to vector<128xf32>
    %broadcast_in_dim3A_104 = vector.shape_cast %reduce_sum3A_103 : vector<128xf32> to vector<1x128xf32>
    %mul3A_105 = arith.constant 9.99999974E-5 : f32
    %mul3A_106 = vector.broadcast %mul3A_105 : f32 to vector<1x128xf32>
    %mul3A_107 = arith.mulf %broadcast_in_dim3A_104, %mul3A_106 : vector<1x128xf32>
    %sub3A_108 = vector.broadcast %mul3A_107 : vector<1x128xf32> to vector<10000x128xf32>
    %sub3A_109 = arith.subf %add3A_95, %sub3A_108 : vector<10000x128xf32>
    %mul3A_110 = arith.mulf %sub3A_109, %sub3A_109 : vector<10000x128xf32>
    %reduce_sum3A_111 = arith.constant dense<0.000000e+00> : vector<128xf32>
    %reduce_sum3A_112 = vector.multi_reduction <add>, %mul3A_110, %reduce_sum3A_111 [0] : vector<10000x128xf32> to vector<128xf32>
    %broadcast_in_dim3A_113 = vector.shape_cast %reduce_sum3A_112 : vector<128xf32> to vector<1x128xf32>
    %mul3A_114 = arith.constant 9.99999974E-5 : f32
    %mul3A_115 = vector.broadcast %mul3A_114 : f32 to vector<1x128xf32>
    %mul3A_116 = arith.mulf %broadcast_in_dim3A_113, %mul3A_115 : vector<1x128xf32>
    %mul3A_117 = vector.broadcast %get3A_98 : vector<1x128xf32> to vector<10000x128xf32>
    %mul3A_118 = arith.mulf %mul3A_117, %sub3A_109 : vector<10000x128xf32>
    %add3A_119 = arith.constant 9.99999974E-6 : f32
    %add3A_120 = vector.broadcast %add3A_119 : f32 to vector<1x128xf32>
    %add3A_121 = arith.addf %mul3A_116, %add3A_120 : vector<1x128xf32>
    %rsqrt3A_122 = math.rsqrt %add3A_121 : vector<1x128xf32>
    %mul3A_123 = vector.broadcast %rsqrt3A_122 : vector<1x128xf32> to vector<10000x128xf32>
    %mul3A_124 = arith.mulf %mul3A_118, %mul3A_123 : vector<10000x128xf32>
    %add3A_125 = vector.broadcast %get3A_101 : vector<1x128xf32> to vector<10000x128xf32>
    %add3A_126 = arith.addf %mul3A_124, %add3A_125 : vector<10000x128xf32>
    %max3A_127 = arith.constant 0.000000e+00 : f32
    %max3A_128 = vector.broadcast %max3A_127 : f32 to vector<10000x128xf32>
    %max3A_129 = arith.maximumf %add3A_126, %max3A_128 : vector<10000x128xf32>
    %get3A_130 = arith.constant 0 : index
    %get3A_131 = arith.constant 0 : index
    %get3A_132 = vector.load %arg14[%get3A_130, %get3A_131] : memref<128x1xf32, #tpu.memory_space<vmem>>, vector<128x1xf32>
    %dot_general3A_133 = arith.constant dense<0.000000e+00> : vector<10000x1xf32>
    %dot_general3A_134 = tpu.matmul %max3A_129, %get3A_132, %dot_general3A_133 {dimension_numbers = #tpu.dot_dimension_numbers<[1], [0], [0], [1], [0, 0, 1, 1], [], []>, transpose_lhs_hint = false} : vector<10000x128xf32>, vector<128x1xf32>, vector<10000x1xf32> -> vector<10000x1xf32>
    %get3A_135 = arith.constant 0 : index
    %get3A_136 = arith.constant 0 : index
    %get3A_137 = vector.load %arg15[%get3A_135, %get3A_136] : memref<1x1xf32, #tpu.memory_space<vmem>>, vector<1x1xf32>
    %add3A_138 = vector.broadcast %get3A_137 : vector<1x1xf32> to vector<10000x1xf32>
    %add3A_139 = arith.addf %dot_general3A_134, %add3A_138 : vector<10000x1xf32>
    %iota3A = tpu.iota {dimensions = array<i32: 1>} : vector<10000x8xi32>
    %get3A_140 = arith.constant 0 : index
    %get3A_141 = arith.constant 0 : index
    %get3A_142 = vector.load %arg16[%get3A_140, %get3A_141] : memref<10000x1xi32, #tpu.memory_space<vmem>>, vector<10000x1xi32>
    %eq3A = vector.broadcast %get3A_142 : vector<10000x1xi32> to vector<10000x8xi32>
    %eq3A_143 = arith.cmpi eq, %eq3A, %iota3A : vector<10000x8xi32>
    %jit3A = arith.constant 0xFF800000 : f32
    %broadcast_in_dim3A_144 = vector.shape_cast %add3A_139 : vector<10000x1xf32> to vector<10000x1xf32>
    %broadcast_in_dim3A_145 = vector.broadcast %broadcast_in_dim3A_144 : vector<10000x1xf32> to vector<10000x8xf32>
    %broadcast_in_dim3A_146 = vector.broadcast %jit3A : f32 to vector<10000x8xf32>
    %select_n3A = arith.select %eq3A_143, %broadcast_in_dim3A_145, %broadcast_in_dim3A_146 : vector<10000x8xi1>, vector<10000x8xf32>
    %reduce_max3A = arith.constant dense<0xFF800000> : vector<8xf32>
    %reduce_max3A_147 = vector.multi_reduction <maximumf>, %select_n3A, %reduce_max3A [0] : vector<10000x8xf32> to vector<8xf32>
    %broadcast_in_dim3A_148 = vector.shape_cast %reduce_max3A_147 : vector<8xf32> to vector<1x8xf32>
    %neg3A = arith.constant 0.000000e+00 : f32
    %neg3A_149 = vector.broadcast %neg3A : f32 to vector<1x8xf32>
    %neg3A_150 = arith.subf %neg3A_149, %broadcast_in_dim3A_148 : vector<1x8xf32>
    %exp3A = math.exp %neg3A_150 : vector<1x8xf32>
    %add3A_151 = arith.constant 1.000000e+00 : f32
    %add3A_152 = vector.broadcast %add3A_151 : f32 to vector<1x8xf32>
    %add3A_153 = arith.addf %add3A_152, %exp3A : vector<1x8xf32>
    %div3A = arith.constant 1.000000e+00 : f32
    %div3A_154 = vector.broadcast %div3A : f32 to vector<1x8xf32>
    %div3A_155 = arith.divf %div3A_154, %add3A_153 : vector<1x8xf32>
    %swap3A = arith.constant 0 : index
    %swap3A_156 = arith.constant 0 : index
    %swap3A_157 = vector.load %arg17[%swap3A, %swap3A_156] : memref<1x8xf32, #tpu.memory_space<vmem>>, vector<1x8xf32>
    tpu.vector_store %arg17[%swap3A, %swap3A_156], %div3A_155 {strides = array<i32>} : memref<1x8xf32, #tpu.memory_space<vmem>>, vector<1x8xf32>,
    %neg3A_158 = arith.constant 0.000000e+00 : f32
    %neg3A_159 = vector.broadcast %neg3A_158 : f32 to vector<10000x1xf32>
    %neg3A_160 = arith.subf %neg3A_159, %add3A_139 : vector<10000x1xf32>
    %exp3A_161 = math.exp %neg3A_160 : vector<10000x1xf32>
    %add3A_162 = arith.constant 1.000000e+00 : f32
    %add3A_163 = vector.broadcast %add3A_162 : f32 to vector<10000x1xf32>
    %add3A_164 = arith.addf %add3A_163, %exp3A_161 : vector<10000x1xf32>
    %div3A_165 = arith.constant 1.000000e+00 : f32
    %div3A_166 = vector.broadcast %div3A_165 : f32 to vector<10000x1xf32>
    %div3A_167 = arith.divf %div3A_166, %add3A_164 : vector<10000x1xf32>
    %swap3A_168 = arith.constant 0 : index
    %swap3A_169 = arith.constant 0 : index
    %swap3A_170 = vector.load %arg18[%swap3A_168, %swap3A_169] : memref<10000x1xf32, #tpu.memory_space<vmem>>, vector<10000x1xf32>
    tpu.vector_store %arg18[%swap3A_168, %swap3A_169], %div3A_167 {strides = array<i32>} : memref<10000x1xf32, #tpu.memory_space<vmem>>, vector<10000x1xf32>,
    return
  }
}

</mosaic_0001>

<sc_bundles>
// kernel: kernel.10.cloned.1.call-start
scs
__scs_entry_jumppad:
0x0: {  	(pc) =	sbr.rel $0x88, $3  }
0x1: {  	(tag) =	ssettag $0x0;
	lr =	simm.s32 $0x1  }
0x2: {  	[smem:$0x3F88] =	sst lr;
	_ =	strace $0xD0000000  }
0x3: {  	_ = 	snop  }
0x4: {  	_ = 	snop  }
0x5: {  	_ = 	snop  }
0x6: {  	_ = 	snop  }
0x7: {  	_ = 	snop  }
__scs_overlays_trampoline_lowered:
0x8: {  	[smem:$0x3F97] =	sst s0  }
0x9: {  	[smem:$0x3F98] =	sst s1  }
0xa: {  	[smem:$0x3F99] =	sst s2  }
0xb: {  	[smem:$0x3F9A] =	sst s3  }
0xc: {  	[smem:$0x3F9B] =	sst s4  }
0xd: {  	[smem:$0x3F9C] =	sst s5  }
0xe: {  	[smem:$0x3F9D] =	sst s6  }
0xf: {  	[smem:$0x3F9E] =	sst s7  }
0x10: {  	[smem:$0x3F9F] =	sst s8  }
0x11: {  	[smem:$0x3FA0] =	sst s9;
	s0 =	simm.s32 @!p0 $0x0  }
0x12: {  	s1 =	sld [smem:$0x3F86];
	s0 =	simm.s32 @p0 $0x1  }
0x13: {  	[smem:$0x3FA1] =	sst s0;
	s0 =	simm.s32 @!p1 $0x0  }
0x14: {  	s2 =	sld [smem:$0x3F85];
	s0 =	simm.s32 @p1 $0x1  }
0x15: {  	[smem:$0x3FA2] =	sst s0;
	s0 =	simm.s32 @!p2 $0x0  }
0x16: {  	s3 =	sld [smem:$0x3FDB];
	s0 =	simm.s32 @p2 $0x1  }
0x17: {  	s4 =	simm.s32 $0x1BF5;
	[smem:$0x3FA4] =	sst s0  }
0x18: {  	s0 =	sld [smem:$0x3F87];
	_ =	swait.ge [sflag:s4], $0x0  }
0x19: {  	s7 =	sld [smem:$0x3F88]  }
0x1a: {  	s8 =	sadd.s32 $0xFFFFE003, lr  }
0x1b: {  	s9 =	sadd.s32 $0xFFFFFEF7, lr;
	s5 =	simm.s32 $0xFFFFFFFF;
	p2 =	slt.u32 s8, $0xFFFFF086  }
0x1c: {  	p1 =	slt.u32 s9, $0xF7A;
	s5 =	simm.s32 @!p2 $0x0  }
0x1d: {  	s5 =	simm.s32 @p1 $0x1;
	p0 =	seq.s32 s7, s2  }
0x1e: {  	s7 =	smul.u32 @!p0 $0xF7A, s2;
	p2 =	seq.s32 @!p0 s5, $0x0  }
0x1f: {  	s9 =	smul.u32 $0xF7A, s1;
	s8 =	simm.s32 @!p0 $0x1BF5;
	p2 =	por !p2, p0  }
0x20: {  	[sflag:s8] =	ssyncset.s32 @!p0 $0xFFFFF086;
	s6 =	sadd.s32 @!p0 s3, s7;
	s7 =	simm.s32 @!p0 $0x108  }
0x21: {  	s3 =	sadd.s32 s3, s9;
	s6 =	sadd.s32 @!p0 $0x88, s6;
	s7 =	simm.s32 @p2 $0x1082  }
0x22: {  	[simem:s7], [sflag:s8] =	dma.local @!p0 [hbm:s6], $0xF7A  }
0x23: {  	s9 =	sor.u32 $0xD0000000, s2;
	s6 =	simm.s32 $0x108;
	_ =	swait.ge @!p0 [sflag:s8], $0x0  }
0x24: {  	s3 =	sadd.s32 $0x88, s3;
	s6 =	simm.s32 @!p1 $0x1082;
	[sflag:s4] =	ssyncset.s32 $0xFFFFF086  }
0x25: {  	[simem:s6], [sflag:s4] =	dma.local [hbm:s3], $0xF7A  }
0x26: {  	[smem:$0x3F88] =	sst s1;
	(tag) =	ssettag s2;
	_ =	strace s9  }
0x27: {  	s1 =	sld [smem:$0x3F98]  }
0x28: {  	s2 =	sld [smem:$0x3F99]  }
0x29: {  	s4 =	sld [smem:$0x3F9B]  }
0x2a: {  	p0 =	seq.s32 s5, $0x0;
	s5 =	sld [smem:$0x3F9C]  }
0x2b: {  	s6 =	sld [smem:$0x3F9D]  }
0x2c: {  	s7 =	sld [smem:$0x3F9E]  }
0x2d: {  	s3 =	simm.s32 $0x108;
	s8 =	sld [smem:$0x3F9F]  }
0x2e: {  	s3 =	simm.s32 @!p0 $0x1082;
	s9 =	sld [smem:$0x3FA0]  }
0x2f: {  	lr =	sadd.s32 s0, s3;
	s0 =	sld [smem:$0x3F97]  }
0x30: {  	s3 =	sld [smem:$0x3F9A]  }
0x31: {  	[smem:$0x3FA3] =	sst s10  }
0x32: {  	s10 =	sld [smem:$0x3FA1];
	_ =	sdelay $0x3  }
0x33: {  	p0 =	seq.s32 s10, $0x1;
	s10 =	sld [smem:$0x3FA3];
	_ =	sdelay $0x3  }
0x34: {  	[smem:$0x3FA3] =	sst s10  }
0x35: {  	s10 =	sld [smem:$0x3FA2];
	_ =	sdelay $0x3  }
0x36: {  	p1 =	seq.s32 s10, $0x1;
	s10 =	sld [smem:$0x3FA3];
	_ =	sdelay $0x3  }
0x37: {  	[smem:$0x3FA3] =	sst s10  }
0x38: {  	s10 =	sld [smem:$0x3FA4]  }
0x39: {  	_ = 	snop;
	(pc) =	sbr.ind lr, $3  }
0x3a: {  	_ = 	snop  }
0x3b: {  	_ = 	snop  }
0x3c: {  	p2 =	seq.s32 s10, $0x1;
	s10 =	sld [smem:$0x3FA3]  }
0x3d: {  	_ =	shalt  }
0x3e: {  	_ =	shalt  }
0x3f: {  	_ =	shalt  }
0x40: {  	_ =	shalt  }
0x41: {  	_ =	shalt  }
0x42: {  	_ =	shalt  }
0x43: {  	_ =	shalt  }
0x44: {  	_ =	shalt  }
0x45: {  	_ =	shalt  }
0x46: {  	_ =	shalt  }
0x47: {  	_ =	shalt  }
0x48: {  	_ =	shalt  }
0x49: {  	_ =	shalt  }
0x4a: {  	_ =	shalt  }
0x4b: {  	_ =	shalt  }
0x4c: {  	_ =	shalt  }
0x4d: {  	_ =	shalt  }
0x4e: {  	_ =	shalt  }
0x4f: {  	_ =	shalt  }
0x50: {  	_ =	shalt  }
0x51: {  	_ =	shalt  }
0x52: {  	_ =	shalt  }
0x53: {  	_ =	shalt  }
0x54: {  	_ =	shalt  }
0x55: {  	_ =	shalt  }
0x56: {  	_ =	shalt  }
0x57: {  	_ =	shalt  }
0x58: {  	_ =	shalt  }
0x59: {  	_ =	shalt  }
0x5a: {  	_ =	shalt  }
0x5b: {  	_ =	shalt  }
0x5c: {  	_ =	shalt  }
0x5d: {  	_ =	shalt  }
0x5e: {  	_ =	shalt  }
0x5f: {  	_ =	shalt  }
0x60: {  	_ =	shalt  }
0x61: {  	_ =	shalt  }
0x62: {  	_ =	shalt  }
0x63: {  	_ =	shalt  }
0x64: {  	_ =	shalt  }
0x65: {  	_ =	shalt  }
0x66: {  	_ =	shalt  }
0x67: {  	_ =	shalt  }
0x68: {  	_ =	shalt  }
0x69: {  	_ =	shalt  }
0x6a: {  	_ =	shalt  }
0x6b: {  	_ =	shalt  }
0x6c: {  	_ =	shalt  }
0x6d: {  	_ =	shalt  }
0x6e: {  	_ =	shalt  }
0x6f: {  	_ =	shalt  }
0x70: {  	_ =	shalt  }
0x71: {  	_ =	shalt  }
0x72: {  	_ =	shalt  }
0x73: {  	_ =	shalt  }
0x74: {  	_ =	shalt  }
0x75: {  	_ =	shalt  }
0x76: {  	_ =	shalt  }
0x77: {  	_ =	shalt  }
0x78: {  	_ =	shalt  }
0x79: {  	_ =	shalt  }
0x7a: {  	_ =	shalt  }
0x7b: {  	_ =	shalt  }
0x7c: {  	_ =	shalt  }
0x7d: {  	_ =	shalt  }
0x7e: {  	_ =	shalt  }
0x7f: {  	_ =	shalt  }
0x80: {  	_ =	shalt  }
0x81: {  	_ =	shalt  }
0x82: {  	_ =	shalt  }
0x83: {  	_ =	shalt  }
0x84: {  	_ =	shalt  }
0x85: {  	_ =	shalt  }
0x86: {  	_ =	shalt  }
0x87: {  	_ =	shalt  }
.Lfunc_end0:
.L_simem_size_0:
called_computation.1_lowered:
.L_overlay_start_0:
0x88: {  	s2 =	sld [smem:$0x3FD9]  }
0x89: {  	s3 =	sld [smem:$0x3FFE];
	_ =	sdelay $0x1  }
0x8a: {  	s1 =	srdreg.scid  }
0x8b: {  	s0 =	sand.u32 $0x1, s1  }
0x8c: {  	s16 =	sshll.u32 s0, $0xA;
	s2 =	sadd.s32 s3, s2  }
0x8d: {  	s2 =	sadd.s32 s2, s16  }
0x8e: {  	[smem:$0x3FAF] =	sst s2  }
0x8f: {  	_ = 	snop  }
0x90: {  	(tm) =	ssettm $0x1  }
0x91: {  	s17 =	sld [smem:$0x3FFB];
	_ =	sdelay $0x3  }
0x92: {  	_ =	strace s17  }
0x93: {  	s2 =	sld [smem:$0x3FFC];
	_ =	sdelay $0x3  }
0x94: {  	_ =	strace s2  }
0x95: {  	s2 =	sld [smem:$0x3FFD];
	_ =	sdelay $0x3  }
0x96: {  	_ =	strace s2  }
0x97: {  	_ =	strace $0x8FFFFFFF  }
0x98: {  	s18 =	sld [smem:$0x3FDB];
	_ =	sdelay $0x1  }
0x99: {  	s19 =	simm.s32 $_scs_section_size  }
0x9a: {  	s4 =	simm.s32 $_size__tile_overlayer_lowered;
	s5 =	simm.s32 $_tile_overlayer_lowered  }
0x9b: {  	s22 =	simm.s32 $0x1BFF;
	s21 =	sshll.u32 s5, $0x1;
	s2 =	sadd.s32 s19, s18  }
0x9c: {  	s6 =	simm.s32 $0x0;
	s20 =	sshll.u32 s4, $0x1;
	s4 =	sadd.s32 s21, s2  }
0x9d: {  	[timem:s6], [sflag:s22] =	dma.local [hbm:s4], s20  }
0x9e: {  	_ =	swait.ge [sflag:s22], s20  }
0x9f: {  	s3 =	ssub.s32 $0x0, s20;
	[sflag:s22] =	ssyncset.done $0x0  }
0xa0: {  	[sflag:s22] =	ssyncadd.s32 s3;
	_ =	sdelay $0x1  }
0xa1: {  	s23 =	simm.s32 $0x1B8B  }
0xa2: {  	_ =	swait.ge [sflag:s23], $0x1  }
0xa3: {  	[sflag:s23] =	ssyncset.done $0x0  }
0xa4: {  	s25 =	simm.s32 $0x1B8E;
	s24 =	sld [smem:$0x3FFE];
	[sflag:s23] =	ssyncadd.s32 $0xFFFFFFFF  }
0xa5: {  	s26 =	simm.s32 $execute0_lowered;
	[smem:$0x3FD2] =	sst s25  }
0xa6: {  	s4 =	sshll.u32 s26, $0x1;
	_ =	strace $0x80000049;
	[dreg:$0x1] =	wrdreg $0xFFFFFFFF  }
0xa7: {  	s28 =	simm.s32 $_size_execute0_lowered;
	s2 =	sadd.s32 s2, s4;
	[dreg:$0x0] =	wrdreg $0x0  }
0xa8: {  	s4 =	sshll.u32 s28, $0x1;
	[dreg:$0x2] =	wrdreg s2  }
0xa9: {  	[dreg:$0x3] =	wrdreg s4  }
0xaa: {  	[dreg:$0x4] =	wrdreg $0xC0  }
0xab: {  	_ =	task [dreg:s6], $0x5FFFF  }
0xac: {  	[dreg:$0x1] =	wrdreg $0xFFFFFFFF  }
0xad: {  	[dreg:$0x0] =	wrdreg $0x60  }
0xae: {  	[dreg:$0x2] =	wrdreg s24  }
0xaf: {  	[dreg:$0x3] =	wrdreg $0x0  }
0xb0: {  	[dreg:$0x4] =	wrdreg $0x9  }
0xb1: {  	_ =	task.clear_ibuf [dreg:s6], $0x5FFFF;
	_ =	strace $0x90000049  }
0xb2: {  	s29 =	simm.s32 $0x9;
	_ =	strace $0x8000004B  }
0xb3: {  	_ =	swait.ge [sflag:s29], $0x1  }
0xb4: {  	[sflag:s29] =	ssyncadd.s32 $0xFFFFFFFF  }
0xb5: {  	_ =	strace $0x9000004B  }
0xb6: {  	_ =	sfence  }
0xb7: {  	s30 =	sld [smem:$0x0];
	_ =	sdelay $0x2  }
0xb8: {  	s31 =	sshll.u32 s1, $0xD;
	s1 =	sshrl.u32 s1, $0x2  }
0xb9: {  	s3 =	sand.u32 $0x4000, s31;
	s1 =	sadd.s32 s1, s30  }
0xba: {  	s0 =	sor.u32 s3, s0;
	s1 =	sshll.u32 s1, $0x11  }
0xbb: {  	s0 =	sor.u32 s1, s0  }
0xbc: {  	s0 =	sadd.s32 $0x8F2B, s0  }
0xbd: {  	[sflag:s0] =	ssyncadd.remote.s32 $0x1  }
0xbe: {  	_ =	sfence.sel $0xFFFF  }
0xbf: {  	[dreg:$0x0] =	wrdreg $0xFFFFFFFF;
	(pc) =	sbr.abs _section_cstart, $3  }
0xc0: {  	[dreg:$0x1] =	wrdreg $0xFFFFFFFF  }
0xc1: {  	_ =	task.clear_ibuf [dreg:s6], $0x2FFFF;
	_ =	strace $0x9FFFFFFF  }
0xc2: {  	(tm) =	ssettm $0x7FFFFFFF  }
0xc3: {  	_ =	shalt  }
tec
execute0_lowered:
.L_overlay_start_1:
0x0: {  	(tag) =	ssettag $0x1  }
0x1: {  	s0 =	srdreg.scid;
	s1 =	rddreg [dreg:$0x0]  }
0x2: {  	s9 =	stileid.u32;
	s2 =	rddreg [dreg:$0x1];
	s28 =	simm.s32 $0x2  }
0x3: {  	s29 =	simm.s32 $0x7D;
	s30 =	simm.s32 $0x16880;
	s12 =	simm.s32 $0x5  }
0x4: {  	s31 =	simm.s32 $0x4;
	s11 =	simm.s32 $0x16580;
	s13 =	simm.s32 $0x16600  }
0x5: {  	s0 =	sand.u32 $0x1, s0;
	s3 =	sshll.u32 s9, $0x1;
	s22 =	smul.u32 $0x4E000, s9  }
0x6: {  	s10 =	sadd.s32 $0x43200, s1;
	p4 =	sne.s32 s9, $0xF;
	s23 =	smul.u32 $0x2700, s9  }
0x7: {  	p0 =	seq.s32 s9, $0xF;
	s8 =	sadd.s32 $0x124800, s2;
	s24 =	smul.u32 $0x13800, s9  }
0x8: {  	s4 =	sor.u32 s0, s3;
	s3 =	simm.s32 $0x0;
	s6 =	ssub.s32 $0x2, s0  }
0x9: {  	p2 =	seq.s32 s0, $0x0;
	p3 =	seq.s32 s0, $0x1;
	s0 =	smul.u32 $0x138800, s0  }
0xa: {  	s9 =	simm.s32 $0x16400;
	s4 =	smul.u32 $0x3000, s4;
	[smem:$0x7FF] =	sst s3  }
0xb: {  	s7 =	sshrl.u32 s6, $0x1;
	p1 =	por !p2, !p4;
	p2 =	por !p2, !p0  }
0xc: {  	p4 =	por !p4, !p3;
	_ =	strace $0x8000004A;
	s6 =	ssub.s32 s6, s7  }
0xd: {  	p1 =	por !p1, !p1;
	p2 =	por !p2, !p2;
	[dreg:$0x8] =	wrdreg s8  }
0xe: {  	s7 =	sshrl.u32 s22, $0x2;
	p4 =	por !p4, !p4;
	[dreg:$0x3] =	wrdreg s10  }
0xf: {  	s8 =	sadd.s32 s10, s23;
	s22 =	simm.s32 $0x15900;
	s10 =	simm.s32 $0x15A00  }
0x10: {  	s5 =	sshrl.u32 s4, $0x3;
	s4 =	sadd.s32 $0x1C000, s1;
	s7 =	sadd.s32 s7, s2  }
0x11: {  	[dreg:$0xb] =	wrdreg s8;
	s8 =	simm.s32 $0x0;
	s5 =	sadd.s32 s5, s1  }
0x12: {  	s1 =	sadd.s32 $0x6A400, s1;
	[dreg:$0x9] =	wrdreg s7;
	s25 =	sadd.s32 s4, s23  }
0x13: {  	s7 =	sadd.s32 s24, s0;
	s0 =	sshrl.u32 s0, $0x3;
	s23 =	simm.s32 $0x15080  }
0x14: {  	s24 =	simm.s32 $0x15C80;
	[dreg:$0xf] =	wrdreg s8;
	s18 =	sadd.s32 $0x4000, s5  }
0x15: {  	s19 =	sadd.s32 $0x10000, s5;
	s20 =	sadd.s32 $0x4180, s5;
	s21 =	sadd.s32 $0x10180, s5  }
0x16: {  	[dreg:$0xa] =	wrdreg s25;
	s14 =	sadd.s32 $0x4300, s5;
	s15 =	sadd.s32 $0x10300, s5  }
0x17: {  	s16 =	sadd.s32 $0x4480, s5;
	s7 =	sshrl.u32 s7, $0x3;
	[dreg:$0x4] =	wrdreg s18  }
0x18: {  	s17 =	sadd.s32 $0x10480, s5;
	s0 =	sadd.s32 s1, s0;
	[dreg:$0x5] =	wrdreg s19  }
0x19: {  	s25 =	simm.s32 $0x7;
	s5 =	simm.s32 $0x6;
	[dreg:$0x6] =	wrdreg s20  }
.Ltmp0:
0x1a: {  	[dreg:$0x7] =	wrdreg s21;
	s26 =	sadd.s32 s1, s7;
	(pc) =	sbr.rel .LBB2_1-.Ltmp0, $4  }
0x1b: {  	s0 =	sadd.s32 $0x24900, s0;
	s7 =	smax.u32 s6, $0x1;
	s21 =	simm.s32 $0x13880  }
0x1c: {  	s1 =	simm.s32 $0x1A880;
	s18 =	simm.s32 $0x16480;
	[dreg:$0xc] =	wrdreg s26  }
0x1d: {  	s19 =	simm.s32 $0x15980;
	s20 =	simm.s32 $0x16500;
	[dreg:$0xd] =	wrdreg s0  }
0x1e: {  	[dreg:$0xe] =	wrdreg s7;
	s26 =	simm.s32 $0x1;
	s0 =	simm.s32 $0x3  }
.LBB2_10:
0x1f: {  	_ =	swait.ge [sflag:s5], $0x3E80  }
0x20: {  	[sflag:s5] =	ssyncset.done $0x0  }
0x21: {  	[sflag:s5] =	ssyncadd.s32 $0xFFFFC180  }
0x22: {  	[spmem:s2] =	stream.indirect.scatter.add.f32 [tilespmem:s1], [sflag:$0x7], $0x80, s13, s29, $0xb8;
	[tilespmem:$0x1E880] =	vst v63  }
0x23: {  	_ =	swait.ge [sflag:s25], $0x3E80  }
0x24: {  	[sflag:s25] =	ssyncset.done $0x0  }
0x25: {  	[sflag:s25] =	ssyncadd.s32 $0xFFFFC180  }
0x26: {  	s21 =	stileid.u32;
	[bflag:$0x0] =	sbarrier.arrive $0xFFFF  }
0x27: {  	s6 =	sshll.u32 @!p0 s21, $0x6;
	s7 =	rddreg [dreg:$0x9]  }
0x28: {  	s6 =	sor.u32 @!p0 $0x1C07, s6;
	s8 =	rddreg [dreg:$0xc];
	s7 =	sshrl.u32 @!p0 s7, $0x3  }
0x29: {  	[hbm:s8], [sflag:s6] =	dma.local @!p0 [spmem:s7], $0x2700  }
0x2a: {  	s6 =	simm.s32 @!p0 $0x7  }
0x2b: {  	_ =	swait.ge @!p0 [sflag:s6], $0x2700  }
0x2c: {  	s7 =	sshll.u32 @p5 s21, $0x6;
	[sflag:s6] =	ssyncset.done @!p0 $0x0  }
0x2d: {  	[sflag:s6] =	ssyncadd.s32 @!p0 $0xFFFFD900;
	s6 =	sor.u32 @p5 $0x1C07, s7;
	s7 =	rddreg [dreg:$0x8]  }
0x2e: {  	s21 =	rddreg [dreg:$0xd];
	s7 =	sshrl.u32 @p5 s7, $0x3  }
0x2f: {  	[hbm:s21], [sflag:s6] =	dma.local @p5 [spmem:s7], $0x2800  }
0x30: {  	s6 =	simm.s32 @p5 $0x7  }
0x31: {  	_ =	swait.ge @p5 [sflag:s6], $0x2800  }
0x32: {  	s7 =	rddreg [dreg:$0xf]  }
0x33: {  	s8 =	sadd.s32 $0x1, s7;
	s7 =	rddreg [dreg:$0xe]  }
0x34: {  	p6 =	sne.s32 s8, s7  }
.Ltmp1:
0x35: {  	_ = 	snop;
	(pc) =	sbr.rel @!p6 .LBB2_11-.Ltmp1, $3  }
0x36: {  	_ =	sdelay $0x1  }
0x37: {  	[sflag:s6] =	ssyncset.done @p5 $0x0  }
0x38: {  	s21 =	simm.s32 $0x13880;
	[sflag:s6] =	ssyncadd.s32 @p5 $0xFFFFD800;
	[dreg:$0xf] =	wrdreg s8  }
.LBB2_1:
0x39: {  	s6 =	rddreg [dreg:$0x4]  }
0x3a: {  	[tilespmem:s21], [sflag:$0x1] =	stream.linear.gather [hbm4b:s6+s3], $0xA00, $0x38;
	[tilespmem:$0x1E880] =	vst v63  }
0x3b: {  	s8 =	rddreg [dreg:$0x5];
	s7 =	simm.s32 $0x14480  }
0x3c: {  	[tilespmem:s7], [sflag:$0x2] =	stream.linear.gather [hbm4b:s8+s3], $0xA00, $0x38;
	[tilespmem:$0x1E880] =	vst v63  }
.Ltmp2:
0x3d: {  	_ = 	snop;
	(pc) =	sbr.rel @!p1 .LBB2_4-.Ltmp2, $4  }
0x3e: {  	s7 =	rddreg [dreg:$0x6]  }
0x3f: {  	[tilespmem:s23], [sflag:$0x3] =	stream.linear.gather [hbm4b:s7+s3], $0xA00, $0x38;
	[tilespmem:$0x1E880] =	vst v63  }
0x40: {  	s8 =	rddreg [dreg:$0x7]  }
0x41: {  	[tilespmem:s24], [sflag:$0x4] =	stream.linear.gather [hbm4b:s8+s3], $0xA00, $0x38;
	[tilespmem:$0x1E880] =	vst v63  }
0x42: {  	s6 =	stileid.u32;
	s7 =	rddreg [dreg:$0x9]  }
0x43: {  	s8 =	rddreg [dreg:$0xa];
	s6 =	sshll.u32 s6, $0x6  }
.Ltmp3:
0x44: {  	s7 =	sshrl.u32 s7, $0x3;
	s6 =	sor.u32 $0x1C07, s6;
	(pc) =	sbr.rel .LBB2_3-.Ltmp3, $4  }
0x45: {  	[spmem:s7], [sflag:s6] =	dma.local [hbm:s8], $0x2700  }
0x46: {  	_ =	swait.ge [sflag:s25], $0x2700  }
0x47: {  	[sflag:s25] =	ssyncset.done $0x0  }
0x48: {  	p5 =	por $0x0, $0x0;
	[sflag:s25] =	ssyncadd.s32 $0xFFFFD900  }
.LBB2_4:
.Ltmp4:
0x49: {  	(pc) =	sbr.rel @!p2 .LBB2_3-.Ltmp4, $2  }
0x4a: {  	_ =	sdelay $0x2  }
0x4b: {  	p5 =	por p0, p0  }
.Ltmp5:
0x4c: {  	(pc) =	sbr.rel .LBB2_6-.Ltmp5, $2  }
0x4d: {  	_ =	sdelay $0x2  }
0x4e: {  	p5 =	por $0x1, $0x1;
	s7 =	simm.s32 $0xF;
	s6 =	smov.u32 s4  }
.LBB2_3:
0x4f: {  	s6 =	stileid.u32;
	s7 =	rddreg [dreg:$0x9];
	p6 =	por @p4 $0x1, $0x1  }
0x50: {  	s8 =	rddreg [dreg:$0xb];
	s6 =	sshll.u32 @p4 s6, $0x6;
	p6 =	por @!p4 p3, p3  }
0x51: {  	s7 =	sshrl.u32 @p4 s7, $0x3;
	s6 =	sor.u32 @p4 $0x1C07, s6;
	p6 =	por !p6, !p5  }
0x52: {  	[spmem:s7], [sflag:s6] =	dma.local @p4 [hbm:s8], $0x2700  }
0x53: {  	p6 =	por !p6, !p6  }
.Ltmp6:
0x54: {  	_ = 	snop;
	(pc) =	sbr.rel @!p6 .LBB2_7-.Ltmp6, $4  }
0x55: {  	s6 =	simm.s32 @p4 $0x7  }
0x56: {  	_ =	swait.ge @p4 [sflag:s6], $0x2700  }
0x57: {  	[sflag:s6] =	ssyncset.done @p4 $0x0  }
0x58: {  	s7 =	stileid.u32;
	[sflag:s6] =	ssyncadd.s32 @p4 $0xFFFFD900;
	s6 =	rddreg [dreg:$0x3]  }
.LBB2_6:
0x59: {  	s7 =	sshll.u32 s7, $0x6;
	s8 =	rddreg [dreg:$0x8]  }
0x5a: {  	s6 =	sadd.s32 $0x24900, s6;
	s7 =	sor.u32 $0x1C07, s7;
	s8 =	sshrl.u32 s8, $0x3  }
0x5b: {  	[spmem:s8], [sflag:s7] =	dma.local [hbm:s6], $0x2800  }
0x5c: {  	_ =	swait.ge [sflag:s25], $0x2800  }
0x5d: {  	[sflag:s25] =	ssyncset.done $0x0  }
0x5e: {  	[sflag:s25] =	ssyncadd.s32 $0xFFFFD800  }
.LBB2_7:
0x5f: {  	[bflag:$0x0] =	sbarrier.arrive $0xFFFF  }
0x60: {  	_ =	swait.ge [sflag:s26], $0xA00  }
0x61: {  	[sflag:s26] =	ssyncset.done $0x0  }
0x62: {  	[sflag:s26] =	ssyncadd.s32 $0xFFFFF600  }
0x63: {  	_ =	swait.ge [sflag:s28], $0xA00  }
0x64: {  	[sflag:s28] =	ssyncset.done $0x0  }
0x65: {  	[sflag:s28] =	ssyncadd.s32 $0xFFFFF600  }
0x66: {  	[tilespmem:s30], [sflag:$0x5] =	stream.indirect.gather [hbm4b:s4+s29], $0x80, s21, s29, $0xb8;
	[tilespmem:$0x1E880] =	vst v63  }
0x67: {  	s6 =	simm.s32 $0x13900;
	p6 =	por $0x1, $0x1;
	s8 =	simm.s32 $0x14480  }
0x68: {  	[tilespmem:s1], [sflag:$0x6] =	stream.indirect.gather [hbm4b:s4+s29], $0x80, s6, s29, $0xb8;
	[tilespmem:$0x1E880] =	vst v63  }
.LBB2_8:
0x69: {  	_ =	swait.ge [sflag:s12], $0x3E80  }
0x6a: {  	[sflag:s12] =	ssyncset.done $0x0  }
0x6b: {  	[sflag:s12] =	ssyncadd.s32 $0xFFFFC180  }
0x6c: {  	[spmem:s2] =	stream.indirect.scatter.add.f32 [tilespmem:s30], [sflag:$0x7], $0x80, s8, s29, $0xb8;
	[tilespmem:$0x1E880] =	vst v63  }
0x6d: {  	_ =	swait.ge [sflag:s25], $0x3E80  }
0x6e: {  	[sflag:s25] =	ssyncset.done $0x0  }
0x6f: {  	s6 =	simm.s32 $0x13980;
	[sflag:s25] =	ssyncadd.s32 $0xFFFFC180  }
0x70: {  	[tilespmem:s30], [sflag:$0x5] =	stream.indirect.gather [hbm4b:s4+s29], $0x80, s6, s29, $0xb8;
	[tilespmem:$0x1E880] =	vst v63  }
0x71: {  	_ =	swait.ge [sflag:s5], $0x3E80  }
0x72: {  	[sflag:s5] =	ssyncset.done $0x0  }
0x73: {  	s7 =	simm.s32 $0x14500;
	[sflag:s5] =	ssyncadd.s32 $0xFFFFC180  }
0x74: {  	[spmem:s2] =	stream.indirect.scatter.add.f32 [tilespmem:s1], [sflag:$0x7], $0x80, s7, s29, $0xb8;
	[tilespmem:$0x1E880] =	vst v63  }
0x75: {  	_ =	swait.ge [sflag:s25], $0x3E80  }
0x76: {  	[sflag:s25] =	ssyncset.done $0x0  }
0x77: {  	s7 =	simm.s32 $0x13A00;
	[sflag:s25] =	ssyncadd.s32 $0xFFFFC180  }
0x78: {  	[tilespmem:s1], [sflag:$0x6] =	stream.indirect.gather [hbm4b:s4+s29], $0x80, s7, s29, $0xb8;
	[tilespmem:$0x1E880] =	vst v63  }
0x79: {  	_ =	swait.ge [sflag:s12], $0x3E80  }
0x7a: {  	[sflag:s12] =	ssyncset.done $0x0  }
0x7b: {  	s7 =	simm.s32 $0x14580;
	[sflag:s12] =	ssyncadd.s32 $0xFFFFC180  }
0x7c: {  	[spmem:s2] =	stream.indirect.scatter.add.f32 [tilespmem:s30], [sflag:$0x7], $0x80, s7, s29, $0xb8;
	[tilespmem:$0x1E880] =	vst v63  }
0x7d: {  	_ =	swait.ge [sflag:s25], $0x3E80  }
0x7e: {  	[sflag:s25] =	ssyncset.done $0x0  }
0x7f: {  	s7 =	simm.s32 $0x13A80;
	[sflag:s25] =	ssyncadd.s32 $0xFFFFC180  }
0x80: {  	[tilespmem:s30], [sflag:$0x5] =	stream.indirect.gather [hbm4b:s4+s29], $0x80, s7, s29, $0xb8;
	[tilespmem:$0x1E880] =	vst v63  }
0x81: {  	_ =	swait.ge [sflag:s5], $0x3E80  }
0x82: {  	[sflag:s5] =	ssyncset.done $0x0  }
0x83: {  	s7 =	simm.s32 $0x14600;
	[sflag:s5] =	ssyncadd.s32 $0xFFFFC180  }
0x84: {  	[spmem:s2] =	stream.indirect.scatter.add.f32 [tilespmem:s1], [sflag:$0x7], $0x80, s7, s29, $0xb8;
	[tilespmem:$0x1E880] =	vst v63  }
0x85: {  	_ =	swait.ge [sflag:s25], $0x3E80  }
0x86: {  	[sflag:s25] =	ssyncset.done $0x0  }
0x87: {  	s7 =	simm.s32 $0x13B00;
	[sflag:s25] =	ssyncadd.s32 $0xFFFFC180  }
0x88: {  	[tilespmem:s1], [sflag:$0x6] =	stream.indirect.gather [hbm4b:s4+s29], $0x80, s7, s29, $0xb8;
	[tilespmem:$0x1E880] =	vst v63  }
0x89: {  	_ =	swait.ge [sflag:s12], $0x3E80  }
0x8a: {  	[sflag:s12] =	ssyncset.done $0x0  }
0x8b: {  	s7 =	simm.s32 $0x14680;
	[sflag:s12] =	ssyncadd.s32 $0xFFFFC180  }
0x8c: {  	[spmem:s2] =	stream.indirect.scatter.add.f32 [tilespmem:s30], [sflag:$0x7], $0x80, s7, s29, $0xb8;
	[tilespmem:$0x1E880] =	vst v63  }
0x8d: {  	_ =	swait.ge [sflag:s25], $0x3E80  }
0x8e: {  	[sflag:s25] =	ssyncset.done $0x0  }
0x8f: {  	s7 =	simm.s32 $0x13B80;
	[sflag:s25] =	ssyncadd.s32 $0xFFFFC180  }
0x90: {  	[tilespmem:s30], [sflag:$0x5] =	stream.indirect.gather [hbm4b:s4+s29], $0x80, s7, s29, $0xb8;
	[tilespmem:$0x1E880] =	vst v63  }
0x91: {  	_ =	swait.ge [sflag:s5], $0x3E80  }
0x92: {  	[sflag:s5] =	ssyncset.done $0x0  }
0x93: {  	s7 =	simm.s32 $0x14700;
	[sflag:s5] =	ssyncadd.s32 $0xFFFFC180  }
0x94: {  	[spmem:s2] =	stream.indirect.scatter.add.f32 [tilespmem:s1], [sflag:$0x7], $0x80, s7, s29, $0xb8;
	[tilespmem:$0x1E880] =	vst v63  }
0x95: {  	_ =	swait.ge [sflag:s25], $0x3E80  }
0x96: {  	[sflag:s25] =	ssyncset.done $0x0  }
0x97: {  	s7 =	simm.s32 $0x13C00;
	[sflag:s25] =	ssyncadd.s32 $0xFFFFC180  }
0x98: {  	[tilespmem:s1], [sflag:$0x6] =	stream.indirect.gather [hbm4b:s4+s29], $0x80, s7, s29, $0xb8;
	[tilespmem:$0x1E880] =	vst v63  }
0x99: {  	_ =	swait.ge [sflag:s12], $0x3E80  }
0x9a: {  	[sflag:s12] =	ssyncset.done $0x0  }
0x9b: {  	s7 =	simm.s32 $0x14780;
	[sflag:s12] =	ssyncadd.s32 $0xFFFFC180  }
0x9c: {  	[spmem:s2] =	stream.indirect.scatter.add.f32 [tilespmem:s30], [sflag:$0x7], $0x80, s7, s29, $0xb8;
	[tilespmem:$0x1E880] =	vst v63  }
0x9d: {  	_ =	swait.ge [sflag:s25], $0x3E80  }
0x9e: {  	[sflag:s25] =	ssyncset.done $0x0  }
0x9f: {  	s7 =	simm.s32 $0x13C80;
	[sflag:s25] =	ssyncadd.s32 $0xFFFFC180  }
0xa0: {  	[tilespmem:s30], [sflag:$0x5] =	stream.indirect.gather [hbm4b:s4+s29], $0x80, s7, s29, $0xb8;
	[tilespmem:$0x1E880] =	vst v63  }
0xa1: {  	_ =	swait.ge [sflag:s5], $0x3E80  }
0xa2: {  	[sflag:s5] =	ssyncset.done $0x0  }
0xa3: {  	s7 =	simm.s32 $0x14800;
	[sflag:s5] =	ssyncadd.s32 $0xFFFFC180  }
0xa4: {  	[spmem:s2] =	stream.indirect.scatter.add.f32 [tilespmem:s1], [sflag:$0x7], $0x80, s7, s29, $0xb8;
	[tilespmem:$0x1E880] =	vst v63  }
0xa5: {  	_ =	swait.ge [sflag:s25], $0x3E80  }
0xa6: {  	[sflag:s25] =	ssyncset.done $0x0  }
0xa7: {  	s7 =	simm.s32 $0x13D00;
	[sflag:s25] =	ssyncadd.s32 $0xFFFFC180  }
0xa8: {  	[tilespmem:s1], [sflag:$0x6] =	stream.indirect.gather [hbm4b:s4+s29], $0x80, s7, s29, $0xb8;
	[tilespmem:$0x1E880] =	vst v63  }
0xa9: {  	_ =	swait.ge [sflag:s12], $0x3E80  }
0xaa: {  	[sflag:s12] =	ssyncset.done $0x0  }
0xab: {  	s7 =	simm.s32 $0x14880;
	[sflag:s12] =	ssyncadd.s32 $0xFFFFC180  }
0xac: {  	[spmem:s2] =	stream.indirect.scatter.add.f32 [tilespmem:s30], [sflag:$0x7], $0x80, s7, s29, $0xb8;
	[tilespmem:$0x1E880] =	vst v63  }
0xad: {  	_ =	swait.ge [sflag:s25], $0x3E80  }
0xae: {  	[sflag:s25] =	ssyncset.done $0x0  }
0xaf: {  	s7 =	simm.s32 $0x13D80;
	[sflag:s25] =	ssyncadd.s32 $0xFFFFC180  }
0xb0: {  	[tilespmem:s30], [sflag:$0x5] =	stream.indirect.gather [hbm4b:s4+s29], $0x80, s7, s29, $0xb8;
	[tilespmem:$0x1E880] =	vst v63  }
0xb1: {  	_ =	swait.ge [sflag:s5], $0x3E80  }
0xb2: {  	[sflag:s5] =	ssyncset.done $0x0  }
0xb3: {  	s7 =	simm.s32 $0x14900;
	[sflag:s5] =	ssyncadd.s32 $0xFFFFC180  }
0xb4: {  	[spmem:s2] =	stream.indirect.scatter.add.f32 [tilespmem:s1], [sflag:$0x7], $0x80, s7, s29, $0xb8;
	[tilespmem:$0x1E880] =	vst v63  }
0xb5: {  	_ =	swait.ge [sflag:s25], $0x3E80  }
0xb6: {  	[sflag:s25] =	ssyncset.done $0x0  }
0xb7: {  	s7 =	simm.s32 $0x13E00;
	[sflag:s25] =	ssyncadd.s32 $0xFFFFC180  }
0xb8: {  	[tilespmem:s1], [sflag:$0x6] =	stream.indirect.gather [hbm4b:s4+s29], $0x80, s7, s29, $0xb8;
	[tilespmem:$0x1E880] =	vst v63  }
0xb9: {  	_ =	swait.ge [sflag:s12], $0x3E80  }
0xba: {  	[sflag:s12] =	ssyncset.done $0x0  }
0xbb: {  	s7 =	simm.s32 $0x14980;
	[sflag:s12] =	ssyncadd.s32 $0xFFFFC180  }
0xbc: {  	[spmem:s2] =	stream.indirect.scatter.add.f32 [tilespmem:s30], [sflag:$0x7], $0x80, s7, s29, $0xb8;
	[tilespmem:$0x1E880] =	vst v63  }
0xbd: {  	_ =	swait.ge [sflag:s25], $0x3E80  }
0xbe: {  	[sflag:s25] =	ssyncset.done $0x0  }
0xbf: {  	s7 =	simm.s32 $0x13E80;
	[sflag:s25] =	ssyncadd.s32 $0xFFFFC180  }
0xc0: {  	[tilespmem:s30], [sflag:$0x5] =	stream.indirect.gather [hbm4b:s4+s29], $0x80, s7, s29, $0xb8;
	[tilespmem:$0x1E880] =	vst v63  }
0xc1: {  	_ =	swait.ge [sflag:s5], $0x3E80  }
0xc2: {  	[sflag:s5] =	ssyncset.done $0x0  }
0xc3: {  	s7 =	simm.s32 $0x14A00;
	[sflag:s5] =	ssyncadd.s32 $0xFFFFC180  }
0xc4: {  	[spmem:s2] =	stream.indirect.scatter.add.f32 [tilespmem:s1], [sflag:$0x7], $0x80, s7, s29, $0xb8;
	[tilespmem:$0x1E880] =	vst v63  }
0xc5: {  	_ =	swait.ge [sflag:s25], $0x3E80  }
0xc6: {  	[sflag:s25] =	ssyncset.done $0x0  }
0xc7: {  	s7 =	simm.s32 $0x13F00;
	[sflag:s25] =	ssyncadd.s32 $0xFFFFC180  }
0xc8: {  	[tilespmem:s1], [sflag:$0x6] =	stream.indirect.gather [hbm4b:s4+s29], $0x80, s7, s29, $0xb8;
	[tilespmem:$0x1E880] =	vst v63  }
0xc9: {  	_ =	swait.ge [sflag:s12], $0x3E80  }
0xca: {  	[sflag:s12] =	ssyncset.done $0x0  }
0xcb: {  	s7 =	simm.s32 $0x14A80;
	[sflag:s12] =	ssyncadd.s32 $0xFFFFC180  }
0xcc: {  	[spmem:s2] =	stream.indirect.scatter.add.f32 [tilespmem:s30], [sflag:$0x7], $0x80, s7, s29, $0xb8;
	[tilespmem:$0x1E880] =	vst v63  }
0xcd: {  	_ =	swait.ge [sflag:s25], $0x3E80  }
0xce: {  	[sflag:s25] =	ssyncset.done $0x0  }
0xcf: {  	s7 =	simm.s32 $0x13F80;
	[sflag:s25] =	ssyncadd.s32 $0xFFFFC180  }
0xd0: {  	[tilespmem:s30], [sflag:$0x5] =	stream.indirect.gather [hbm4b:s4+s29], $0x80, s7, s29, $0xb8;
	[tilespmem:$0x1E880] =	vst v63  }
0xd1: {  	_ =	swait.ge [sflag:s5], $0x3E80  }
0xd2: {  	[sflag:s5] =	ssyncset.done $0x0  }
0xd3: {  	s7 =	simm.s32 $0x14B00;
	[sflag:s5] =	ssyncadd.s32 $0xFFFFC180  }
0xd4: {  	[spmem:s2] =	stream.indirect.scatter.add.f32 [tilespmem:s1], [sflag:$0x7], $0x80, s7, s29, $0xb8;
	[tilespmem:$0x1E880] =	vst v63  }
0xd5: {  	_ =	swait.ge [sflag:s25], $0x3E80  }
0xd6: {  	[sflag:s25] =	ssyncset.done $0x0  }
0xd7: {  	s7 =	simm.s32 $0x14000;
	[sflag:s25] =	ssyncadd.s32 $0xFFFFC180  }
0xd8: {  	[tilespmem:s1], [sflag:$0x6] =	stream.indirect.gather [hbm4b:s4+s29], $0x80, s7, s29, $0xb8;
	[tilespmem:$0x1E880] =	vst v63  }
0xd9: {  	_ =	swait.ge [sflag:s12], $0x3E80  }
0xda: {  	[sflag:s12] =	ssyncset.done $0x0  }
0xdb: {  	s7 =	simm.s32 $0x14B80;
	[sflag:s12] =	ssyncadd.s32 $0xFFFFC180  }
0xdc: {  	[spmem:s2] =	stream.indirect.scatter.add.f32 [tilespmem:s30], [sflag:$0x7], $0x80, s7, s29, $0xb8;
	[tilespmem:$0x1E880] =	vst v63  }
0xdd: {  	_ =	swait.ge [sflag:s25], $0x3E80  }
0xde: {  	[sflag:s25] =	ssyncset.done $0x0  }
0xdf: {  	s7 =	simm.s32 $0x14080;
	[sflag:s25] =	ssyncadd.s32 $0xFFFFC180  }
0xe0: {  	[tilespmem:s30], [sflag:$0x5] =	stream.indirect.gather [hbm4b:s4+s29], $0x80, s7, s29, $0xb8;
	[tilespmem:$0x1E880] =	vst v63  }
0xe1: {  	_ =	swait.ge [sflag:s5], $0x3E80  }
0xe2: {  	[sflag:s5] =	ssyncset.done $0x0  }
0xe3: {  	s7 =	simm.s32 $0x14C00;
	[sflag:s5] =	ssyncadd.s32 $0xFFFFC180  }
0xe4: {  	[spmem:s2] =	stream.indirect.scatter.add.f32 [tilespmem:s1], [sflag:$0x7], $0x80, s7, s29, $0xb8;
	[tilespmem:$0x1E880] =	vst v63  }
0xe5: {  	_ =	swait.ge [sflag:s25], $0x3E80  }
0xe6: {  	[sflag:s25] =	ssyncset.done $0x0  }
0xe7: {  	s7 =	simm.s32 $0x14100;
	[sflag:s25] =	ssyncadd.s32 $0xFFFFC180  }
0xe8: {  	[tilespmem:s1], [sflag:$0x6] =	stream.indirect.gather [hbm4b:s4+s29], $0x80, s7, s29, $0xb8;
	[tilespmem:$0x1E880] =	vst v63  }
0xe9: {  	_ =	swait.ge [sflag:s12], $0x3E80  }
0xea: {  	[sflag:s12] =	ssyncset.done $0x0  }
0xeb: {  	s7 =	simm.s32 $0x14C80;
	[sflag:s12] =	ssyncadd.s32 $0xFFFFC180  }
0xec: {  	[spmem:s2] =	stream.indirect.scatter.add.f32 [tilespmem:s30], [sflag:$0x7], $0x80, s7, s29, $0xb8;
	[tilespmem:$0x1E880] =	vst v63  }
0xed: {  	_ =	swait.ge [sflag:s25], $0x3E80  }
0xee: {  	[sflag:s25] =	ssyncset.done $0x0  }
0xef: {  	s7 =	simm.s32 $0x14180;
	[sflag:s25] =	ssyncadd.s32 $0xFFFFC180  }
0xf0: {  	[tilespmem:s30], [sflag:$0x5] =	stream.indirect.gather [hbm4b:s4+s29], $0x80, s7, s29, $0xb8;
	[tilespmem:$0x1E880] =	vst v63  }
0xf1: {  	_ =	swait.ge [sflag:s5], $0x3E80  }
0xf2: {  	[sflag:s5] =	ssyncset.done $0x0  }
0xf3: {  	s7 =	simm.s32 $0x14D00;
	[sflag:s5] =	ssyncadd.s32 $0xFFFFC180  }
0xf4: {  	[spmem:s2] =	stream.indirect.scatter.add.f32 [tilespmem:s1], [sflag:$0x7], $0x80, s7, s29, $0xb8;
	[tilespmem:$0x1E880] =	vst v63  }
0xf5: {  	_ =	swait.ge [sflag:s25], $0x3E80  }
0xf6: {  	[sflag:s25] =	ssyncset.done $0x0  }
0xf7: {  	s7 =	simm.s32 $0x14200;
	[sflag:s25] =	ssyncadd.s32 $0xFFFFC180  }
0xf8: {  	[tilespmem:s1], [sflag:$0x6] =	stream.indirect.gather [hbm4b:s4+s29], $0x80, s7, s29, $0xb8;
	[tilespmem:$0x1E880] =	vst v63  }
0xf9: {  	_ =	swait.ge [sflag:s12], $0x3E80  }
0xfa: {  	[sflag:s12] =	ssyncset.done $0x0  }
0xfb: {  	s7 =	simm.s32 $0x14D80;
	[sflag:s12] =	ssyncadd.s32 $0xFFFFC180  }
0xfc: {  	[spmem:s2] =	stream.indirect.scatter.add.f32 [tilespmem:s30], [sflag:$0x7], $0x80, s7, s29, $0xb8;
	[tilespmem:$0x1E880] =	vst v63  }
0xfd: {  	_ =	swait.ge [sflag:s25], $0x3E80  }
0xfe: {  	[sflag:s25] =	ssyncset.done $0x0  }
0xff: {  	[sflag:s25] =	ssyncadd.s32 $0xFFFFC180  }
0x100: {  	_ =	swait.ge [sflag:s0], $0xA00  }
0x101: {  	[sflag:s0] =	ssyncset.done $0x0  }
0x102: {  	[sflag:s0] =	ssyncadd.s32 $0xFFFFF600  }
0x103: {  	[tilespmem:s30], [sflag:$0x5] =	stream.indirect.gather [hbm4b:s4+s29], $0x80, s23, s29, $0xb8;
	[tilespmem:$0x1E880] =	vst v63  }
0x104: {  	_ =	swait.ge [sflag:s5], $0x3E80  }
0x105: {  	[sflag:s5] =	ssyncset.done $0x0  }
0x106: {  	s7 =	simm.s32 $0x14E00;
	[sflag:s5] =	ssyncadd.s32 $0xFFFFC180  }
0x107: {  	[spmem:s2] =	stream.indirect.scatter.add.f32 [tilespmem:s1], [sflag:$0x7], $0x80, s7, s29, $0xb8;
	[tilespmem:$0x1E880] =	vst v63  }
0x108: {  	_ =	swait.ge [sflag:s25], $0x3E80  }
0x109: {  	[sflag:s25] =	ssyncset.done $0x0  }
0x10a: {  	s7 =	simm.s32 $0x15100;
	[sflag:s25] =	ssyncadd.s32 $0xFFFFC180  }
0x10b: {  	[tilespmem:s1], [sflag:$0x6] =	stream.indirect.gather [hbm4b:s4+s29], $0x80, s7, s29, $0xb8;
	[tilespmem:$0x1E880] =	vst v63  }
0x10c: {  	_ =	swait.ge [sflag:s31], $0xA00  }
0x10d: {  	[sflag:s31] =	ssyncset.done $0x0  }
0x10e: {  	s6 =	simm.s32 @p6 $0x0;
	s7 =	simm.s32 @p6 $0x13880;
	[sflag:s31] =	ssyncadd.s32 $0xFFFFF600  }
0x10f: {  	[tilespmem:s7], [sflag:$0x1] =	stream.linear.gather @p6 [hbm4b:s14+s6], $0xA00, $0x38;
	[tilespmem:$0x1E880] =	vst v63  }
0x110: {  	s7 =	simm.s32 @p6 $0x14480  }
0x111: {  	[tilespmem:s7], [sflag:$0x2] =	stream.linear.gather @p6 [hbm4b:s15+s6], $0xA00, $0x38;
	[tilespmem:$0x1E880] =	vst v63  }
0x112: {  	_ =	swait.ge [sflag:s12], $0x3E80  }
0x113: {  	[sflag:s12] =	ssyncset.done $0x0  }
0x114: {  	[sflag:s12] =	ssyncadd.s32 $0xFFFFC180  }
0x115: {  	[spmem:s2] =	stream.indirect.scatter.add.f32 [tilespmem:s30], [sflag:$0x7], $0x80, s24, s29, $0xb8;
	[tilespmem:$0x1E880] =	vst v63  }
0x116: {  	_ =	swait.ge [sflag:s25], $0x3E80  }
0x117: {  	[sflag:s25] =	ssyncset.done $0x0  }
0x118: {  	s7 =	simm.s32 $0x15180;
	[sflag:s25] =	ssyncadd.s32 $0xFFFFC180  }
0x119: {  	[tilespmem:s30], [sflag:$0x5] =	stream.indirect.gather [hbm4b:s4+s29], $0x80, s7, s29, $0xb8;
	[tilespmem:$0x1E880] =	vst v63  }
0x11a: {  	_ =	swait.ge [sflag:s5], $0x3E80  }
0x11b: {  	[sflag:s5] =	ssyncset.done $0x0  }
0x11c: {  	s7 =	simm.s32 $0x15D00;
	[sflag:s5] =	ssyncadd.s32 $0xFFFFC180  }
0x11d: {  	[spmem:s2] =	stream.indirect.scatter.add.f32 [tilespmem:s1], [sflag:$0x7], $0x80, s7, s29, $0xb8;
	[tilespmem:$0x1E880] =	vst v63  }
0x11e: {  	_ =	swait.ge [sflag:s25], $0x3E80  }
0x11f: {  	[sflag:s25] =	ssyncset.done $0x0  }
0x120: {  	s7 =	simm.s32 $0x15200;
	[sflag:s25] =	ssyncadd.s32 $0xFFFFC180  }
0x121: {  	[tilespmem:s1], [sflag:$0x6] =	stream.indirect.gather [hbm4b:s4+s29], $0x80, s7, s29, $0xb8;
	[tilespmem:$0x1E880] =	vst v63  }
0x122: {  	_ =	swait.ge [sflag:s12], $0x3E80  }
0x123: {  	[sflag:s12] =	ssyncset.done $0x0  }
0x124: {  	s7 =	simm.s32 $0x15D80;
	[sflag:s12] =	ssyncadd.s32 $0xFFFFC180  }
0x125: {  	[spmem:s2] =	stream.indirect.scatter.add.f32 [tilespmem:s30], [sflag:$0x7], $0x80, s7, s29, $0xb8;
	[tilespmem:$0x1E880] =	vst v63  }
0x126: {  	_ =	swait.ge [sflag:s25], $0x3E80  }
0x127: {  	[sflag:s25] =	ssyncset.done $0x0  }
0x128: {  	s7 =	simm.s32 $0x15280;
	[sflag:s25] =	ssyncadd.s32 $0xFFFFC180  }
0x129: {  	[tilespmem:s30], [sflag:$0x5] =	stream.indirect.gather [hbm4b:s4+s29], $0x80, s7, s29, $0xb8;
	[tilespmem:$0x1E880] =	vst v63  }
0x12a: {  	_ =	swait.ge [sflag:s5], $0x3E80  }
0x12b: {  	[sflag:s5] =	ssyncset.done $0x0  }
0x12c: {  	s7 =	simm.s32 $0x15E00;
	[sflag:s5] =	ssyncadd.s32 $0xFFFFC180  }
0x12d: {  	[spmem:s2] =	stream.indirect.scatter.add.f32 [tilespmem:s1], [sflag:$0x7], $0x80, s7, s29, $0xb8;
	[tilespmem:$0x1E880] =	vst v63  }
0x12e: {  	_ =	swait.ge [sflag:s25], $0x3E80  }
0x12f: {  	[sflag:s25] =	ssyncset.done $0x0  }
0x130: {  	s7 =	simm.s32 $0x15300;
	[sflag:s25] =	ssyncadd.s32 $0xFFFFC180  }
0x131: {  	[tilespmem:s1], [sflag:$0x6] =	stream.indirect.gather [hbm4b:s4+s29], $0x80, s7, s29, $0xb8;
	[tilespmem:$0x1E880] =	vst v63  }
0x132: {  	_ =	swait.ge [sflag:s12], $0x3E80  }
0x133: {  	[sflag:s12] =	ssyncset.done $0x0  }
0x134: {  	s7 =	simm.s32 $0x15E80;
	[sflag:s12] =	ssyncadd.s32 $0xFFFFC180  }
0x135: {  	[spmem:s2] =	stream.indirect.scatter.add.f32 [tilespmem:s30], [sflag:$0x7], $0x80, s7, s29, $0xb8;
	[tilespmem:$0x1E880] =	vst v63  }
0x136: {  	_ =	swait.ge [sflag:s25], $0x3E80  }
0x137: {  	[sflag:s25] =	ssyncset.done $0x0  }
0x138: {  	s7 =	simm.s32 $0x15380;
	[sflag:s25] =	ssyncadd.s32 $0xFFFFC180  }
0x139: {  	[tilespmem:s30], [sflag:$0x5] =	stream.indirect.gather [hbm4b:s4+s29], $0x80, s7, s29, $0xb8;
	[tilespmem:$0x1E880] =	vst v63  }
0x13a: {  	_ =	swait.ge [sflag:s5], $0x3E80  }
0x13b: {  	[sflag:s5] =	ssyncset.done $0x0  }
0x13c: {  	s7 =	simm.s32 $0x15F00;
	[sflag:s5] =	ssyncadd.s32 $0xFFFFC180  }
0x13d: {  	[spmem:s2] =	stream.indirect.scatter.add.f32 [tilespmem:s1], [sflag:$0x7], $0x80, s7, s29, $0xb8;
	[tilespmem:$0x1E880] =	vst v63  }
0x13e: {  	_ =	swait.ge [sflag:s25], $0x3E80  }
0x13f: {  	[sflag:s25] =	ssyncset.done $0x0  }
0x140: {  	s7 =	simm.s32 $0x15400;
	[sflag:s25] =	ssyncadd.s32 $0xFFFFC180  }
0x141: {  	[tilespmem:s1], [sflag:$0x6] =	stream.indirect.gather [hbm4b:s4+s29], $0x80, s7, s29, $0xb8;
	[tilespmem:$0x1E880] =	vst v63  }
0x142: {  	_ =	swait.ge [sflag:s12], $0x3E80  }
0x143: {  	[sflag:s12] =	ssyncset.done $0x0  }
0x144: {  	s7 =	simm.s32 $0x15F80;
	[sflag:s12] =	ssyncadd.s32 $0xFFFFC180  }
0x145: {  	[spmem:s2] =	stream.indirect.scatter.add.f32 [tilespmem:s30], [sflag:$0x7], $0x80, s7, s29, $0xb8;
	[tilespmem:$0x1E880] =	vst v63  }
0x146: {  	_ =	swait.ge [sflag:s25], $0x3E80  }
0x147: {  	[sflag:s25] =	ssyncset.done $0x0  }
0x148: {  	s7 =	simm.s32 $0x15480;
	[sflag:s25] =	ssyncadd.s32 $0xFFFFC180  }
0x149: {  	[tilespmem:s30], [sflag:$0x5] =	stream.indirect.gather [hbm4b:s4+s29], $0x80, s7, s29, $0xb8;
	[tilespmem:$0x1E880] =	vst v63  }
0x14a: {  	_ =	swait.ge [sflag:s5], $0x3E80  }
0x14b: {  	[sflag:s5] =	ssyncset.done $0x0  }
0x14c: {  	s7 =	simm.s32 $0x16000;
	[sflag:s5] =	ssyncadd.s32 $0xFFFFC180  }
0x14d: {  	[spmem:s2] =	stream.indirect.scatter.add.f32 [tilespmem:s1], [sflag:$0x7], $0x80, s7, s29, $0xb8;
	[tilespmem:$0x1E880] =	vst v63  }
0x14e: {  	_ =	swait.ge [sflag:s25], $0x3E80  }
0x14f: {  	[sflag:s25] =	ssyncset.done $0x0  }
0x150: {  	s7 =	simm.s32 $0x15500;
	[sflag:s25] =	ssyncadd.s32 $0xFFFFC180  }
0x151: {  	[tilespmem:s1], [sflag:$0x6] =	stream.indirect.gather [hbm4b:s4+s29], $0x80, s7, s29, $0xb8;
	[tilespmem:$0x1E880] =	vst v63  }
0x152: {  	_ =	swait.ge [sflag:s12], $0x3E80  }
0x153: {  	[sflag:s12] =	ssyncset.done $0x0  }
0x154: {  	s7 =	simm.s32 $0x16080;
	[sflag:s12] =	ssyncadd.s32 $0xFFFFC180  }
0x155: {  	[spmem:s2] =	stream.indirect.scatter.add.f32 [tilespmem:s30], [sflag:$0x7], $0x80, s7, s29, $0xb8;
	[tilespmem:$0x1E880] =	vst v63  }
0x156: {  	_ =	swait.ge [sflag:s25], $0x3E80  }
0x157: {  	[sflag:s25] =	ssyncset.done $0x0  }
0x158: {  	s7 =	simm.s32 $0x15580;
	[sflag:s25] =	ssyncadd.s32 $0xFFFFC180  }
0x159: {  	[tilespmem:s30], [sflag:$0x5] =	stream.indirect.gather [hbm4b:s4+s29], $0x80, s7, s29, $0xb8;
	[tilespmem:$0x1E880] =	vst v63  }
0x15a: {  	_ =	swait.ge [sflag:s5], $0x3E80  }
0x15b: {  	[sflag:s5] =	ssyncset.done $0x0  }
0x15c: {  	s7 =	simm.s32 $0x16100;
	[sflag:s5] =	ssyncadd.s32 $0xFFFFC180  }
0x15d: {  	[spmem:s2] =	stream.indirect.scatter.add.f32 [tilespmem:s1], [sflag:$0x7], $0x80, s7, s29, $0xb8;
	[tilespmem:$0x1E880] =	vst v63  }
0x15e: {  	_ =	swait.ge [sflag:s25], $0x3E80  }
0x15f: {  	[sflag:s25] =	ssyncset.done $0x0  }
0x160: {  	s7 =	simm.s32 $0x15600;
	[sflag:s25] =	ssyncadd.s32 $0xFFFFC180  }
0x161: {  	[tilespmem:s1], [sflag:$0x6] =	stream.indirect.gather [hbm4b:s4+s29], $0x80, s7, s29, $0xb8;
	[tilespmem:$0x1E880] =	vst v63  }
0x162: {  	_ =	swait.ge [sflag:s12], $0x3E80  }
0x163: {  	[sflag:s12] =	ssyncset.done $0x0  }
0x164: {  	s7 =	simm.s32 $0x16180;
	[sflag:s12] =	ssyncadd.s32 $0xFFFFC180  }
0x165: {  	[spmem:s2] =	stream.indirect.scatter.add.f32 [tilespmem:s30], [sflag:$0x7], $0x80, s7, s29, $0xb8;
	[tilespmem:$0x1E880] =	vst v63  }
0x166: {  	_ =	swait.ge [sflag:s25], $0x3E80  }
0x167: {  	[sflag:s25] =	ssyncset.done $0x0  }
0x168: {  	s7 =	simm.s32 $0x15680;
	[sflag:s25] =	ssyncadd.s32 $0xFFFFC180  }
0x169: {  	[tilespmem:s30], [sflag:$0x5] =	stream.indirect.gather [hbm4b:s4+s29], $0x80, s7, s29, $0xb8;
	[tilespmem:$0x1E880] =	vst v63  }
0x16a: {  	_ =	swait.ge [sflag:s5], $0x3E80  }
0x16b: {  	[sflag:s5] =	ssyncset.done $0x0  }
0x16c: {  	s7 =	simm.s32 $0x16200;
	[sflag:s5] =	ssyncadd.s32 $0xFFFFC180  }
0x16d: {  	[spmem:s2] =	stream.indirect.scatter.add.f32 [tilespmem:s1], [sflag:$0x7], $0x80, s7, s29, $0xb8;
	[tilespmem:$0x1E880] =	vst v63  }
0x16e: {  	_ =	swait.ge [sflag:s25], $0x3E80  }
0x16f: {  	[sflag:s25] =	ssyncset.done $0x0  }
0x170: {  	s7 =	simm.s32 $0x15700;
	[sflag:s25] =	ssyncadd.s32 $0xFFFFC180  }
0x171: {  	[tilespmem:s1], [sflag:$0x6] =	stream.indirect.gather [hbm4b:s4+s29], $0x80, s7, s29, $0xb8;
	[tilespmem:$0x1E880] =	vst v63  }
0x172: {  	_ =	swait.ge [sflag:s12], $0x3E80  }
0x173: {  	[sflag:s12] =	ssyncset.done $0x0  }
0x174: {  	s7 =	simm.s32 $0x16280;
	[sflag:s12] =	ssyncadd.s32 $0xFFFFC180  }
0x175: {  	[spmem:s2] =	stream.indirect.scatter.add.f32 [tilespmem:s30], [sflag:$0x7], $0x80, s7, s29, $0xb8;
	[tilespmem:$0x1E880] =	vst v63  }
0x176: {  	_ =	swait.ge [sflag:s25], $0x3E80  }
0x177: {  	[sflag:s25] =	ssyncset.done $0x0  }
0x178: {  	s7 =	simm.s32 $0x15780;
	[sflag:s25] =	ssyncadd.s32 $0xFFFFC180  }
0x179: {  	[tilespmem:s30], [sflag:$0x5] =	stream.indirect.gather [hbm4b:s4+s29], $0x80, s7, s29, $0xb8;
	[tilespmem:$0x1E880] =	vst v63  }
0x17a: {  	_ =	swait.ge [sflag:s5], $0x3E80  }
0x17b: {  	[sflag:s5] =	ssyncset.done $0x0  }
0x17c: {  	s7 =	simm.s32 $0x16300;
	[sflag:s5] =	ssyncadd.s32 $0xFFFFC180  }
0x17d: {  	[spmem:s2] =	stream.indirect.scatter.add.f32 [tilespmem:s1], [sflag:$0x7], $0x80, s7, s29, $0xb8;
	[tilespmem:$0x1E880] =	vst v63  }
0x17e: {  	_ =	swait.ge [sflag:s25], $0x3E80  }
0x17f: {  	[sflag:s25] =	ssyncset.done $0x0  }
0x180: {  	s7 =	simm.s32 $0x15800;
	[sflag:s25] =	ssyncadd.s32 $0xFFFFC180  }
0x181: {  	[tilespmem:s1], [sflag:$0x6] =	stream.indirect.gather [hbm4b:s4+s29], $0x80, s7, s29, $0xb8;
	[tilespmem:$0x1E880] =	vst v63  }
0x182: {  	_ =	swait.ge [sflag:s12], $0x3E80  }
0x183: {  	[sflag:s12] =	ssyncset.done $0x0  }
0x184: {  	s7 =	simm.s32 $0x16380;
	[sflag:s12] =	ssyncadd.s32 $0xFFFFC180  }
0x185: {  	[spmem:s2] =	stream.indirect.scatter.add.f32 [tilespmem:s30], [sflag:$0x7], $0x80, s7, s29, $0xb8;
	[tilespmem:$0x1E880] =	vst v63  }
0x186: {  	_ =	swait.ge [sflag:s25], $0x3E80  }
0x187: {  	[sflag:s25] =	ssyncset.done $0x0  }
0x188: {  	s7 =	simm.s32 $0x15880;
	[sflag:s25] =	ssyncadd.s32 $0xFFFFC180  }
0x189: {  	[tilespmem:s30], [sflag:$0x5] =	stream.indirect.gather [hbm4b:s4+s29], $0x80, s7, s29, $0xb8;
	[tilespmem:$0x1E880] =	vst v63  }
0x18a: {  	_ =	swait.ge [sflag:s5], $0x3E80  }
0x18b: {  	[sflag:s5] =	ssyncset.done $0x0  }
0x18c: {  	[sflag:s5] =	ssyncadd.s32 $0xFFFFC180  }
0x18d: {  	[spmem:s2] =	stream.indirect.scatter.add.f32 [tilespmem:s1], [sflag:$0x7], $0x80, s9, s29, $0xb8;
	[tilespmem:$0x1E880] =	vst v63  }
0x18e: {  	_ =	swait.ge [sflag:s25], $0x3E80  }
0x18f: {  	[sflag:s25] =	ssyncset.done $0x0  }
0x190: {  	[sflag:s25] =	ssyncadd.s32 $0xFFFFC180  }
0x191: {  	[tilespmem:s1], [sflag:$0x6] =	stream.indirect.gather [hbm4b:s4+s29], $0x80, s22, s29, $0xb8;
	[tilespmem:$0x1E880] =	vst v63  }
0x192: {  	_ =	swait.ge [sflag:s12], $0x3E80  }
0x193: {  	[sflag:s12] =	ssyncset.done $0x0  }
0x194: {  	[sflag:s12] =	ssyncadd.s32 $0xFFFFC180  }
0x195: {  	[spmem:s2] =	stream.indirect.scatter.add.f32 [tilespmem:s30], [sflag:$0x7], $0x80, s18, s29, $0xb8;
	[tilespmem:$0x1E880] =	vst v63  }
0x196: {  	_ =	swait.ge [sflag:s25], $0x3E80  }
0x197: {  	[sflag:s25] =	ssyncset.done $0x0  }
0x198: {  	[sflag:s25] =	ssyncadd.s32 $0xFFFFC180  }
0x199: {  	[tilespmem:s30], [sflag:$0x5] =	stream.indirect.gather [hbm4b:s4+s29], $0x80, s19, s29, $0xb8;
	[tilespmem:$0x1E880] =	vst v63  }
0x19a: {  	_ =	swait.ge [sflag:s5], $0x3E80  }
0x19b: {  	[sflag:s5] =	ssyncset.done $0x0  }
0x19c: {  	[sflag:s5] =	ssyncadd.s32 $0xFFFFC180  }
0x19d: {  	[spmem:s2] =	stream.indirect.scatter.add.f32 [tilespmem:s1], [sflag:$0x7], $0x80, s20, s29, $0xb8;
	[tilespmem:$0x1E880] =	vst v63  }
0x19e: {  	_ =	swait.ge [sflag:s25], $0x3E80  }
0x19f: {  	[sflag:s25] =	ssyncset.done $0x0  }
0x1a0: {  	[sflag:s25] =	ssyncadd.s32 $0xFFFFC180  }
0x1a1: {  	[tilespmem:s1], [sflag:$0x6] =	stream.indirect.gather [hbm4b:s4+s29], $0x80, s10, s29, $0xb8;
	[tilespmem:$0x1E880] =	vst v63  }
0x1a2: {  	_ =	swait.ge [sflag:s12], $0x3E80  }
0x1a3: {  	[sflag:s12] =	ssyncset.done $0x0  }
.Ltmp7:
0x1a4: {  	[sflag:s12] =	ssyncadd.s32 $0xFFFFC180;
	(pc) =	sbr.rel @!p6 .LBB2_10-.Ltmp7, $4  }
0x1a5: {  	[spmem:s2] =	stream.indirect.scatter.add.f32 [tilespmem:s30], [sflag:$0x7], $0x80, s11, s29, $0xb8;
	[tilespmem:$0x1E880] =	vst v63  }
0x1a6: {  	_ =	swait.ge [sflag:s25], $0x3E80  }
0x1a7: {  	[sflag:s25] =	ssyncset.done $0x0  }
0x1a8: {  	[sflag:s25] =	ssyncadd.s32 $0xFFFFC180  }
0x1a9: {  	_ =	swait.ge [sflag:s26], $0xA00  }
0x1aa: {  	[sflag:s26] =	ssyncset.done $0x0  }
0x1ab: {  	[sflag:s26] =	ssyncadd.s32 $0xFFFFF600  }
0x1ac: {  	[tilespmem:s30], [sflag:$0x5] =	stream.indirect.gather [hbm4b:s4+s29], $0x80, s21, s29, $0xb8;
	[tilespmem:$0x1E880] =	vst v63  }
0x1ad: {  	_ =	swait.ge [sflag:s5], $0x3E80  }
0x1ae: {  	[sflag:s5] =	ssyncset.done $0x0  }
0x1af: {  	[sflag:s5] =	ssyncadd.s32 $0xFFFFC180  }
0x1b0: {  	[spmem:s2] =	stream.indirect.scatter.add.f32 [tilespmem:s1], [sflag:$0x7], $0x80, s13, s29, $0xb8;
	[tilespmem:$0x1E880] =	vst v63  }
0x1b1: {  	_ =	swait.ge [sflag:s25], $0x3E80  }
0x1b2: {  	[sflag:s25] =	ssyncset.done $0x0  }
0x1b3: {  	s6 =	simm.s32 $0x13900;
	[sflag:s25] =	ssyncadd.s32 $0xFFFFC180  }
0x1b4: {  	[tilespmem:s1], [sflag:$0x6] =	stream.indirect.gather [hbm4b:s4+s29], $0x80, s6, s29, $0xb8;
	[tilespmem:$0x1E880] =	vst v63  }
0x1b5: {  	_ =	swait.ge [sflag:s28], $0xA00  }
.Ltmp8:
0x1b6: {  	[sflag:s28] =	ssyncset.done $0x0;
	(pc) =	sbr.rel .LBB2_8-.Ltmp8, $4  }
0x1b7: {  	[sflag:s28] =	ssyncadd.s32 $0xFFFFF600  }
0x1b8: {  	[tilespmem:s23], [sflag:$0x3] =	stream.linear.gather [hbm4b:s16+s3], $0xA00, $0x38;
	[tilespmem:$0x1E880] =	vst v63  }
0x1b9: {  	p6 =	por $0x0, $0x0  }
0x1ba: {  	[tilespmem:s24], [sflag:$0x4] =	stream.linear.gather [hbm4b:s17+s3], $0xA00, $0x38;
	[tilespmem:$0x1E880] =	vst v63  }
.LBB2_11:
0x1bb: {  	_ =	sfence.sel $0x180000  }
0x1bc: {  	[bflag:$0x0] =	sbarrier.arrive $0xFFFF  }
0x1bd: {  	_ =	strace $0x9000004A  }
0x1be: {  	s0 =	stileid.u32;
	[bflag:$0x2] =	sbarrier.arrive $0xFFFF  }
0x1bf: {  	p0 =	sne.s32 s0, $0x0;
	s0 =	rddreg [dreg:$0x2]  }
0x1c0: {  	s0 =	sadd.s32 @!p0 $0x100000, s0  }
0x1c1: {  	[sflag:s0] =	ssyncadd.tile.s32 @!p0 $0x1;
	_ =	shalt  }
.Lfunc_end2:
_tile_overlayer_lowered:
.L_overlay_start_2:
0x1c2: {  	(tag) =	ssettag $0x2  }
0x1c3: {  	s0 =	rddreg [dreg:$0x0];
	s2 =	stileid.u32  }
0x1c4: {  	s1 =	rddreg [dreg:$0x1];
	p0 =	sne.s32 s2, $0x0  }
0x1c5: {  	s3 =	rddreg [dreg:$0x2];
	[bflag:$0x3] =	sbarrier.arrive $0xFFFF;
	s2 =	simm.s32 @!p0 $0x1C07  }
0x1c6: {  	[timem:s3], [sflag:s2] =	dma.local @!p0 [hbm:s0], s1  }
0x1c7: {  	s0 =	simm.s32 @!p0 $0x7  }
0x1c8: {  	_ =	swait.ge @!p0 [sflag:s0], s1  }
0x1c9: {  	s1 =	ssub.s32 @!p0 $0x0, s1;
	[sflag:s0] =	ssyncset.done @!p0 $0x0  }
0x1ca: {  	[sflag:s0] =	ssyncadd.s32 @!p0 s1  }
0x1cb: {  	[bflag:$0x3] =	sbarrier.arrive $0xFFFF  }
0x1cc: {  	_ =	shalt  }

// kernel: kernel.7.cloned.1.call-start
scs
__scs_entry_jumppad:
0x0: {  	(pc) =	sbr.rel $0x88, $3  }
0x1: {  	(tag) =	ssettag $0x0;
	lr =	simm.s32 $0x1  }
0x2: {  	[smem:$0x3F88] =	sst lr;
	_ =	strace $0xD0000000  }
0x3: {  	_ = 	snop  }
0x4: {  	_ = 	snop  }
0x5: {  	_ = 	snop  }
0x6: {  	_ = 	snop  }
0x7: {  	_ = 	snop  }
__scs_overlays_trampoline_lowered:
0x8: {  	[smem:$0x3F97] =	sst s0  }
0x9: {  	[smem:$0x3F98] =	sst s1  }
0xa: {  	[smem:$0x3F99] =	sst s2  }
0xb: {  	[smem:$0x3F9A] =	sst s3  }
0xc: {  	[smem:$0x3F9B] =	sst s4  }
0xd: {  	[smem:$0x3F9C] =	sst s5  }
0xe: {  	[smem:$0x3F9D] =	sst s6  }
0xf: {  	[smem:$0x3F9E] =	sst s7  }
0x10: {  	[smem:$0x3F9F] =	sst s8  }
0x11: {  	[smem:$0x3FA0] =	sst s9;
	s0 =	simm.s32 @!p0 $0x0  }
0x12: {  	s1 =	sld [smem:$0x3F86];
	s0 =	simm.s32 @p0 $0x1  }
0x13: {  	[smem:$0x3FA1] =	sst s0;
	s0 =	simm.s32 @!p1 $0x0  }
0x14: {  	s2 =	sld [smem:$0x3F85];
	s0 =	simm.s32 @p1 $0x1  }
0x15: {  	[smem:$0x3FA2] =	sst s0;
	s0 =	simm.s32 @!p2 $0x0  }
0x16: {  	s3 =	sld [smem:$0x3FDB];
	s0 =	simm.s32 @p2 $0x1  }
0x17: {  	s4 =	simm.s32 $0x1BF5;
	[smem:$0x3FA4] =	sst s0  }
0x18: {  	s0 =	sld [smem:$0x3F87];
	_ =	swait.ge [sflag:s4], $0x0  }
0x19: {  	s7 =	sld [smem:$0x3F88]  }
0x1a: {  	s8 =	sadd.s32 $0xFFFFE003, lr  }
0x1b: {  	s9 =	sadd.s32 $0xFFFFFEF7, lr;
	s5 =	simm.s32 $0xFFFFFFFF;
	p2 =	slt.u32 s8, $0xFFFFF086  }
0x1c: {  	p1 =	slt.u32 s9, $0xF7A;
	s5 =	simm.s32 @!p2 $0x0  }
0x1d: {  	s5 =	simm.s32 @p1 $0x1;
	p0 =	seq.s32 s7, s2  }
0x1e: {  	s7 =	smul.u32 @!p0 $0xF7A, s2;
	p2 =	seq.s32 @!p0 s5, $0x0  }
0x1f: {  	s9 =	smul.u32 $0xF7A, s1;
	s8 =	simm.s32 @!p0 $0x1BF5;
	p2 =	por !p2, p0  }
0x20: {  	[sflag:s8] =	ssyncset.s32 @!p0 $0xFFFFF086;
	s6 =	sadd.s32 @!p0 s3, s7;
	s7 =	simm.s32 @!p0 $0x108  }
0x21: {  	s3 =	sadd.s32 s3, s9;
	s6 =	sadd.s32 @!p0 $0x88, s6;
	s7 =	simm.s32 @p2 $0x1082  }
0x22: {  	[simem:s7], [sflag:s8] =	dma.local @!p0 [hbm:s6], $0xF7A  }
0x23: {  	s9 =	sor.u32 $0xD0000000, s2;
	s6 =	simm.s32 $0x108;
	_ =	swait.ge @!p0 [sflag:s8], $0x0  }
0x24: {  	s3 =	sadd.s32 $0x88, s3;
	s6 =	simm.s32 @!p1 $0x1082;
	[sflag:s4] =	ssyncset.s32 $0xFFFFF086  }
0x25: {  	[simem:s6], [sflag:s4] =	dma.local [hbm:s3], $0xF7A  }
0x26: {  	[smem:$0x3F88] =	sst s1;
	(tag) =	ssettag s2;
	_ =	strace s9  }
0x27: {  	s1 =	sld [smem:$0x3F98]  }
0x28: {  	s2 =	sld [smem:$0x3F99]  }
0x29: {  	s4 =	sld [smem:$0x3F9B]  }
0x2a: {  	p0 =	seq.s32 s5, $0x0;
	s5 =	sld [smem:$0x3F9C]  }
0x2b: {  	s6 =	sld [smem:$0x3F9D]  }
0x2c: {  	s7 =	sld [smem:$0x3F9E]  }
0x2d: {  	s3 =	simm.s32 $0x108;
	s8 =	sld [smem:$0x3F9F]  }
0x2e: {  	s3 =	simm.s32 @!p0 $0x1082;
	s9 =	sld [smem:$0x3FA0]  }
0x2f: {  	lr =	sadd.s32 s0, s3;
	s0 =	sld [smem:$0x3F97]  }
0x30: {  	s3 =	sld [smem:$0x3F9A]  }
0x31: {  	[smem:$0x3FA3] =	sst s10  }
0x32: {  	s10 =	sld [smem:$0x3FA1];
	_ =	sdelay $0x3  }
0x33: {  	p0 =	seq.s32 s10, $0x1;
	s10 =	sld [smem:$0x3FA3];
	_ =	sdelay $0x3  }
0x34: {  	[smem:$0x3FA3] =	sst s10  }
0x35: {  	s10 =	sld [smem:$0x3FA2];
	_ =	sdelay $0x3  }
0x36: {  	p1 =	seq.s32 s10, $0x1;
	s10 =	sld [smem:$0x3FA3];
	_ =	sdelay $0x3  }
0x37: {  	[smem:$0x3FA3] =	sst s10  }
0x38: {  	s10 =	sld [smem:$0x3FA4]  }
0x39: {  	_ = 	snop;
	(pc) =	sbr.ind lr, $3  }
0x3a: {  	_ = 	snop  }
0x3b: {  	_ = 	snop  }
0x3c: {  	p2 =	seq.s32 s10, $0x1;
	s10 =	sld [smem:$0x3FA3]  }
0x3d: {  	_ =	shalt  }
0x3e: {  	_ =	shalt  }
0x3f: {  	_ =	shalt  }
0x40: {  	_ =	shalt  }
0x41: {  	_ =	shalt  }
0x42: {  	_ =	shalt  }
0x43: {  	_ =	shalt  }
0x44: {  	_ =	shalt  }
0x45: {  	_ =	shalt  }
0x46: {  	_ =	shalt  }
0x47: {  	_ =	shalt  }
0x48: {  	_ =	shalt  }
0x49: {  	_ =	shalt  }
0x4a: {  	_ =	shalt  }
0x4b: {  	_ =	shalt  }
0x4c: {  	_ =	shalt  }
0x4d: {  	_ =	shalt  }
0x4e: {  	_ =	shalt  }
0x4f: {  	_ =	shalt  }
0x50: {  	_ =	shalt  }
0x51: {  	_ =	shalt  }
0x52: {  	_ =	shalt  }
0x53: {  	_ =	shalt  }
0x54: {  	_ =	shalt  }
0x55: {  	_ =	shalt  }
0x56: {  	_ =	shalt  }
0x57: {  	_ =	shalt  }
0x58: {  	_ =	shalt  }
0x59: {  	_ =	shalt  }
0x5a: {  	_ =	shalt  }
0x5b: {  	_ =	shalt  }
0x5c: {  	_ =	shalt  }
0x5d: {  	_ =	shalt  }
0x5e: {  	_ =	shalt  }
0x5f: {  	_ =	shalt  }
0x60: {  	_ =	shalt  }
0x61: {  	_ =	shalt  }
0x62: {  	_ =	shalt  }
0x63: {  	_ =	shalt  }
0x64: {  	_ =	shalt  }
0x65: {  	_ =	shalt  }
0x66: {  	_ =	shalt  }
0x67: {  	_ =	shalt  }
0x68: {  	_ =	shalt  }
0x69: {  	_ =	shalt  }
0x6a: {  	_ =	shalt  }
0x6b: {  	_ =	shalt  }
0x6c: {  	_ =	shalt  }
0x6d: {  	_ =	shalt  }
0x6e: {  	_ =	shalt  }
0x6f: {  	_ =	shalt  }
0x70: {  	_ =	shalt  }
0x71: {  	_ =	shalt  }
0x72: {  	_ =	shalt  }
0x73: {  	_ =	shalt  }
0x74: {  	_ =	shalt  }
0x75: {  	_ =	shalt  }
0x76: {  	_ =	shalt  }
0x77: {  	_ =	shalt  }
0x78: {  	_ =	shalt  }
0x79: {  	_ =	shalt  }
0x7a: {  	_ =	shalt  }
0x7b: {  	_ =	shalt  }
0x7c: {  	_ =	shalt  }
0x7d: {  	_ =	shalt  }
0x7e: {  	_ =	shalt  }
0x7f: {  	_ =	shalt  }
0x80: {  	_ =	shalt  }
0x81: {  	_ =	shalt  }
0x82: {  	_ =	shalt  }
0x83: {  	_ =	shalt  }
0x84: {  	_ =	shalt  }
0x85: {  	_ =	shalt  }
0x86: {  	_ =	shalt  }
0x87: {  	_ =	shalt  }
.Lfunc_end0:
.L_simem_size_0:
called_computation_lowered:
.L_overlay_start_0:
0x88: {  	s2 =	sld [smem:$0x3FD9]  }
0x89: {  	s3 =	sld [smem:$0x3FFE];
	_ =	sdelay $0x1  }
0x8a: {  	s1 =	srdreg.scid  }
0x8b: {  	s0 =	sand.u32 $0x1, s1  }
0x8c: {  	s16 =	sshll.u32 s0, $0xA;
	s2 =	sadd.s32 s3, s2  }
0x8d: {  	s2 =	sadd.s32 s2, s16  }
0x8e: {  	[smem:$0x3FAF] =	sst s2  }
0x8f: {  	_ = 	snop  }
0x90: {  	(tm) =	ssettm $0x1  }
0x91: {  	s17 =	sld [smem:$0x3FFB];
	_ =	sdelay $0x3  }
0x92: {  	_ =	strace s17  }
0x93: {  	s2 =	sld [smem:$0x3FFC];
	_ =	sdelay $0x3  }
0x94: {  	_ =	strace s2  }
0x95: {  	s2 =	sld [smem:$0x3FFD];
	_ =	sdelay $0x3  }
0x96: {  	_ =	strace s2  }
0x97: {  	_ =	strace $0x8FFFFFFF  }
0x98: {  	s18 =	sld [smem:$0x3FDB];
	_ =	sdelay $0x1  }
0x99: {  	s19 =	simm.s32 $_scs_section_size  }
0x9a: {  	s4 =	simm.s32 $_size__tile_overlayer_lowered;
	s5 =	simm.s32 $_tile_overlayer_lowered  }
0x9b: {  	s22 =	simm.s32 $0x1BFF;
	s21 =	sshll.u32 s5, $0x1;
	s2 =	sadd.s32 s19, s18  }
0x9c: {  	s6 =	simm.s32 $0x0;
	s20 =	sshll.u32 s4, $0x1;
	s4 =	sadd.s32 s21, s2  }
0x9d: {  	[timem:s6], [sflag:s22] =	dma.local [hbm:s4], s20  }
0x9e: {  	_ =	swait.ge [sflag:s22], s20  }
0x9f: {  	s3 =	ssub.s32 $0x0, s20;
	[sflag:s22] =	ssyncset.done $0x0  }
0xa0: {  	[sflag:s22] =	ssyncadd.s32 s3;
	_ =	sdelay $0x1  }
0xa1: {  	s23 =	simm.s32 $0x1B8B  }
0xa2: {  	_ =	swait.ge [sflag:s23], $0x1  }
0xa3: {  	[sflag:s23] =	ssyncset.done $0x0  }
0xa4: {  	s25 =	simm.s32 $0x1B8E;
	s24 =	sld [smem:$0x3FFE];
	[sflag:s23] =	ssyncadd.s32 $0xFFFFFFFF  }
0xa5: {  	s26 =	simm.s32 $execute0_lowered;
	[smem:$0x3FD2] =	sst s25  }
0xa6: {  	s4 =	sshll.u32 s26, $0x1;
	_ =	strace $0x80000046;
	[dreg:$0x1] =	wrdreg $0xFFFFFFFF  }
0xa7: {  	s28 =	simm.s32 $_size_execute0_lowered;
	s2 =	sadd.s32 s2, s4;
	[dreg:$0x0] =	wrdreg $0x0  }
0xa8: {  	s4 =	sshll.u32 s28, $0x1;
	[dreg:$0x2] =	wrdreg s2  }
0xa9: {  	[dreg:$0x3] =	wrdreg s4  }
0xaa: {  	[dreg:$0x4] =	wrdreg $0xC0  }
0xab: {  	_ =	task [dreg:s6], $0x5FFFF  }
0xac: {  	[dreg:$0x1] =	wrdreg $0xFFFFFFFF  }
0xad: {  	[dreg:$0x0] =	wrdreg $0x60  }
0xae: {  	[dreg:$0x2] =	wrdreg s24  }
0xaf: {  	[dreg:$0x3] =	wrdreg $0x0  }
0xb0: {  	[dreg:$0x4] =	wrdreg $0x9  }
0xb1: {  	_ =	task.clear_ibuf [dreg:s6], $0x5FFFF;
	_ =	strace $0x90000046  }
0xb2: {  	s29 =	simm.s32 $0x9;
	_ =	strace $0x80000048  }
0xb3: {  	_ =	swait.ge [sflag:s29], $0x1  }
0xb4: {  	[sflag:s29] =	ssyncadd.s32 $0xFFFFFFFF  }
0xb5: {  	_ =	strace $0x90000048  }
0xb6: {  	_ =	sfence  }
0xb7: {  	s30 =	sld [smem:$0x0];
	_ =	sdelay $0x2  }
0xb8: {  	s31 =	sshll.u32 s1, $0xD;
	s1 =	sshrl.u32 s1, $0x2  }
0xb9: {  	s3 =	sand.u32 $0x4000, s31;
	s1 =	sadd.s32 s1, s30  }
0xba: {  	s0 =	sor.u32 s3, s0;
	s1 =	sshll.u32 s1, $0x11  }
0xbb: {  	s0 =	sor.u32 s1, s0  }
0xbc: {  	s0 =	sadd.s32 $0x8F2B, s0  }
0xbd: {  	[sflag:s0] =	ssyncadd.remote.s32 $0x1  }
0xbe: {  	_ =	sfence.sel $0xFFFF  }
0xbf: {  	[dreg:$0x0] =	wrdreg $0xFFFFFFFF;
	(pc) =	sbr.abs _section_cstart, $3  }
0xc0: {  	[dreg:$0x1] =	wrdreg $0xFFFFFFFF  }
0xc1: {  	_ =	task.clear_ibuf [dreg:s6], $0x2FFFF;
	_ =	strace $0x9FFFFFFF  }
0xc2: {  	(tm) =	ssettm $0x7FFFFFFF  }
0xc3: {  	_ =	shalt  }
tec
execute0_lowered:
.L_overlay_start_1:
0x0: {  	(tag) =	ssettag $0x1  }
0x1: {  	s0 =	srdreg.scid;
	s1 =	rddreg [dreg:$0x0]  }
0x2: {  	s9 =	stileid.u32;
	s2 =	rddreg [dreg:$0x1];
	s28 =	simm.s32 $0x2  }
0x3: {  	s29 =	simm.s32 $0x7D;
	s30 =	simm.s32 $0x16880;
	s12 =	simm.s32 $0x5  }
0x4: {  	s31 =	simm.s32 $0x4;
	s11 =	simm.s32 $0x16580;
	s13 =	simm.s32 $0x16600  }
0x5: {  	s0 =	sand.u32 $0x1, s0;
	s3 =	sshll.u32 s9, $0x1;
	s22 =	smul.u32 $0x4E000, s9  }
0x6: {  	s10 =	sadd.s32 $0x43200, s1;
	p4 =	sne.s32 s9, $0xF;
	s23 =	smul.u32 $0x2700, s9  }
0x7: {  	p0 =	seq.s32 s9, $0xF;
	s8 =	sadd.s32 $0x124800, s2;
	s24 =	smul.u32 $0x13800, s9  }
0x8: {  	s4 =	sor.u32 s0, s3;
	s3 =	simm.s32 $0x0;
	s6 =	ssub.s32 $0x2, s0  }
0x9: {  	p2 =	seq.s32 s0, $0x0;
	p3 =	seq.s32 s0, $0x1;
	s0 =	smul.u32 $0x138800, s0  }
0xa: {  	s9 =	simm.s32 $0x16400;
	s4 =	smul.u32 $0x3000, s4;
	[smem:$0x7FF] =	sst s3  }
0xb: {  	s7 =	sshrl.u32 s6, $0x1;
	p1 =	por !p2, !p4;
	p2 =	por !p2, !p0  }
0xc: {  	p4 =	por !p4, !p3;
	_ =	strace $0x80000047;
	s6 =	ssub.s32 s6, s7  }
0xd: {  	p1 =	por !p1, !p1;
	p2 =	por !p2, !p2;
	[dreg:$0x8] =	wrdreg s8  }
0xe: {  	s7 =	sshrl.u32 s22, $0x2;
	p4 =	por !p4, !p4;
	[dreg:$0x3] =	wrdreg s10  }
0xf: {  	s8 =	sadd.s32 s10, s23;
	s22 =	simm.s32 $0x15900;
	s10 =	simm.s32 $0x15A00  }
0x10: {  	s5 =	sshrl.u32 s4, $0x3;
	s4 =	sadd.s32 $0x1C000, s1;
	s7 =	sadd.s32 s7, s2  }
0x11: {  	[dreg:$0xb] =	wrdreg s8;
	s8 =	simm.s32 $0x0;
	s5 =	sadd.s32 s5, s1  }
0x12: {  	s1 =	sadd.s32 $0x6A400, s1;
	[dreg:$0x9] =	wrdreg s7;
	s25 =	sadd.s32 s4, s23  }
0x13: {  	s7 =	sadd.s32 s24, s0;
	s0 =	sshrl.u32 s0, $0x3;
	s23 =	simm.s32 $0x15080  }
0x14: {  	s24 =	simm.s32 $0x15C80;
	[dreg:$0xf] =	wrdreg s8;
	s18 =	sadd.s32 $0x4000, s5  }
0x15: {  	s19 =	sadd.s32 $0x10000, s5;
	s20 =	sadd.s32 $0x4180, s5;
	s21 =	sadd.s32 $0x10180, s5  }
0x16: {  	[dreg:$0xa] =	wrdreg s25;
	s14 =	sadd.s32 $0x4300, s5;
	s15 =	sadd.s32 $0x10300, s5  }
0x17: {  	s16 =	sadd.s32 $0x4480, s5;
	s7 =	sshrl.u32 s7, $0x3;
	[dreg:$0x4] =	wrdreg s18  }
0x18: {  	s17 =	sadd.s32 $0x10480, s5;
	s0 =	sadd.s32 s1, s0;
	[dreg:$0x5] =	wrdreg s19  }
0x19: {  	s25 =	simm.s32 $0x7;
	s5 =	simm.s32 $0x6;
	[dreg:$0x6] =	wrdreg s20  }
.Ltmp0:
0x1a: {  	[dreg:$0x7] =	wrdreg s21;
	s26 =	sadd.s32 s1, s7;
	(pc) =	sbr.rel .LBB2_1-.Ltmp0, $4  }
0x1b: {  	s0 =	sadd.s32 $0x24900, s0;
	s7 =	smax.u32 s6, $0x1;
	s21 =	simm.s32 $0x13880  }
0x1c: {  	s1 =	simm.s32 $0x1A880;
	s18 =	simm.s32 $0x16480;
	[dreg:$0xc] =	wrdreg s26  }
0x1d: {  	s19 =	simm.s32 $0x15980;
	s20 =	simm.s32 $0x16500;
	[dreg:$0xd] =	wrdreg s0  }
0x1e: {  	[dreg:$0xe] =	wrdreg s7;
	s26 =	simm.s32 $0x1;
	s0 =	simm.s32 $0x3  }
.LBB2_10:
0x1f: {  	_ =	swait.ge [sflag:s5], $0x3E80  }
0x20: {  	[sflag:s5] =	ssyncset.done $0x0  }
0x21: {  	[sflag:s5] =	ssyncadd.s32 $0xFFFFC180  }
0x22: {  	[spmem:s2] =	stream.indirect.scatter.add.f32 [tilespmem:s1], [sflag:$0x7], $0x80, s13, s29, $0xb8;
	[tilespmem:$0x1E880] =	vst v63  }
0x23: {  	_ =	swait.ge [sflag:s25], $0x3E80  }
0x24: {  	[sflag:s25] =	ssyncset.done $0x0  }
0x25: {  	[sflag:s25] =	ssyncadd.s32 $0xFFFFC180  }
0x26: {  	s21 =	stileid.u32;
	[bflag:$0x0] =	sbarrier.arrive $0xFFFF  }
0x27: {  	s6 =	sshll.u32 @!p0 s21, $0x6;
	s7 =	rddreg [dreg:$0x9]  }
0x28: {  	s6 =	sor.u32 @!p0 $0x1C07, s6;
	s8 =	rddreg [dreg:$0xc];
	s7 =	sshrl.u32 @!p0 s7, $0x3  }
0x29: {  	[hbm:s8], [sflag:s6] =	dma.local @!p0 [spmem:s7], $0x2700  }
0x2a: {  	s6 =	simm.s32 @!p0 $0x7  }
0x2b: {  	_ =	swait.ge @!p0 [sflag:s6], $0x2700  }
0x2c: {  	s7 =	sshll.u32 @p5 s21, $0x6;
	[sflag:s6] =	ssyncset.done @!p0 $0x0  }
0x2d: {  	[sflag:s6] =	ssyncadd.s32 @!p0 $0xFFFFD900;
	s6 =	sor.u32 @p5 $0x1C07, s7;
	s7 =	rddreg [dreg:$0x8]  }
0x2e: {  	s21 =	rddreg [dreg:$0xd];
	s7 =	sshrl.u32 @p5 s7, $0x3  }
0x2f: {  	[hbm:s21], [sflag:s6] =	dma.local @p5 [spmem:s7], $0x2800  }
0x30: {  	s6 =	simm.s32 @p5 $0x7  }
0x31: {  	_ =	swait.ge @p5 [sflag:s6], $0x2800  }
0x32: {  	s7 =	rddreg [dreg:$0xf]  }
0x33: {  	s8 =	sadd.s32 $0x1, s7;
	s7 =	rddreg [dreg:$0xe]  }
0x34: {  	p6 =	sne.s32 s8, s7  }
.Ltmp1:
0x35: {  	_ = 	snop;
	(pc) =	sbr.rel @!p6 .LBB2_11-.Ltmp1, $3  }
0x36: {  	_ =	sdelay $0x1  }
0x37: {  	[sflag:s6] =	ssyncset.done @p5 $0x0  }
0x38: {  	s21 =	simm.s32 $0x13880;
	[sflag:s6] =	ssyncadd.s32 @p5 $0xFFFFD800;
	[dreg:$0xf] =	wrdreg s8  }
.LBB2_1:
0x39: {  	s6 =	rddreg [dreg:$0x4]  }
0x3a: {  	[tilespmem:s21], [sflag:$0x1] =	stream.linear.gather [hbm4b:s6+s3], $0xA00, $0x38;
	[tilespmem:$0x1E880] =	vst v63  }
0x3b: {  	s8 =	rddreg [dreg:$0x5];
	s7 =	simm.s32 $0x14480  }
0x3c: {  	[tilespmem:s7], [sflag:$0x2] =	stream.linear.gather [hbm4b:s8+s3], $0xA00, $0x38;
	[tilespmem:$0x1E880] =	vst v63  }
.Ltmp2:
0x3d: {  	_ = 	snop;
	(pc) =	sbr.rel @!p1 .LBB2_4-.Ltmp2, $4  }
0x3e: {  	s7 =	rddreg [dreg:$0x6]  }
0x3f: {  	[tilespmem:s23], [sflag:$0x3] =	stream.linear.gather [hbm4b:s7+s3], $0xA00, $0x38;
	[tilespmem:$0x1E880] =	vst v63  }
0x40: {  	s8 =	rddreg [dreg:$0x7]  }
0x41: {  	[tilespmem:s24], [sflag:$0x4] =	stream.linear.gather [hbm4b:s8+s3], $0xA00, $0x38;
	[tilespmem:$0x1E880] =	vst v63  }
0x42: {  	s6 =	stileid.u32;
	s7 =	rddreg [dreg:$0x9]  }
0x43: {  	s8 =	rddreg [dreg:$0xa];
	s6 =	sshll.u32 s6, $0x6  }
.Ltmp3:
0x44: {  	s7 =	sshrl.u32 s7, $0x3;
	s6 =	sor.u32 $0x1C07, s6;
	(pc) =	sbr.rel .LBB2_3-.Ltmp3, $4  }
0x45: {  	[spmem:s7], [sflag:s6] =	dma.local [hbm:s8], $0x2700  }
0x46: {  	_ =	swait.ge [sflag:s25], $0x2700  }
0x47: {  	[sflag:s25] =	ssyncset.done $0x0  }
0x48: {  	p5 =	por $0x0, $0x0;
	[sflag:s25] =	ssyncadd.s32 $0xFFFFD900  }
.LBB2_4:
.Ltmp4:
0x49: {  	(pc) =	sbr.rel @!p2 .LBB2_3-.Ltmp4, $2  }
0x4a: {  	_ =	sdelay $0x2  }
0x4b: {  	p5 =	por p0, p0  }
.Ltmp5:
0x4c: {  	(pc) =	sbr.rel .LBB2_6-.Ltmp5, $2  }
0x4d: {  	_ =	sdelay $0x2  }
0x4e: {  	p5 =	por $0x1, $0x1;
	s7 =	simm.s32 $0xF;
	s6 =	smov.u32 s4  }
.LBB2_3:
0x4f: {  	s6 =	stileid.u32;
	s7 =	rddreg [dreg:$0x9];
	p6 =	por @p4 $0x1, $0x1  }
0x50: {  	s8 =	rddreg [dreg:$0xb];
	s6 =	sshll.u32 @p4 s6, $0x6;
	p6 =	por @!p4 p3, p3  }
0x51: {  	s7 =	sshrl.u32 @p4 s7, $0x3;
	s6 =	sor.u32 @p4 $0x1C07, s6;
	p6 =	por !p6, !p5  }
0x52: {  	[spmem:s7], [sflag:s6] =	dma.local @p4 [hbm:s8], $0x2700  }
0x53: {  	p6 =	por !p6, !p6  }
.Ltmp6:
0x54: {  	_ = 	snop;
	(pc) =	sbr.rel @!p6 .LBB2_7-.Ltmp6, $4  }
0x55: {  	s6 =	simm.s32 @p4 $0x7  }
0x56: {  	_ =	swait.ge @p4 [sflag:s6], $0x2700  }
0x57: {  	[sflag:s6] =	ssyncset.done @p4 $0x0  }
0x58: {  	s7 =	stileid.u32;
	[sflag:s6] =	ssyncadd.s32 @p4 $0xFFFFD900;
	s6 =	rddreg [dreg:$0x3]  }
.LBB2_6:
0x59: {  	s7 =	sshll.u32 s7, $0x6;
	s8 =	rddreg [dreg:$0x8]  }
0x5a: {  	s6 =	sadd.s32 $0x24900, s6;
	s7 =	sor.u32 $0x1C07, s7;
	s8 =	sshrl.u32 s8, $0x3  }
0x5b: {  	[spmem:s8], [sflag:s7] =	dma.local [hbm:s6], $0x2800  }
0x5c: {  	_ =	swait.ge [sflag:s25], $0x2800  }
0x5d: {  	[sflag:s25] =	ssyncset.done $0x0  }
0x5e: {  	[sflag:s25] =	ssyncadd.s32 $0xFFFFD800  }
.LBB2_7:
0x5f: {  	[bflag:$0x0] =	sbarrier.arrive $0xFFFF  }
0x60: {  	_ =	swait.ge [sflag:s26], $0xA00  }
0x61: {  	[sflag:s26] =	ssyncset.done $0x0  }
0x62: {  	[sflag:s26] =	ssyncadd.s32 $0xFFFFF600  }
0x63: {  	_ =	swait.ge [sflag:s28], $0xA00  }
0x64: {  	[sflag:s28] =	ssyncset.done $0x0  }
0x65: {  	[sflag:s28] =	ssyncadd.s32 $0xFFFFF600  }
0x66: {  	[tilespmem:s30], [sflag:$0x5] =	stream.indirect.gather [hbm4b:s4+s29], $0x80, s21, s29, $0xb8;
	[tilespmem:$0x1E880] =	vst v63  }
0x67: {  	s6 =	simm.s32 $0x13900;
	p6 =	por $0x1, $0x1;
	s8 =	simm.s32 $0x14480  }
0x68: {  	[tilespmem:s1], [sflag:$0x6] =	stream.indirect.gather [hbm4b:s4+s29], $0x80, s6, s29, $0xb8;
	[tilespmem:$0x1E880] =	vst v63  }
.LBB2_8:
0x69: {  	_ =	swait.ge [sflag:s12], $0x3E80  }
0x6a: {  	[sflag:s12] =	ssyncset.done $0x0  }
0x6b: {  	[sflag:s12] =	ssyncadd.s32 $0xFFFFC180  }
0x6c: {  	[spmem:s2] =	stream.indirect.scatter.add.f32 [tilespmem:s30], [sflag:$0x7], $0x80, s8, s29, $0xb8;
	[tilespmem:$0x1E880] =	vst v63  }
0x6d: {  	_ =	swait.ge [sflag:s25], $0x3E80  }
0x6e: {  	[sflag:s25] =	ssyncset.done $0x0  }
0x6f: {  	s6 =	simm.s32 $0x13980;
	[sflag:s25] =	ssyncadd.s32 $0xFFFFC180  }
0x70: {  	[tilespmem:s30], [sflag:$0x5] =	stream.indirect.gather [hbm4b:s4+s29], $0x80, s6, s29, $0xb8;
	[tilespmem:$0x1E880] =	vst v63  }
0x71: {  	_ =	swait.ge [sflag:s5], $0x3E80  }
0x72: {  	[sflag:s5] =	ssyncset.done $0x0  }
0x73: {  	s7 =	simm.s32 $0x14500;
	[sflag:s5] =	ssyncadd.s32 $0xFFFFC180  }
0x74: {  	[spmem:s2] =	stream.indirect.scatter.add.f32 [tilespmem:s1], [sflag:$0x7], $0x80, s7, s29, $0xb8;
	[tilespmem:$0x1E880] =	vst v63  }
0x75: {  	_ =	swait.ge [sflag:s25], $0x3E80  }
0x76: {  	[sflag:s25] =	ssyncset.done $0x0  }
0x77: {  	s7 =	simm.s32 $0x13A00;
	[sflag:s25] =	ssyncadd.s32 $0xFFFFC180  }
0x78: {  	[tilespmem:s1], [sflag:$0x6] =	stream.indirect.gather [hbm4b:s4+s29], $0x80, s7, s29, $0xb8;
	[tilespmem:$0x1E880] =	vst v63  }
0x79: {  	_ =	swait.ge [sflag:s12], $0x3E80  }
0x7a: {  	[sflag:s12] =	ssyncset.done $0x0  }
0x7b: {  	s7 =	simm.s32 $0x14580;
	[sflag:s12] =	ssyncadd.s32 $0xFFFFC180  }
0x7c: {  	[spmem:s2] =	stream.indirect.scatter.add.f32 [tilespmem:s30], [sflag:$0x7], $0x80, s7, s29, $0xb8;
	[tilespmem:$0x1E880] =	vst v63  }
0x7d: {  	_ =	swait.ge [sflag:s25], $0x3E80  }
0x7e: {  	[sflag:s25] =	ssyncset.done $0x0  }
0x7f: {  	s7 =	simm.s32 $0x13A80;
	[sflag:s25] =	ssyncadd.s32 $0xFFFFC180  }
0x80: {  	[tilespmem:s30], [sflag:$0x5] =	stream.indirect.gather [hbm4b:s4+s29], $0x80, s7, s29, $0xb8;
	[tilespmem:$0x1E880] =	vst v63  }
0x81: {  	_ =	swait.ge [sflag:s5], $0x3E80  }
0x82: {  	[sflag:s5] =	ssyncset.done $0x0  }
0x83: {  	s7 =	simm.s32 $0x14600;
	[sflag:s5] =	ssyncadd.s32 $0xFFFFC180  }
0x84: {  	[spmem:s2] =	stream.indirect.scatter.add.f32 [tilespmem:s1], [sflag:$0x7], $0x80, s7, s29, $0xb8;
	[tilespmem:$0x1E880] =	vst v63  }
0x85: {  	_ =	swait.ge [sflag:s25], $0x3E80  }
0x86: {  	[sflag:s25] =	ssyncset.done $0x0  }
0x87: {  	s7 =	simm.s32 $0x13B00;
	[sflag:s25] =	ssyncadd.s32 $0xFFFFC180  }
0x88: {  	[tilespmem:s1], [sflag:$0x6] =	stream.indirect.gather [hbm4b:s4+s29], $0x80, s7, s29, $0xb8;
	[tilespmem:$0x1E880] =	vst v63  }
0x89: {  	_ =	swait.ge [sflag:s12], $0x3E80  }
0x8a: {  	[sflag:s12] =	ssyncset.done $0x0  }
0x8b: {  	s7 =	simm.s32 $0x14680;
	[sflag:s12] =	ssyncadd.s32 $0xFFFFC180  }
0x8c: {  	[spmem:s2] =	stream.indirect.scatter.add.f32 [tilespmem:s30], [sflag:$0x7], $0x80, s7, s29, $0xb8;
	[tilespmem:$0x1E880] =	vst v63  }
0x8d: {  	_ =	swait.ge [sflag:s25], $0x3E80  }
0x8e: {  	[sflag:s25] =	ssyncset.done $0x0  }
0x8f: {  	s7 =	simm.s32 $0x13B80;
	[sflag:s25] =	ssyncadd.s32 $0xFFFFC180  }
0x90: {  	[tilespmem:s30], [sflag:$0x5] =	stream.indirect.gather [hbm4b:s4+s29], $0x80, s7, s29, $0xb8;
	[tilespmem:$0x1E880] =	vst v63  }
0x91: {  	_ =	swait.ge [sflag:s5], $0x3E80  }
0x92: {  	[sflag:s5] =	ssyncset.done $0x0  }
0x93: {  	s7 =	simm.s32 $0x14700;
	[sflag:s5] =	ssyncadd.s32 $0xFFFFC180  }
0x94: {  	[spmem:s2] =	stream.indirect.scatter.add.f32 [tilespmem:s1], [sflag:$0x7], $0x80, s7, s29, $0xb8;
	[tilespmem:$0x1E880] =	vst v63  }
0x95: {  	_ =	swait.ge [sflag:s25], $0x3E80  }
0x96: {  	[sflag:s25] =	ssyncset.done $0x0  }
0x97: {  	s7 =	simm.s32 $0x13C00;
	[sflag:s25] =	ssyncadd.s32 $0xFFFFC180  }
0x98: {  	[tilespmem:s1], [sflag:$0x6] =	stream.indirect.gather [hbm4b:s4+s29], $0x80, s7, s29, $0xb8;
	[tilespmem:$0x1E880] =	vst v63  }
0x99: {  	_ =	swait.ge [sflag:s12], $0x3E80  }
0x9a: {  	[sflag:s12] =	ssyncset.done $0x0  }
0x9b: {  	s7 =	simm.s32 $0x14780;
	[sflag:s12] =	ssyncadd.s32 $0xFFFFC180  }
0x9c: {  	[spmem:s2] =	stream.indirect.scatter.add.f32 [tilespmem:s30], [sflag:$0x7], $0x80, s7, s29, $0xb8;
	[tilespmem:$0x1E880] =	vst v63  }
0x9d: {  	_ =	swait.ge [sflag:s25], $0x3E80  }
0x9e: {  	[sflag:s25] =	ssyncset.done $0x0  }
0x9f: {  	s7 =	simm.s32 $0x13C80;
	[sflag:s25] =	ssyncadd.s32 $0xFFFFC180  }
0xa0: {  	[tilespmem:s30], [sflag:$0x5] =	stream.indirect.gather [hbm4b:s4+s29], $0x80, s7, s29, $0xb8;
	[tilespmem:$0x1E880] =	vst v63  }
0xa1: {  	_ =	swait.ge [sflag:s5], $0x3E80  }
0xa2: {  	[sflag:s5] =	ssyncset.done $0x0  }
0xa3: {  	s7 =	simm.s32 $0x14800;
	[sflag:s5] =	ssyncadd.s32 $0xFFFFC180  }
0xa4: {  	[spmem:s2] =	stream.indirect.scatter.add.f32 [tilespmem:s1], [sflag:$0x7], $0x80, s7, s29, $0xb8;
	[tilespmem:$0x1E880] =	vst v63  }
0xa5: {  	_ =	swait.ge [sflag:s25], $0x3E80  }
0xa6: {  	[sflag:s25] =	ssyncset.done $0x0  }
0xa7: {  	s7 =	simm.s32 $0x13D00;
	[sflag:s25] =	ssyncadd.s32 $0xFFFFC180  }
0xa8: {  	[tilespmem:s1], [sflag:$0x6] =	stream.indirect.gather [hbm4b:s4+s29], $0x80, s7, s29, $0xb8;
	[tilespmem:$0x1E880] =	vst v63  }
0xa9: {  	_ =	swait.ge [sflag:s12], $0x3E80  }
0xaa: {  	[sflag:s12] =	ssyncset.done $0x0  }
0xab: {  	s7 =	simm.s32 $0x14880;
	[sflag:s12] =	ssyncadd.s32 $0xFFFFC180  }
0xac: {  	[spmem:s2] =	stream.indirect.scatter.add.f32 [tilespmem:s30], [sflag:$0x7], $0x80, s7, s29, $0xb8;
	[tilespmem:$0x1E880] =	vst v63  }
0xad: {  	_ =	swait.ge [sflag:s25], $0x3E80  }
0xae: {  	[sflag:s25] =	ssyncset.done $0x0  }
0xaf: {  	s7 =	simm.s32 $0x13D80;
	[sflag:s25] =	ssyncadd.s32 $0xFFFFC180  }
0xb0: {  	[tilespmem:s30], [sflag:$0x5] =	stream.indirect.gather [hbm4b:s4+s29], $0x80, s7, s29, $0xb8;
	[tilespmem:$0x1E880] =	vst v63  }
0xb1: {  	_ =	swait.ge [sflag:s5], $0x3E80  }
0xb2: {  	[sflag:s5] =	ssyncset.done $0x0  }
0xb3: {  	s7 =	simm.s32 $0x14900;
	[sflag:s5] =	ssyncadd.s32 $0xFFFFC180  }
0xb4: {  	[spmem:s2] =	stream.indirect.scatter.add.f32 [tilespmem:s1], [sflag:$0x7], $0x80, s7, s29, $0xb8;
	[tilespmem:$0x1E880] =	vst v63  }
0xb5: {  	_ =	swait.ge [sflag:s25], $0x3E80  }
0xb6: {  	[sflag:s25] =	ssyncset.done $0x0  }
0xb7: {  	s7 =	simm.s32 $0x13E00;
	[sflag:s25] =	ssyncadd.s32 $0xFFFFC180  }
0xb8: {  	[tilespmem:s1], [sflag:$0x6] =	stream.indirect.gather [hbm4b:s4+s29], $0x80, s7, s29, $0xb8;
	[tilespmem:$0x1E880] =	vst v63  }
0xb9: {  	_ =	swait.ge [sflag:s12], $0x3E80  }
0xba: {  	[sflag:s12] =	ssyncset.done $0x0  }
0xbb: {  	s7 =	simm.s32 $0x14980;
	[sflag:s12] =	ssyncadd.s32 $0xFFFFC180  }
0xbc: {  	[spmem:s2] =	stream.indirect.scatter.add.f32 [tilespmem:s30], [sflag:$0x7], $0x80, s7, s29, $0xb8;
	[tilespmem:$0x1E880] =	vst v63  }
0xbd: {  	_ =	swait.ge [sflag:s25], $0x3E80  }
0xbe: {  	[sflag:s25] =	ssyncset.done $0x0  }
0xbf: {  	s7 =	simm.s32 $0x13E80;
	[sflag:s25] =	ssyncadd.s32 $0xFFFFC180  }
0xc0: {  	[tilespmem:s30], [sflag:$0x5] =	stream.indirect.gather [hbm4b:s4+s29], $0x80, s7, s29, $0xb8;
	[tilespmem:$0x1E880] =	vst v63  }
0xc1: {  	_ =	swait.ge [sflag:s5], $0x3E80  }
0xc2: {  	[sflag:s5] =	ssyncset.done $0x0  }
0xc3: {  	s7 =	simm.s32 $0x14A00;
	[sflag:s5] =	ssyncadd.s32 $0xFFFFC180  }
0xc4: {  	[spmem:s2] =	stream.indirect.scatter.add.f32 [tilespmem:s1], [sflag:$0x7], $0x80, s7, s29, $0xb8;
	[tilespmem:$0x1E880] =	vst v63  }
0xc5: {  	_ =	swait.ge [sflag:s25], $0x3E80  }
0xc6: {  	[sflag:s25] =	ssyncset.done $0x0  }
0xc7: {  	s7 =	simm.s32 $0x13F00;
	[sflag:s25] =	ssyncadd.s32 $0xFFFFC180  }
0xc8: {  	[tilespmem:s1], [sflag:$0x6] =	stream.indirect.gather [hbm4b:s4+s29], $0x80, s7, s29, $0xb8;
	[tilespmem:$0x1E880] =	vst v63  }
0xc9: {  	_ =	swait.ge [sflag:s12], $0x3E80  }
0xca: {  	[sflag:s12] =	ssyncset.done $0x0  }
0xcb: {  	s7 =	simm.s32 $0x14A80;
	[sflag:s12] =	ssyncadd.s32 $0xFFFFC180  }
0xcc: {  	[spmem:s2] =	stream.indirect.scatter.add.f32 [tilespmem:s30], [sflag:$0x7], $0x80, s7, s29, $0xb8;
	[tilespmem:$0x1E880] =	vst v63  }
0xcd: {  	_ =	swait.ge [sflag:s25], $0x3E80  }
0xce: {  	[sflag:s25] =	ssyncset.done $0x0  }
0xcf: {  	s7 =	simm.s32 $0x13F80;
	[sflag:s25] =	ssyncadd.s32 $0xFFFFC180  }
0xd0: {  	[tilespmem:s30], [sflag:$0x5] =	stream.indirect.gather [hbm4b:s4+s29], $0x80, s7, s29, $0xb8;
	[tilespmem:$0x1E880] =	vst v63  }
0xd1: {  	_ =	swait.ge [sflag:s5], $0x3E80  }
0xd2: {  	[sflag:s5] =	ssyncset.done $0x0  }
0xd3: {  	s7 =	simm.s32 $0x14B00;
	[sflag:s5] =	ssyncadd.s32 $0xFFFFC180  }
0xd4: {  	[spmem:s2] =	stream.indirect.scatter.add.f32 [tilespmem:s1], [sflag:$0x7], $0x80, s7, s29, $0xb8;
	[tilespmem:$0x1E880] =	vst v63  }
0xd5: {  	_ =	swait.ge [sflag:s25], $0x3E80  }
0xd6: {  	[sflag:s25] =	ssyncset.done $0x0  }
0xd7: {  	s7 =	simm.s32 $0x14000;
	[sflag:s25] =	ssyncadd.s32 $0xFFFFC180  }
0xd8: {  	[tilespmem:s1], [sflag:$0x6] =	stream.indirect.gather [hbm4b:s4+s29], $0x80, s7, s29, $0xb8;
	[tilespmem:$0x1E880] =	vst v63  }
0xd9: {  	_ =	swait.ge [sflag:s12], $0x3E80  }
0xda: {  	[sflag:s12] =	ssyncset.done $0x0  }
0xdb: {  	s7 =	simm.s32 $0x14B80;
	[sflag:s12] =	ssyncadd.s32 $0xFFFFC180  }
0xdc: {  	[spmem:s2] =	stream.indirect.scatter.add.f32 [tilespmem:s30], [sflag:$0x7], $0x80, s7, s29, $0xb8;
	[tilespmem:$0x1E880] =	vst v63  }
0xdd: {  	_ =	swait.ge [sflag:s25], $0x3E80  }
0xde: {  	[sflag:s25] =	ssyncset.done $0x0  }
0xdf: {  	s7 =	simm.s32 $0x14080;
	[sflag:s25] =	ssyncadd.s32 $0xFFFFC180  }
0xe0: {  	[tilespmem:s30], [sflag:$0x5] =	stream.indirect.gather [hbm4b:s4+s29], $0x80, s7, s29, $0xb8;
	[tilespmem:$0x1E880] =	vst v63  }
0xe1: {  	_ =	swait.ge [sflag:s5], $0x3E80  }
0xe2: {  	[sflag:s5] =	ssyncset.done $0x0  }
0xe3: {  	s7 =	simm.s32 $0x14C00;
	[sflag:s5] =	ssyncadd.s32 $0xFFFFC180  }
0xe4: {  	[spmem:s2] =	stream.indirect.scatter.add.f32 [tilespmem:s1], [sflag:$0x7], $0x80, s7, s29, $0xb8;
	[tilespmem:$0x1E880] =	vst v63  }
0xe5: {  	_ =	swait.ge [sflag:s25], $0x3E80  }
0xe6: {  	[sflag:s25] =	ssyncset.done $0x0  }
0xe7: {  	s7 =	simm.s32 $0x14100;
	[sflag:s25] =	ssyncadd.s32 $0xFFFFC180  }
0xe8: {  	[tilespmem:s1], [sflag:$0x6] =	stream.indirect.gather [hbm4b:s4+s29], $0x80, s7, s29, $0xb8;
	[tilespmem:$0x1E880] =	vst v63  }
0xe9: {  	_ =	swait.ge [sflag:s12], $0x3E80  }
0xea: {  	[sflag:s12] =	ssyncset.done $0x0  }
0xeb: {  	s7 =	simm.s32 $0x14C80;
	[sflag:s12] =	ssyncadd.s32 $0xFFFFC180  }
0xec: {  	[spmem:s2] =	stream.indirect.scatter.add.f32 [tilespmem:s30], [sflag:$0x7], $0x80, s7, s29, $0xb8;
	[tilespmem:$0x1E880] =	vst v63  }
0xed: {  	_ =	swait.ge [sflag:s25], $0x3E80  }
0xee: {  	[sflag:s25] =	ssyncset.done $0x0  }
0xef: {  	s7 =	simm.s32 $0x14180;
	[sflag:s25] =	ssyncadd.s32 $0xFFFFC180  }
0xf0: {  	[tilespmem:s30], [sflag:$0x5] =	stream.indirect.gather [hbm4b:s4+s29], $0x80, s7, s29, $0xb8;
	[tilespmem:$0x1E880] =	vst v63  }
0xf1: {  	_ =	swait.ge [sflag:s5], $0x3E80  }
0xf2: {  	[sflag:s5] =	ssyncset.done $0x0  }
0xf3: {  	s7 =	simm.s32 $0x14D00;
	[sflag:s5] =	ssyncadd.s32 $0xFFFFC180  }
0xf4: {  	[spmem:s2] =	stream.indirect.scatter.add.f32 [tilespmem:s1], [sflag:$0x7], $0x80, s7, s29, $0xb8;
	[tilespmem:$0x1E880] =	vst v63  }
0xf5: {  	_ =	swait.ge [sflag:s25], $0x3E80  }
0xf6: {  	[sflag:s25] =	ssyncset.done $0x0  }
0xf7: {  	s7 =	simm.s32 $0x14200;
	[sflag:s25] =	ssyncadd.s32 $0xFFFFC180  }
0xf8: {  	[tilespmem:s1], [sflag:$0x6] =	stream.indirect.gather [hbm4b:s4+s29], $0x80, s7, s29, $0xb8;
	[tilespmem:$0x1E880] =	vst v63  }
0xf9: {  	_ =	swait.ge [sflag:s12], $0x3E80  }
0xfa: {  	[sflag:s12] =	ssyncset.done $0x0  }
0xfb: {  	s7 =	simm.s32 $0x14D80;
	[sflag:s12] =	ssyncadd.s32 $0xFFFFC180  }
0xfc: {  	[spmem:s2] =	stream.indirect.scatter.add.f32 [tilespmem:s30], [sflag:$0x7], $0x80, s7, s29, $0xb8;
	[tilespmem:$0x1E880] =	vst v63  }
0xfd: {  	_ =	swait.ge [sflag:s25], $0x3E80  }
0xfe: {  	[sflag:s25] =	ssyncset.done $0x0  }
0xff: {  	[sflag:s25] =	ssyncadd.s32 $0xFFFFC180  }
0x100: {  	_ =	swait.ge [sflag:s0], $0xA00  }
0x101: {  	[sflag:s0] =	ssyncset.done $0x0  }
0x102: {  	[sflag:s0] =	ssyncadd.s32 $0xFFFFF600  }
0x103: {  	[tilespmem:s30], [sflag:$0x5] =	stream.indirect.gather [hbm4b:s4+s29], $0x80, s23, s29, $0xb8;
	[tilespmem:$0x1E880] =	vst v63  }
0x104: {  	_ =	swait.ge [sflag:s5], $0x3E80  }
0x105: {  	[sflag:s5] =	ssyncset.done $0x0  }
0x106: {  	s7 =	simm.s32 $0x14E00;
	[sflag:s5] =	ssyncadd.s32 $0xFFFFC180  }
0x107: {  	[spmem:s2] =	stream.indirect.scatter.add.f32 [tilespmem:s1], [sflag:$0x7], $0x80, s7, s29, $0xb8;
	[tilespmem:$0x1E880] =	vst v63  }
0x108: {  	_ =	swait.ge [sflag:s25], $0x3E80  }
0x109: {  	[sflag:s25] =	ssyncset.done $0x0  }
0x10a: {  	s7 =	simm.s32 $0x15100;
	[sflag:s25] =	ssyncadd.s32 $0xFFFFC180  }
0x10b: {  	[tilespmem:s1], [sflag:$0x6] =	stream.indirect.gather [hbm4b:s4+s29], $0x80, s7, s29, $0xb8;
	[tilespmem:$0x1E880] =	vst v63  }
0x10c: {  	_ =	swait.ge [sflag:s31], $0xA00  }
0x10d: {  	[sflag:s31] =	ssyncset.done $0x0  }
0x10e: {  	s6 =	simm.s32 @p6 $0x0;
	s7 =	simm.s32 @p6 $0x13880;
	[sflag:s31] =	ssyncadd.s32 $0xFFFFF600  }
0x10f: {  	[tilespmem:s7], [sflag:$0x1] =	stream.linear.gather @p6 [hbm4b:s14+s6], $0xA00, $0x38;
	[tilespmem:$0x1E880] =	vst v63  }
0x110: {  	s7 =	simm.s32 @p6 $0x14480  }
0x111: {  	[tilespmem:s7], [sflag:$0x2] =	stream.linear.gather @p6 [hbm4b:s15+s6], $0xA00, $0x38;
	[tilespmem:$0x1E880] =	vst v63  }
0x112: {  	_ =	swait.ge [sflag:s12], $0x3E80  }
0x113: {  	[sflag:s12] =	ssyncset.done $0x0  }
0x114: {  	[sflag:s12] =	ssyncadd.s32 $0xFFFFC180  }
0x115: {  	[spmem:s2] =	stream.indirect.scatter.add.f32 [tilespmem:s30], [sflag:$0x7], $0x80, s24, s29, $0xb8;
	[tilespmem:$0x1E880] =	vst v63  }
0x116: {  	_ =	swait.ge [sflag:s25], $0x3E80  }
0x117: {  	[sflag:s25] =	ssyncset.done $0x0  }
0x118: {  	s7 =	simm.s32 $0x15180;
	[sflag:s25] =	ssyncadd.s32 $0xFFFFC180  }
0x119: {  	[tilespmem:s30], [sflag:$0x5] =	stream.indirect.gather [hbm4b:s4+s29], $0x80, s7, s29, $0xb8;
	[tilespmem:$0x1E880] =	vst v63  }
0x11a: {  	_ =	swait.ge [sflag:s5], $0x3E80  }
0x11b: {  	[sflag:s5] =	ssyncset.done $0x0  }
0x11c: {  	s7 =	simm.s32 $0x15D00;
	[sflag:s5] =	ssyncadd.s32 $0xFFFFC180  }
0x11d: {  	[spmem:s2] =	stream.indirect.scatter.add.f32 [tilespmem:s1], [sflag:$0x7], $0x80, s7, s29, $0xb8;
	[tilespmem:$0x1E880] =	vst v63  }
0x11e: {  	_ =	swait.ge [sflag:s25], $0x3E80  }
0x11f: {  	[sflag:s25] =	ssyncset.done $0x0  }
0x120: {  	s7 =	simm.s32 $0x15200;
	[sflag:s25] =	ssyncadd.s32 $0xFFFFC180  }
0x121: {  	[tilespmem:s1], [sflag:$0x6] =	stream.indirect.gather [hbm4b:s4+s29], $0x80, s7, s29, $0xb8;
	[tilespmem:$0x1E880] =	vst v63  }
0x122: {  	_ =	swait.ge [sflag:s12], $0x3E80  }
0x123: {  	[sflag:s12] =	ssyncset.done $0x0  }
0x124: {  	s7 =	simm.s32 $0x15D80;
	[sflag:s12] =	ssyncadd.s32 $0xFFFFC180  }
0x125: {  	[spmem:s2] =	stream.indirect.scatter.add.f32 [tilespmem:s30], [sflag:$0x7], $0x80, s7, s29, $0xb8;
	[tilespmem:$0x1E880] =	vst v63  }
0x126: {  	_ =	swait.ge [sflag:s25], $0x3E80  }
0x127: {  	[sflag:s25] =	ssyncset.done $0x0  }
0x128: {  	s7 =	simm.s32 $0x15280;
	[sflag:s25] =	ssyncadd.s32 $0xFFFFC180  }
0x129: {  	[tilespmem:s30], [sflag:$0x5] =	stream.indirect.gather [hbm4b:s4+s29], $0x80, s7, s29, $0xb8;
	[tilespmem:$0x1E880] =	vst v63  }
0x12a: {  	_ =	swait.ge [sflag:s5], $0x3E80  }
0x12b: {  	[sflag:s5] =	ssyncset.done $0x0  }
0x12c: {  	s7 =	simm.s32 $0x15E00;
	[sflag:s5] =	ssyncadd.s32 $0xFFFFC180  }
0x12d: {  	[spmem:s2] =	stream.indirect.scatter.add.f32 [tilespmem:s1], [sflag:$0x7], $0x80, s7, s29, $0xb8;
	[tilespmem:$0x1E880] =	vst v63  }
0x12e: {  	_ =	swait.ge [sflag:s25], $0x3E80  }
0x12f: {  	[sflag:s25] =	ssyncset.done $0x0  }
0x130: {  	s7 =	simm.s32 $0x15300;
	[sflag:s25] =	ssyncadd.s32 $0xFFFFC180  }
0x131: {  	[tilespmem:s1], [sflag:$0x6] =	stream.indirect.gather [hbm4b:s4+s29], $0x80, s7, s29, $0xb8;
	[tilespmem:$0x1E880] =	vst v63  }
0x132: {  	_ =	swait.ge [sflag:s12], $0x3E80  }
0x133: {  	[sflag:s12] =	ssyncset.done $0x0  }
0x134: {  	s7 =	simm.s32 $0x15E80;
	[sflag:s12] =	ssyncadd.s32 $0xFFFFC180  }
0x135: {  	[spmem:s2] =	stream.indirect.scatter.add.f32 [tilespmem:s30], [sflag:$0x7], $0x80, s7, s29, $0xb8;
	[tilespmem:$0x1E880] =	vst v63  }
0x136: {  	_ =	swait.ge [sflag:s25], $0x3E80  }
0x137: {  	[sflag:s25] =	ssyncset.done $0x0  }
0x138: {  	s7 =	simm.s32 $0x15380;
	[sflag:s25] =	ssyncadd.s32 $0xFFFFC180  }
0x139: {  	[tilespmem:s30], [sflag:$0x5] =	stream.indirect.gather [hbm4b:s4+s29], $0x80, s7, s29, $0xb8;
	[tilespmem:$0x1E880] =	vst v63  }
0x13a: {  	_ =	swait.ge [sflag:s5], $0x3E80  }
0x13b: {  	[sflag:s5] =	ssyncset.done $0x0  }
0x13c: {  	s7 =	simm.s32 $0x15F00;
	[sflag:s5] =	ssyncadd.s32 $0xFFFFC180  }
0x13d: {  	[spmem:s2] =	stream.indirect.scatter.add.f32 [tilespmem:s1], [sflag:$0x7], $0x80, s7, s29, $0xb8;
	[tilespmem:$0x1E880] =	vst v63  }
0x13e: {  	_ =	swait.ge [sflag:s25], $0x3E80  }
0x13f: {  	[sflag:s25] =	ssyncset.done $0x0  }
0x140: {  	s7 =	simm.s32 $0x15400;
	[sflag:s25] =	ssyncadd.s32 $0xFFFFC180  }
0x141: {  	[tilespmem:s1], [sflag:$0x6] =	stream.indirect.gather [hbm4b:s4+s29], $0x80, s7, s29, $0xb8;
	[tilespmem:$0x1E880] =	vst v63  }
0x142: {  	_ =	swait.ge [sflag:s12], $0x3E80  }
0x143: {  	[sflag:s12] =	ssyncset.done $0x0  }
0x144: {  	s7 =	simm.s32 $0x15F80;
	[sflag:s12] =	ssyncadd.s32 $0xFFFFC180  }
0x145: {  	[spmem:s2] =	stream.indirect.scatter.add.f32 [tilespmem:s30], [sflag:$0x7], $0x80, s7, s29, $0xb8;
	[tilespmem:$0x1E880] =	vst v63  }
0x146: {  	_ =	swait.ge [sflag:s25], $0x3E80  }
0x147: {  	[sflag:s25] =	ssyncset.done $0x0  }
0x148: {  	s7 =	simm.s32 $0x15480;
	[sflag:s25] =	ssyncadd.s32 $0xFFFFC180  }
0x149: {  	[tilespmem:s30], [sflag:$0x5] =	stream.indirect.gather [hbm4b:s4+s29], $0x80, s7, s29, $0xb8;
	[tilespmem:$0x1E880] =	vst v63  }
0x14a: {  	_ =	swait.ge [sflag:s5], $0x3E80  }
0x14b: {  	[sflag:s5] =	ssyncset.done $0x0  }
0x14c: {  	s7 =	simm.s32 $0x16000;
	[sflag:s5] =	ssyncadd.s32 $0xFFFFC180  }
0x14d: {  	[spmem:s2] =	stream.indirect.scatter.add.f32 [tilespmem:s1], [sflag:$0x7], $0x80, s7, s29, $0xb8;
	[tilespmem:$0x1E880] =	vst v63  }
0x14e: {  	_ =	swait.ge [sflag:s25], $0x3E80  }
0x14f: {  	[sflag:s25] =	ssyncset.done $0x0  }
0x150: {  	s7 =	simm.s32 $0x15500;
	[sflag:s25] =	ssyncadd.s32 $0xFFFFC180  }
0x151: {  	[tilespmem:s1], [sflag:$0x6] =	stream.indirect.gather [hbm4b:s4+s29], $0x80, s7, s29, $0xb8;
	[tilespmem:$0x1E880] =	vst v63  }
0x152: {  	_ =	swait.ge [sflag:s12], $0x3E80  }
0x153: {  	[sflag:s12] =	ssyncset.done $0x0  }
0x154: {  	s7 =	simm.s32 $0x16080;
	[sflag:s12] =	ssyncadd.s32 $0xFFFFC180  }
0x155: {  	[spmem:s2] =	stream.indirect.scatter.add.f32 [tilespmem:s30], [sflag:$0x7], $0x80, s7, s29, $0xb8;
	[tilespmem:$0x1E880] =	vst v63  }
0x156: {  	_ =	swait.ge [sflag:s25], $0x3E80  }
0x157: {  	[sflag:s25] =	ssyncset.done $0x0  }
0x158: {  	s7 =	simm.s32 $0x15580;
	[sflag:s25] =	ssyncadd.s32 $0xFFFFC180  }
0x159: {  	[tilespmem:s30], [sflag:$0x5] =	stream.indirect.gather [hbm4b:s4+s29], $0x80, s7, s29, $0xb8;
	[tilespmem:$0x1E880] =	vst v63  }
0x15a: {  	_ =	swait.ge [sflag:s5], $0x3E80  }
0x15b: {  	[sflag:s5] =	ssyncset.done $0x0  }
0x15c: {  	s7 =	simm.s32 $0x16100;
	[sflag:s5] =	ssyncadd.s32 $0xFFFFC180  }
0x15d: {  	[spmem:s2] =	stream.indirect.scatter.add.f32 [tilespmem:s1], [sflag:$0x7], $0x80, s7, s29, $0xb8;
	[tilespmem:$0x1E880] =	vst v63  }
0x15e: {  	_ =	swait.ge [sflag:s25], $0x3E80  }
0x15f: {  	[sflag:s25] =	ssyncset.done $0x0  }
0x160: {  	s7 =	simm.s32 $0x15600;
	[sflag:s25] =	ssyncadd.s32 $0xFFFFC180  }
0x161: {  	[tilespmem:s1], [sflag:$0x6] =	stream.indirect.gather [hbm4b:s4+s29], $0x80, s7, s29, $0xb8;
	[tilespmem:$0x1E880] =	vst v63  }
0x162: {  	_ =	swait.ge [sflag:s12], $0x3E80  }
0x163: {  	[sflag:s12] =	ssyncset.done $0x0  }
0x164: {  	s7 =	simm.s32 $0x16180;
	[sflag:s12] =	ssyncadd.s32 $0xFFFFC180  }
0x165: {  	[spmem:s2] =	stream.indirect.scatter.add.f32 [tilespmem:s30], [sflag:$0x7], $0x80, s7, s29, $0xb8;
	[tilespmem:$0x1E880] =	vst v63  }
0x166: {  	_ =	swait.ge [sflag:s25], $0x3E80  }
0x167: {  	[sflag:s25] =	ssyncset.done $0x0  }
0x168: {  	s7 =	simm.s32 $0x15680;
	[sflag:s25] =	ssyncadd.s32 $0xFFFFC180  }
0x169: {  	[tilespmem:s30], [sflag:$0x5] =	stream.indirect.gather [hbm4b:s4+s29], $0x80, s7, s29, $0xb8;
	[tilespmem:$0x1E880] =	vst v63  }
0x16a: {  	_ =	swait.ge [sflag:s5], $0x3E80  }
0x16b: {  	[sflag:s5] =	ssyncset.done $0x0  }
0x16c: {  	s7 =	simm.s32 $0x16200;
	[sflag:s5] =	ssyncadd.s32 $0xFFFFC180  }
0x16d: {  	[spmem:s2] =	stream.indirect.scatter.add.f32 [tilespmem:s1], [sflag:$0x7], $0x80, s7, s29, $0xb8;
	[tilespmem:$0x1E880] =	vst v63  }
0x16e: {  	_ =	swait.ge [sflag:s25], $0x3E80  }
0x16f: {  	[sflag:s25] =	ssyncset.done $0x0  }
0x170: {  	s7 =	simm.s32 $0x15700;
	[sflag:s25] =	ssyncadd.s32 $0xFFFFC180  }
0x171: {  	[tilespmem:s1], [sflag:$0x6] =	stream.indirect.gather [hbm4b:s4+s29], $0x80, s7, s29, $0xb8;
	[tilespmem:$0x1E880] =	vst v63  }
0x172: {  	_ =	swait.ge [sflag:s12], $0x3E80  }
0x173: {  	[sflag:s12] =	ssyncset.done $0x0  }
0x174: {  	s7 =	simm.s32 $0x16280;
	[sflag:s12] =	ssyncadd.s32 $0xFFFFC180  }
0x175: {  	[spmem:s2] =	stream.indirect.scatter.add.f32 [tilespmem:s30], [sflag:$0x7], $0x80, s7, s29, $0xb8;
	[tilespmem:$0x1E880] =	vst v63  }
0x176: {  	_ =	swait.ge [sflag:s25], $0x3E80  }
0x177: {  	[sflag:s25] =	ssyncset.done $0x0  }
0x178: {  	s7 =	simm.s32 $0x15780;
	[sflag:s25] =	ssyncadd.s32 $0xFFFFC180  }
0x179: {  	[tilespmem:s30], [sflag:$0x5] =	stream.indirect.gather [hbm4b:s4+s29], $0x80, s7, s29, $0xb8;
	[tilespmem:$0x1E880] =	vst v63  }
0x17a: {  	_ =	swait.ge [sflag:s5], $0x3E80  }
0x17b: {  	[sflag:s5] =	ssyncset.done $0x0  }
0x17c: {  	s7 =	simm.s32 $0x16300;
	[sflag:s5] =	ssyncadd.s32 $0xFFFFC180  }
0x17d: {  	[spmem:s2] =	stream.indirect.scatter.add.f32 [tilespmem:s1], [sflag:$0x7], $0x80, s7, s29, $0xb8;
	[tilespmem:$0x1E880] =	vst v63  }
0x17e: {  	_ =	swait.ge [sflag:s25], $0x3E80  }
0x17f: {  	[sflag:s25] =	ssyncset.done $0x0  }
0x180: {  	s7 =	simm.s32 $0x15800;
	[sflag:s25] =	ssyncadd.s32 $0xFFFFC180  }
0x181: {  	[tilespmem:s1], [sflag:$0x6] =	stream.indirect.gather [hbm4b:s4+s29], $0x80, s7, s29, $0xb8;
	[tilespmem:$0x1E880] =	vst v63  }
0x182: {  	_ =	swait.ge [sflag:s12], $0x3E80  }
0x183: {  	[sflag:s12] =	ssyncset.done $0x0  }
0x184: {  	s7 =	simm.s32 $0x16380;
	[sflag:s12] =	ssyncadd.s32 $0xFFFFC180  }
0x185: {  	[spmem:s2] =	stream.indirect.scatter.add.f32 [tilespmem:s30], [sflag:$0x7], $0x80, s7, s29, $0xb8;
	[tilespmem:$0x1E880] =	vst v63  }
0x186: {  	_ =	swait.ge [sflag:s25], $0x3E80  }
0x187: {  	[sflag:s25] =	ssyncset.done $0x0  }
0x188: {  	s7 =	simm.s32 $0x15880;
	[sflag:s25] =	ssyncadd.s32 $0xFFFFC180  }
0x189: {  	[tilespmem:s30], [sflag:$0x5] =	stream.indirect.gather [hbm4b:s4+s29], $0x80, s7, s29, $0xb8;
	[tilespmem:$0x1E880] =	vst v63  }
0x18a: {  	_ =	swait.ge [sflag:s5], $0x3E80  }
0x18b: {  	[sflag:s5] =	ssyncset.done $0x0  }
0x18c: {  	[sflag:s5] =	ssyncadd.s32 $0xFFFFC180  }
0x18d: {  	[spmem:s2] =	stream.indirect.scatter.add.f32 [tilespmem:s1], [sflag:$0x7], $0x80, s9, s29, $0xb8;
	[tilespmem:$0x1E880] =	vst v63  }
0x18e: {  	_ =	swait.ge [sflag:s25], $0x3E80  }
0x18f: {  	[sflag:s25] =	ssyncset.done $0x0  }
0x190: {  	[sflag:s25] =	ssyncadd.s32 $0xFFFFC180  }
0x191: {  	[tilespmem:s1], [sflag:$0x6] =	stream.indirect.gather [hbm4b:s4+s29], $0x80, s22, s29, $0xb8;
	[tilespmem:$0x1E880] =	vst v63  }
0x192: {  	_ =	swait.ge [sflag:s12], $0x3E80  }
0x193: {  	[sflag:s12] =	ssyncset.done $0x0  }
0x194: {  	[sflag:s12] =	ssyncadd.s32 $0xFFFFC180  }
0x195: {  	[spmem:s2] =	stream.indirect.scatter.add.f32 [tilespmem:s30], [sflag:$0x7], $0x80, s18, s29, $0xb8;
	[tilespmem:$0x1E880] =	vst v63  }
0x196: {  	_ =	swait.ge [sflag:s25], $0x3E80  }
0x197: {  	[sflag:s25] =	ssyncset.done $0x0  }
0x198: {  	[sflag:s25] =	ssyncadd.s32 $0xFFFFC180  }
0x199: {  	[tilespmem:s30], [sflag:$0x5] =	stream.indirect.gather [hbm4b:s4+s29], $0x80, s19, s29, $0xb8;
	[tilespmem:$0x1E880] =	vst v63  }
0x19a: {  	_ =	swait.ge [sflag:s5], $0x3E80  }
0x19b: {  	[sflag:s5] =	ssyncset.done $0x0  }
0x19c: {  	[sflag:s5] =	ssyncadd.s32 $0xFFFFC180  }
0x19d: {  	[spmem:s2] =	stream.indirect.scatter.add.f32 [tilespmem:s1], [sflag:$0x7], $0x80, s20, s29, $0xb8;
	[tilespmem:$0x1E880] =	vst v63  }
0x19e: {  	_ =	swait.ge [sflag:s25], $0x3E80  }
0x19f: {  	[sflag:s25] =	ssyncset.done $0x0  }
0x1a0: {  	[sflag:s25] =	ssyncadd.s32 $0xFFFFC180  }
0x1a1: {  	[tilespmem:s1], [sflag:$0x6] =	stream.indirect.gather [hbm4b:s4+s29], $0x80, s10, s29, $0xb8;
	[tilespmem:$0x1E880] =	vst v63  }
0x1a2: {  	_ =	swait.ge [sflag:s12], $0x3E80  }
0x1a3: {  	[sflag:s12] =	ssyncset.done $0x0  }
.Ltmp7:
0x1a4: {  	[sflag:s12] =	ssyncadd.s32 $0xFFFFC180;
	(pc) =	sbr.rel @!p6 .LBB2_10-.Ltmp7, $4  }
0x1a5: {  	[spmem:s2] =	stream.indirect.scatter.add.f32 [tilespmem:s30], [sflag:$0x7], $0x80, s11, s29, $0xb8;
	[tilespmem:$0x1E880] =	vst v63  }
0x1a6: {  	_ =	swait.ge [sflag:s25], $0x3E80  }
0x1a7: {  	[sflag:s25] =	ssyncset.done $0x0  }
0x1a8: {  	[sflag:s25] =	ssyncadd.s32 $0xFFFFC180  }
0x1a9: {  	_ =	swait.ge [sflag:s26], $0xA00  }
0x1aa: {  	[sflag:s26] =	ssyncset.done $0x0  }
0x1ab: {  	[sflag:s26] =	ssyncadd.s32 $0xFFFFF600  }
0x1ac: {  	[tilespmem:s30], [sflag:$0x5] =	stream.indirect.gather [hbm4b:s4+s29], $0x80, s21, s29, $0xb8;
	[tilespmem:$0x1E880] =	vst v63  }
0x1ad: {  	_ =	swait.ge [sflag:s5], $0x3E80  }
0x1ae: {  	[sflag:s5] =	ssyncset.done $0x0  }
0x1af: {  	[sflag:s5] =	ssyncadd.s32 $0xFFFFC180  }
0x1b0: {  	[spmem:s2] =	stream.indirect.scatter.add.f32 [tilespmem:s1], [sflag:$0x7], $0x80, s13, s29, $0xb8;
	[tilespmem:$0x1E880] =	vst v63  }
0x1b1: {  	_ =	swait.ge [sflag:s25], $0x3E80  }
0x1b2: {  	[sflag:s25] =	ssyncset.done $0x0  }
0x1b3: {  	s6 =	simm.s32 $0x13900;
	[sflag:s25] =	ssyncadd.s32 $0xFFFFC180  }
0x1b4: {  	[tilespmem:s1], [sflag:$0x6] =	stream.indirect.gather [hbm4b:s4+s29], $0x80, s6, s29, $0xb8;
	[tilespmem:$0x1E880] =	vst v63  }
0x1b5: {  	_ =	swait.ge [sflag:s28], $0xA00  }
.Ltmp8:
0x1b6: {  	[sflag:s28] =	ssyncset.done $0x0;
	(pc) =	sbr.rel .LBB2_8-.Ltmp8, $4  }
0x1b7: {  	[sflag:s28] =	ssyncadd.s32 $0xFFFFF600  }
0x1b8: {  	[tilespmem:s23], [sflag:$0x3] =	stream.linear.gather [hbm4b:s16+s3], $0xA00, $0x38;
	[tilespmem:$0x1E880] =	vst v63  }
0x1b9: {  	p6 =	por $0x0, $0x0  }
0x1ba: {  	[tilespmem:s24], [sflag:$0x4] =	stream.linear.gather [hbm4b:s17+s3], $0xA00, $0x38;
	[tilespmem:$0x1E880] =	vst v63  }
.LBB2_11:
0x1bb: {  	_ =	sfence.sel $0x180000  }
0x1bc: {  	[bflag:$0x0] =	sbarrier.arrive $0xFFFF  }
0x1bd: {  	_ =	strace $0x90000047  }
0x1be: {  	s0 =	stileid.u32;
	[bflag:$0x2] =	sbarrier.arrive $0xFFFF  }
0x1bf: {  	p0 =	sne.s32 s0, $0x0;
	s0 =	rddreg [dreg:$0x2]  }
0x1c0: {  	s0 =	sadd.s32 @!p0 $0x100000, s0  }
0x1c1: {  	[sflag:s0] =	ssyncadd.tile.s32 @!p0 $0x1;
	_ =	shalt  }
.Lfunc_end2:
_tile_overlayer_lowered:
.L_overlay_start_2:
0x1c2: {  	(tag) =	ssettag $0x2  }
0x1c3: {  	s0 =	rddreg [dreg:$0x0];
	s2 =	stileid.u32  }
0x1c4: {  	s1 =	rddreg [dreg:$0x1];
	p0 =	sne.s32 s2, $0x0  }
0x1c5: {  	s3 =	rddreg [dreg:$0x2];
	[bflag:$0x3] =	sbarrier.arrive $0xFFFF;
	s2 =	simm.s32 @!p0 $0x1C07  }
0x1c6: {  	[timem:s3], [sflag:s2] =	dma.local @!p0 [hbm:s0], s1  }
0x1c7: {  	s0 =	simm.s32 @!p0 $0x7  }
0x1c8: {  	_ =	swait.ge @!p0 [sflag:s0], s1  }
0x1c9: {  	s1 =	ssub.s32 @!p0 $0x0, s1;
	[sflag:s0] =	ssyncset.done @!p0 $0x0  }
0x1ca: {  	[sflag:s0] =	ssyncadd.s32 @!p0 s1  }
0x1cb: {  	[bflag:$0x3] =	sbarrier.arrive $0xFFFF  }
0x1cc: {  	_ =	shalt  }

</sc_bundles>
